<compile_context>
chip_gen: v7x
topology: tpu7x:2x2x1
jax: 0.10.2.dev20260603
libtpu: 0.0.44.dev20260713+nightly
codegen_flags: <defaults>
</compile_context>

<pallas_src>
import functools

import jax
import jax.numpy as jnp
from jax import lax
from jax.experimental import pallas as pl
from jax.experimental.pallas import tpu as pltpu
from jax.experimental.pallas import tpu_sc as plsc

N = 10000
E = 320000
D_IN = 128
D_HID = 64
D_OUT = 128

NC = 2
NS = 16
EB = 125
E_ROWS = E // EB
NB = E_ROWS // NC // NS


@functools.lru_cache(maxsize=None)
def _mesh():
  return plsc.VectorSubcoreMesh(
      core_axis_name="c", subcore_axis_name="s", num_cores=NC, num_subcores=NS)


def _deg_body(dst_hbm, zeros_hbm, ones_hbm, out_hbm, deg_sh, ones_v, idx_v):
  c = lax.axis_index("c")
  s = lax.axis_index("s")
  base = c * (E_ROWS // NC) + s * NB
  pltpu.sync_copy(dst_hbm.at[pl.ds(base, NB)], idx_v)
  @pl.when(s == 0)
  def _():
    pltpu.sync_copy(zeros_hbm, deg_sh)
  pltpu.sync_copy(ones_hbm, ones_v)
  plsc.subcore_barrier()

  def blk(j, _):
    pltpu.sync_copy(ones_v, deg_sh.at[idx_v.at[j]], add=True)
    return 0

  lax.fori_loop(0, NB, blk, 0)
  plsc.subcore_barrier()

  @pl.when(s == 0)
  def _():
    pltpu.sync_copy(deg_sh, out_hbm.at[:, pl.ds(16 * c, 16)])


@functools.lru_cache(maxsize=None)
def _deg_kernel():
  return pl.kernel(
      _deg_body,
      out_type=jax.ShapeDtypeStruct((N, 128), jnp.float32),
      mesh=_mesh(),
      compiler_params=pltpu.CompilerParams(use_tc_tiling_on_sc=False),
      scratch_types=[
          pltpu.VMEM_SHARED((N, 16), jnp.float32),
          pltpu.VMEM((EB, 16), jnp.float32),
          pltpu.VMEM((NB, EB), jnp.int32),
      ],
  )


def _pair_pipeline(gather_ref, agg_sh, src_v, dst_v, rows0, rows1,
                   sem0, sem1, j_lo, j_hi):
  pltpu.async_copy(gather_ref.at[src_v.at[j_lo]], rows0, sem0)

  def pair(k, _):
    j0 = j_lo + 2 * k
    j1 = j0 + 1
    pltpu.async_copy(gather_ref.at[src_v.at[j1]], rows1, sem1)
    pltpu.make_async_copy(gather_ref.at[src_v.at[j0]], rows0, sem0).wait()
    pltpu.sync_copy(rows0, agg_sh.at[dst_v.at[j0]], add=True)

    @pl.when(j0 + 2 < j_hi)
    def _():
      pltpu.async_copy(gather_ref.at[src_v.at[j0 + 2]], rows0, sem0)

    pltpu.make_async_copy(gather_ref.at[src_v.at[j1]], rows1, sem1).wait()
    pltpu.sync_copy(rows1, agg_sh.at[dst_v.at[j1]], add=True)
    return 0

  lax.fori_loop(0, (j_hi - j_lo) // 2, pair, 0)


def _agg_body(d, crows, spmem_blocks, p_hbm, zeros_hbm, src_hbm, dst_hbm,
              out_hbm, agg_sh, src_v, dst_v, rows0, rows1, sem0, sem1,
              *maybe_p_sh):
  c = lax.axis_index("c")
  s = lax.axis_index("s")
  base = c * (E_ROWS // NC) + s * NB

  for t in range(NB // crows):
    pltpu.sync_copy(src_hbm.at[pl.ds(base + t * crows, crows)], src_v)
    pltpu.sync_copy(dst_hbm.at[pl.ds(base + t * crows, crows)], dst_v)
    if t == 0:
      @pl.when(s == 0)
      def _():
        pltpu.sync_copy(zeros_hbm, agg_sh)
        if spmem_blocks:
          pltpu.sync_copy(p_hbm, maybe_p_sh[0])
      plsc.subcore_barrier()

    if spmem_blocks:
      _pair_pipeline(maybe_p_sh[0], agg_sh, src_v, dst_v, rows0, rows1,
                     sem0, sem1, 0, spmem_blocks)
    if d == 128:
      _pair_pipeline(p_hbm, agg_sh, src_v, dst_v, rows0, rows1,
                     sem0, sem1, spmem_blocks, crows)
    else:
      bufs = (rows0, rows1, maybe_p_sh[-2], maybe_p_sh[-1])
      gsems = sem0
      ssems = sem1

      def quad(k, _):
        j = 4 * k
        for i in range(4):
          @pl.when(k > 0)
          def _():
            pltpu.make_async_copy(
                bufs[i], agg_sh.at[dst_v.at[j + i - 4]], ssems.at[i]).wait()
          pltpu.async_copy(p_hbm.at[src_v.at[j + i]], bufs[i], gsems.at[i])
        for i in range(4):
          pltpu.make_async_copy(
              p_hbm.at[src_v.at[j + i]], bufs[i], gsems.at[i]).wait()
          pltpu.async_copy(bufs[i], agg_sh.at[dst_v.at[j + i]], ssems.at[i],
                           add=True)
        return 0

      lax.fori_loop(0, crows // 4, quad, 0)
      for i in range(4):
        pltpu.make_async_copy(
            bufs[i], agg_sh.at[dst_v.at[crows + i - 4]], ssems.at[i]).wait()
  plsc.subcore_barrier()

  @pl.when(s == 0)
  def _():
    if d == 128:
      pltpu.sync_copy(agg_sh, out_hbm.at[pl.ds(c * N, N)])
    else:
      pltpu.sync_copy(agg_sh, out_hbm.at[:, pl.ds(d * c, d)])


@functools.lru_cache(maxsize=None)
def _make_agg_kernel(d, crows, spmem_blocks):
  if d == 128:
    sems = [pltpu.SemaphoreType.DMA, pltpu.SemaphoreType.DMA]
    extra = []
  else:
    sems = [pltpu.SemaphoreType.DMA((4,)), pltpu.SemaphoreType.DMA((4,))]
    extra = [pltpu.VMEM((EB, d), jnp.float32),
             pltpu.VMEM((EB, d), jnp.float32)]
  scratch = [
      pltpu.VMEM_SHARED((N, d), jnp.float32),
      pltpu.VMEM((crows, EB), jnp.int32),
      pltpu.VMEM((crows, EB), jnp.int32),
      pltpu.VMEM((EB, d), jnp.float32),
      pltpu.VMEM((EB, d), jnp.float32),
  ] + sems + extra
  if spmem_blocks:
    scratch.append(pltpu.VMEM_SHARED((N, d), jnp.float32))
  out_shape = (NC * N, d) if d == 128 else (N, NC * d)
  return pl.kernel(
      functools.partial(_agg_body, d, crows, spmem_blocks),
      out_type=jax.ShapeDtypeStruct(out_shape, jnp.float32),
      mesh=_mesh(),
      compiler_params=pltpu.CompilerParams(use_tc_tiling_on_sc=False),
      scratch_types=scratch,
  )



_BN = 1000
_GRID = N // _BN


def _k1a_body(x_ref, w_ref, h_ref):
  h_ref[...] = jnp.dot(x_ref[...], w_ref[...],
                       preferred_element_type=jnp.float32)


def _tc1a(x, W1):
  return pl.pallas_call(
      _k1a_body,
      grid=(_GRID,),
      in_specs=[
          pl.BlockSpec((_BN, D_IN), lambda i: (i, 0)),
          pl.BlockSpec((D_IN, D_HID), lambda i: (0, 0)),
      ],
      out_specs=pl.BlockSpec((_BN, D_HID), lambda i: (i, 0)),
      out_shape=jax.ShapeDtypeStruct((N, D_HID), jnp.float32),
  )(x, W1)


def _k1b_body(degp_ref, h_ref, p_ref, dis_ref):
  deg = degp_ref[:, :1] + degp_ref[:, 16:17] + 1.0
  dis = lax.rsqrt(deg)
  dis_ref[...] = dis
  p_ref[...] = h_ref[...] * dis


def _tc1b(degp, h1):
  return pl.pallas_call(
      _k1b_body,
      grid=(_GRID,),
      in_specs=[
          pl.BlockSpec((_BN, 128), lambda i: (i, 0)),
          pl.BlockSpec((_BN, D_HID), lambda i: (i, 0)),
      ],
      out_specs=[
          pl.BlockSpec((_BN, D_HID), lambda i: (i, 0)),
          pl.BlockSpec((_BN, 1), lambda i: (i, 0)),
      ],
      out_shape=[
          jax.ShapeDtypeStruct((N, D_HID), jnp.float32),
          jax.ShapeDtypeStruct((N, 1), jnp.float32),
      ],
  )(degp, h1)


def _k2_body(agg_ref, p_ref, dis_ref, b_ref, w_ref, out_ref):
  dis = dis_ref[...]
  agg = agg_ref[:, :D_HID] + agg_ref[:, D_HID:]
  z = dis * (agg + p_ref[...]) + b_ref[...]
  z = jnp.maximum(z, 0.0)
  h = jnp.dot(z, w_ref[...], preferred_element_type=jnp.float32)
  out_ref[...] = h * dis


def _tc2(agg, p, dis, b, W, d_out):
  return pl.pallas_call(
      _k2_body,
      grid=(_GRID,),
      in_specs=[
          pl.BlockSpec((_BN, NC * D_HID), lambda i: (i, 0)),
          pl.BlockSpec((_BN, D_HID), lambda i: (i, 0)),
          pl.BlockSpec((_BN, 1), lambda i: (i, 0)),
          pl.BlockSpec((1, D_HID), lambda i: (0, 0)),
          pl.BlockSpec((D_HID, d_out), lambda i: (0, 0)),
      ],
      out_specs=pl.BlockSpec((_BN, d_out), lambda i: (i, 0)),
      out_shape=jax.ShapeDtypeStruct((N, d_out), jnp.float32),
  )(agg, p, dis, b, W)


def _k4_body(agga_ref, aggb_ref, p_ref, dis_ref, b_ref, out_ref):
  out_ref[...] = dis_ref[...] * (
      agga_ref[...] + aggb_ref[...] + p_ref[...]) + b_ref[...]


def _tc4(agg3, p3, dis, b3):
  return pl.pallas_call(
      _k4_body,
      grid=(_GRID,),
      in_specs=[
          pl.BlockSpec((_BN, D_OUT), lambda i: (i, 0)),
          pl.BlockSpec((_BN, D_OUT), lambda i: (i + _GRID, 0)),
          pl.BlockSpec((_BN, D_OUT), lambda i: (i, 0)),
          pl.BlockSpec((_BN, 1), lambda i: (i, 0)),
          pl.BlockSpec((1, D_OUT), lambda i: (0, 0)),
      ],
      out_specs=pl.BlockSpec((_BN, D_OUT), lambda i: (i, 0)),
      out_shape=jax.ShapeDtypeStruct((N, D_OUT), jnp.float32),
  )(agg3, agg3, p3, dis, b3)


def kernel(x, edge_index, W1, b1, W2, b2, W3, b3):
  ei = edge_index.astype(jnp.int32)
  src = ei[0].reshape(E_ROWS, EB)
  dst = ei[1].reshape(E_ROWS, EB)

  zeros64 = jnp.zeros((N, D_HID), jnp.float32)
  zeros128 = jnp.zeros((N, D_OUT), jnp.float32)
  zeros16 = jnp.zeros((N, 16), jnp.float32)
  ones125 = jnp.ones((EB, 16), jnp.float32)

  degp = _deg_kernel()(dst, zeros16, ones125)

  h1 = _tc1a(x, W1)
  p1, dis = _tc1b(degp, h1)
  agg1 = _make_agg_kernel(D_HID, 80, 0)(p1, zeros64, src, dst)
  p2 = _tc2(agg1, p1, dis, b1.reshape(1, D_HID), W2, D_HID)
  agg2 = _make_agg_kernel(D_HID, 80, 0)(p2, zeros64, src, dst)
  p3 = _tc2(agg2, p2, dis, b2.reshape(1, D_HID), W3, D_OUT)
  agg3 = _make_agg_kernel(D_OUT, 40, 0)(p3, zeros128, src, dst)
  return _tc4(agg3, p3, dis, b3.reshape(1, D_OUT))

# --- scband reference (transcript-rebuilt; emitter-appended) ---
"""Pipeline reference for scband-net-28312424415416 (READ-ONLY COPY).

The authoritative reference and input builder live on the scoring server;
editing this copy changes nothing except your own understanding.
"""

import jax, jax.numpy as jnp
import numpy as np

N_NODES = 10000
N_EDGES = 320000
D_IN = 128
D_HID = 64
D_OUT = 128


def glorot(key, shape):
    fan_in, fan_out = shape[0], shape[1]
    limit = jnp.sqrt(6.0 / (fan_in + fan_out))
    return jax.random.uniform(key, shape, minval=-limit, maxval=limit, dtype=jnp.float32)


def setup_inputs(seed: int = 0) -> dict:
    key = jax.random.key(seed)
    ks = jax.random.split(key, 8)
    x = jax.random.normal(ks[0], (N_NODES, D_IN), dtype=jnp.float32)
    edge_index = jax.random.randint(ks[1], (2, N_EDGES), 0, N_NODES, dtype=jnp.int64)
    W1 = glorot(ks[2], (D_IN, D_HID))
    b1 = jnp.zeros((D_HID,), dtype=jnp.float32)
    W2 = glorot(ks[3], (D_HID, D_HID))
    b2 = jnp.zeros((D_HID,), dtype=jnp.float32)
    W3 = glorot(ks[4], (D_HID, D_OUT))
    b3 = jnp.zeros((D_OUT,), dtype=jnp.float32)
    return {"x": x, "edge_index": edge_index, "W1": W1, "b1": b1, "W2": W2, "b2": b2, "W3": W3, "b3": b3}


def gcn_conv(x, edge_index, W, b):
    # GCNConv: out = D^{-1/2} (A + I) D^{-1/2} X W + b
    n = x.shape[0]
    h = x @ W
    loop = jnp.arange(n, dtype=edge_index.dtype)
    src = jnp.concatenate([edge_index[0], loop])
    dst = jnp.concatenate([edge_index[1], loop])
    deg = jnp.zeros((n,), dtype=h.dtype).at[dst].add(1.0)
    deg_inv_sqrt = jnp.where(deg > 0, jax.lax.rsqrt(jnp.maximum(deg, 1e-12)), 0.0)
    norm = deg_inv_sqrt[src] * deg_inv_sqrt[dst]
    msg = h[src] * norm[:, None]
    out = jnp.zeros((n, h.shape[1]), dtype=h.dtype).at[dst].add(msg)
    return out + b


def reference(x, edge_index, W1, b1, W2, b2, W3, b3):
    h = gcn_conv(x, edge_index, W1, b1)
    h = jax.nn.relu(h)
    h = gcn_conv(h, edge_index, W2, b2)
    h = jax.nn.relu(h)
    out = gcn_conv(h, edge_index, W3, b3)
    return out

if __name__ == "__main__":
    import jax
    _d = setup_inputs()
    print(jax.jit(kernel)(*tuple(_d.values())))

</pallas_src>

<mosaic_0001>
#map = affine_map<(d0, d1) -> (0, 0)>
module attributes {stable_mosaic.version = 14 : i64} {
  func.func @_agg_body(%arg0: i32, %arg1: i32, %arg2: memref<10000x64xf32, #tpu.memory_space<hbm>>, %arg3: memref<10000x64xf32, #tpu.memory_space<hbm>>, %arg4: memref<2560x125xi32, #tpu.memory_space<hbm>>, %arg5: memref<2560x125xi32, #tpu.memory_space<hbm>>, %arg6: memref<10000x128xf32, #tpu.memory_space<hbm>>, %arg7: memref<10000x64xf32, #tpu.memory_space<vmem_shared>>, %arg8: memref<80x125xi32, #tpu.memory_space<vmem>>, %arg9: memref<80x125xi32, #tpu.memory_space<vmem>>, %arg10: memref<125x64xf32, #tpu.memory_space<vmem>>, %arg11: memref<125x64xf32, #tpu.memory_space<vmem>>, %arg12: memref<4x!tpu.dma_semaphore, #tpu.memory_space<semaphore_mem>>, %arg13: memref<4x!tpu.dma_semaphore, #tpu.memory_space<semaphore_mem>>, %arg14: memref<125x64xf32, #tpu.memory_space<vmem>>, %arg15: memref<125x64xf32, #tpu.memory_space<vmem>>) attributes {dimension_semantics = [#tpu.dimension_semantics<core_parallel>, #tpu.dimension_semantics<subcore_parallel>], iteration_bounds = array<i64: 2, 16>, scalar_prefetch = 0 : i64, scratch_operands = 9 : i64, tpu.core_type = #tpu.core_type<sc_vector_subcore>, window_params = [{transform_indices = #map}, {transform_indices = #map}, {transform_indices = #map}, {transform_indices = #map}, {transform_indices = #map}]} {
    %mul3A = arith.constant 1280 : i32
    %mul3A_0 = arith.muli %arg0, %mul3A : i32
    %mul3A_1 = arith.constant 80 : i32
    %mul3A_2 = arith.muli %arg1, %mul3A_1 : i32
    %add3A = arith.addi %mul3A_0, %mul3A_2 : i32
    %add3A_3 = arith.constant 0 : i32
    %add3A_4 = arith.addi %add3A, %add3A_3 : i32
    "tpu.region"() ({
      %run_scoped3A = tpu.sem_alloc : memref<!tpu.dma_semaphore, #tpu.memory_space<semaphore_mem>>
      %dma_start3A = arith.constant 0 : i32
      %dma_start3A_60 = tpu.memref_slice %arg4[%add3A_4, %dma_start3A] : memref<2560x125xi32, #tpu.memory_space<hbm>> -> memref<80x125xi32, #tpu.memory_space<hbm>>
      %dma_start3A_61 = arith.constant 0 : i32
      %dma_start3A_62 = tpu.memref_slice %arg4[%add3A_4, %dma_start3A_61] : memref<2560x125xi32, #tpu.memory_space<hbm>> -> memref<80x125xi32, #tpu.memory_space<hbm>>
      tpu.enqueue_dma source(%dma_start3A_62 : memref<80x125xi32, #tpu.memory_space<hbm>>) target(%arg8 : memref<80x125xi32, #tpu.memory_space<vmem>>) target_semaphore(%run_scoped3A : memref<!tpu.dma_semaphore, #tpu.memory_space<semaphore_mem>>)
      %dma_wait3A_63 = arith.constant 0 : i32
      %dma_wait3A_64 = tpu.memref_slice %arg4[%add3A_4, %dma_wait3A_63] : memref<2560x125xi32, #tpu.memory_space<hbm>> -> memref<80x125xi32, #tpu.memory_space<hbm>>
      %dma_wait3A_65 = arith.constant 0 : i32
      %dma_wait3A_66 = tpu.memref_slice %arg4[%add3A_4, %dma_wait3A_65] : memref<2560x125xi32, #tpu.memory_space<hbm>> -> memref<80x125xi32, #tpu.memory_space<hbm>>
      tpu.wait_dma2 semaphore(%run_scoped3A : memref<!tpu.dma_semaphore, #tpu.memory_space<semaphore_mem>>) src(%dma_wait3A_66 : memref<80x125xi32, #tpu.memory_space<hbm>>) dst(%arg8 : memref<80x125xi32, #tpu.memory_space<vmem>>)
      tpu.yield
    }) : () -> ()
    %add3A_5 = arith.constant 0 : i32
    %add3A_6 = arith.addi %add3A, %add3A_5 : i32
    "tpu.region"() ({
      %run_scoped3A = tpu.sem_alloc : memref<!tpu.dma_semaphore, #tpu.memory_space<semaphore_mem>>
      %dma_start3A = arith.constant 0 : i32
      %dma_start3A_60 = tpu.memref_slice %arg5[%add3A_6, %dma_start3A] : memref<2560x125xi32, #tpu.memory_space<hbm>> -> memref<80x125xi32, #tpu.memory_space<hbm>>
      %dma_start3A_61 = arith.constant 0 : i32
      %dma_start3A_62 = tpu.memref_slice %arg5[%add3A_6, %dma_start3A_61] : memref<2560x125xi32, #tpu.memory_space<hbm>> -> memref<80x125xi32, #tpu.memory_space<hbm>>
      tpu.enqueue_dma source(%dma_start3A_62 : memref<80x125xi32, #tpu.memory_space<hbm>>) target(%arg9 : memref<80x125xi32, #tpu.memory_space<vmem>>) target_semaphore(%run_scoped3A : memref<!tpu.dma_semaphore, #tpu.memory_space<semaphore_mem>>)
      %dma_wait3A_63 = arith.constant 0 : i32
      %dma_wait3A_64 = tpu.memref_slice %arg5[%add3A_6, %dma_wait3A_63] : memref<2560x125xi32, #tpu.memory_space<hbm>> -> memref<80x125xi32, #tpu.memory_space<hbm>>
      %dma_wait3A_65 = arith.constant 0 : i32
      %dma_wait3A_66 = tpu.memref_slice %arg5[%add3A_6, %dma_wait3A_65] : memref<2560x125xi32, #tpu.memory_space<hbm>> -> memref<80x125xi32, #tpu.memory_space<hbm>>
      tpu.wait_dma2 semaphore(%run_scoped3A : memref<!tpu.dma_semaphore, #tpu.memory_space<semaphore_mem>>) src(%dma_wait3A_66 : memref<80x125xi32, #tpu.memory_space<hbm>>) dst(%arg9 : memref<80x125xi32, #tpu.memory_space<vmem>>)
      tpu.yield
    }) : () -> ()
    %eq3A = arith.constant 0 : i32
    %eq3A_7 = arith.cmpi eq, %arg1, %eq3A : i32
    %convert_element_type3A = arith.extui %eq3A_7 : i1 to i32
    %cond3A = arith.constant 0 : i32
    %cond3A_8 = arith.cmpi ne, %convert_element_type3A, %cond3A : i32
    scf.if %cond3A_8 {
      "tpu.region"() ({
        %run_scoped3A = tpu.sem_alloc : memref<!tpu.dma_semaphore, #tpu.memory_space<semaphore_mem>>
        tpu.enqueue_dma source(%arg3 : memref<10000x64xf32, #tpu.memory_space<hbm>>) target(%arg7 : memref<10000x64xf32, #tpu.memory_space<vmem_shared>>) target_semaphore(%run_scoped3A : memref<!tpu.dma_semaphore, #tpu.memory_space<semaphore_mem>>)
        tpu.wait_dma2 semaphore(%run_scoped3A : memref<!tpu.dma_semaphore, #tpu.memory_space<semaphore_mem>>) src(%arg3 : memref<10000x64xf32, #tpu.memory_space<hbm>>) dst(%arg7 : memref<10000x64xf32, #tpu.memory_space<vmem_shared>>)
        tpu.yield
      }) : () -> ()
    } else {
    }
    %barrier3A = arith.constant 0 : index
    tpu.barrier barrier_id(%barrier3A)
    %scan3A = arith.constant 0 : i32
    %scan3A_9 = arith.constant 0 : i32
    %scan3A_10 = arith.constant 20 : i32
    %scan3A_11 = arith.addi %scan3A_9, %scan3A_10 : i32
    %scan3A_12 = arith.constant 1 : i32
    %scan3A_13 = scf.for %scan3A_60 = %scan3A_9 to %scan3A_11 step %scan3A_12 iter_args(%scan3A_61 = %scan3A) -> (i32)  : i32 {
      %mul3A_62 = arith.constant 4 : i32
      %mul3A_63 = arith.muli %mul3A_62, %scan3A_60 : i32
      %gt3A = arith.constant 0 : i32
      %gt3A_64 = arith.cmpi sgt, %scan3A_60, %gt3A : i32
      %convert_element_type3A_65 = arith.extui %gt3A_64 : i1 to i32
      %cond3A_66 = arith.constant 0 : i32
      %cond3A_67 = arith.cmpi ne, %convert_element_type3A_65, %cond3A_66 : i32
      scf.if %cond3A_67 {
        %add3A_215 = arith.constant 0 : i32
        %add3A_216 = arith.addi %mul3A_63, %add3A_215 : i32
        %sub3A = arith.constant 4 : i32
        %sub3A_217 = arith.subi %add3A_216, %sub3A : i32
        %dma_wait3A_218 = arith.constant 0 : i32
        %dma_wait3A_219 = arith.constant 0 : i32
        %dma_wait3A_220 = tpu.memref_slice %arg9[%sub3A_217, %dma_wait3A_219] : memref<80x125xi32, #tpu.memory_space<vmem>> -> memref<1x125xi32, #tpu.memory_space<vmem>>
        %dma_wait3A_221 = tpu.memref_squeeze %dma_wait3A_220 : memref<1x125xi32, #tpu.memory_space<vmem>> -> memref<125xi32, #tpu.memory_space<vmem>>
        %dma_wait3A_222 = arith.constant 0 : i32
        %dma_wait3A_223 = arith.constant 0 : i32
        %dma_wait3A_224 = tpu.memref_slice %arg7[%dma_wait3A_222, %dma_wait3A_223] : memref<10000x64xf32, #tpu.memory_space<vmem_shared>> -> memref<10000x64xf32, #tpu.memory_space<vmem_shared>>
        %dma_wait3A_225 = tpu.memref_slice %arg13[%dma_wait3A_218] : memref<4x!tpu.dma_semaphore, #tpu.memory_space<semaphore_mem>> -> memref<1x!tpu.dma_semaphore, #tpu.memory_space<semaphore_mem>>
        %dma_wait3A_226 = tpu.memref_squeeze %dma_wait3A_225 : memref<1x!tpu.dma_semaphore, #tpu.memory_space<semaphore_mem>> -> memref<!tpu.dma_semaphore, #tpu.memory_space<semaphore_mem>>
        tpu.wait_indirect_dma semaphore(%dma_wait3A_226 : memref<!tpu.dma_semaphore, #tpu.memory_space<semaphore_mem>>) src(%arg10 : memref<125x64xf32, #tpu.memory_space<vmem>>) dst(%dma_wait3A_224 : memref<10000x64xf32, #tpu.memory_space<vmem_shared>>)
      } else {
      }
      %add3A_68 = arith.constant 0 : i32
      %add3A_69 = arith.addi %mul3A_63, %add3A_68 : i32
      %dma_start3A = arith.constant 0 : i32
      %dma_start3A_70 = arith.constant 0 : i32
      %dma_start3A_71 = tpu.memref_slice %arg8[%add3A_69, %dma_start3A_70] : memref<80x125xi32, #tpu.memory_space<vmem>> -> memref<1x125xi32, #tpu.memory_space<vmem>>
      %dma_start3A_72 = tpu.memref_squeeze %dma_start3A_71 : memref<1x125xi32, #tpu.memory_space<vmem>> -> memref<125xi32, #tpu.memory_space<vmem>>
      %dma_start3A_73 = arith.constant 0 : i32
      %dma_start3A_74 = arith.constant 0 : i32
      %dma_start3A_75 = tpu.memref_slice %arg2[%dma_start3A_73, %dma_start3A_74] : memref<10000x64xf32, #tpu.memory_space<hbm>> -> memref<10000x64xf32, #tpu.memory_space<hbm>>
      %dma_start3A_76 = tpu.memref_slice %arg12[%dma_start3A] : memref<4x!tpu.dma_semaphore, #tpu.memory_space<semaphore_mem>> -> memref<1x!tpu.dma_semaphore, #tpu.memory_space<semaphore_mem>>
      %dma_start3A_77 = tpu.memref_squeeze %dma_start3A_76 : memref<1x!tpu.dma_semaphore, #tpu.memory_space<semaphore_mem>> -> memref<!tpu.dma_semaphore, #tpu.memory_space<semaphore_mem>>
      tpu.enqueue_indirect_dma source(%dma_start3A_75 : memref<10000x64xf32, #tpu.memory_space<hbm>>) target(%arg10 : memref<125x64xf32, #tpu.memory_space<vmem>>) offsets(%dma_start3A_72 : memref<125xi32, #tpu.memory_space<vmem>>) semaphore(%dma_start3A_77 : memref<!tpu.dma_semaphore, #tpu.memory_space<semaphore_mem>>)
      %gt3A_78 = arith.constant 0 : i32
      %gt3A_79 = arith.cmpi sgt, %scan3A_60, %gt3A_78 : i32
      %convert_element_type3A_80 = arith.extui %gt3A_79 : i1 to i32
      %cond3A_81 = arith.constant 0 : i32
      %cond3A_82 = arith.cmpi ne, %convert_element_type3A_80, %cond3A_81 : i32
      scf.if %cond3A_82 {
        %add3A_215 = arith.constant 1 : i32
        %add3A_216 = arith.addi %mul3A_63, %add3A_215 : i32
        %sub3A = arith.constant 4 : i32
        %sub3A_217 = arith.subi %add3A_216, %sub3A : i32
        %dma_wait3A_218 = arith.constant 1 : i32
        %dma_wait3A_219 = arith.constant 0 : i32
        %dma_wait3A_220 = tpu.memref_slice %arg9[%sub3A_217, %dma_wait3A_219] : memref<80x125xi32, #tpu.memory_space<vmem>> -> memref<1x125xi32, #tpu.memory_space<vmem>>
        %dma_wait3A_221 = tpu.memref_squeeze %dma_wait3A_220 : memref<1x125xi32, #tpu.memory_space<vmem>> -> memref<125xi32, #tpu.memory_space<vmem>>
        %dma_wait3A_222 = arith.constant 0 : i32
        %dma_wait3A_223 = arith.constant 0 : i32
        %dma_wait3A_224 = tpu.memref_slice %arg7[%dma_wait3A_222, %dma_wait3A_223] : memref<10000x64xf32, #tpu.memory_space<vmem_shared>> -> memref<10000x64xf32, #tpu.memory_space<vmem_shared>>
        %dma_wait3A_225 = tpu.memref_slice %arg13[%dma_wait3A_218] : memref<4x!tpu.dma_semaphore, #tpu.memory_space<semaphore_mem>> -> memref<1x!tpu.dma_semaphore, #tpu.memory_space<semaphore_mem>>
        %dma_wait3A_226 = tpu.memref_squeeze %dma_wait3A_225 : memref<1x!tpu.dma_semaphore, #tpu.memory_space<semaphore_mem>> -> memref<!tpu.dma_semaphore, #tpu.memory_space<semaphore_mem>>
        tpu.wait_indirect_dma semaphore(%dma_wait3A_226 : memref<!tpu.dma_semaphore, #tpu.memory_space<semaphore_mem>>) src(%arg11 : memref<125x64xf32, #tpu.memory_space<vmem>>) dst(%dma_wait3A_224 : memref<10000x64xf32, #tpu.memory_space<vmem_shared>>)
      } else {
      }
      %add3A_83 = arith.constant 1 : i32
      %add3A_84 = arith.addi %mul3A_63, %add3A_83 : i32
      %dma_start3A_85 = arith.constant 1 : i32
      %dma_start3A_86 = arith.constant 0 : i32
      %dma_start3A_87 = tpu.memref_slice %arg8[%add3A_84, %dma_start3A_86] : memref<80x125xi32, #tpu.memory_space<vmem>> -> memref<1x125xi32, #tpu.memory_space<vmem>>
      %dma_start3A_88 = tpu.memref_squeeze %dma_start3A_87 : memref<1x125xi32, #tpu.memory_space<vmem>> -> memref<125xi32, #tpu.memory_space<vmem>>
      %dma_start3A_89 = arith.constant 0 : i32
      %dma_start3A_90 = arith.constant 0 : i32
      %dma_start3A_91 = tpu.memref_slice %arg2[%dma_start3A_89, %dma_start3A_90] : memref<10000x64xf32, #tpu.memory_space<hbm>> -> memref<10000x64xf32, #tpu.memory_space<hbm>>
      %dma_start3A_92 = tpu.memref_slice %arg12[%dma_start3A_85] : memref<4x!tpu.dma_semaphore, #tpu.memory_space<semaphore_mem>> -> memref<1x!tpu.dma_semaphore, #tpu.memory_space<semaphore_mem>>
      %dma_start3A_93 = tpu.memref_squeeze %dma_start3A_92 : memref<1x!tpu.dma_semaphore, #tpu.memory_space<semaphore_mem>> -> memref<!tpu.dma_semaphore, #tpu.memory_space<semaphore_mem>>
      tpu.enqueue_indirect_dma source(%dma_start3A_91 : memref<10000x64xf32, #tpu.memory_space<hbm>>) target(%arg11 : memref<125x64xf32, #tpu.memory_space<vmem>>) offsets(%dma_start3A_88 : memref<125xi32, #tpu.memory_space<vmem>>) semaphore(%dma_start3A_93 : memref<!tpu.dma_semaphore, #tpu.memory_space<semaphore_mem>>)
      %gt3A_94 = arith.constant 0 : i32
      %gt3A_95 = arith.cmpi sgt, %scan3A_60, %gt3A_94 : i32
      %convert_element_type3A_96 = arith.extui %gt3A_95 : i1 to i32
      %cond3A_97 = arith.constant 0 : i32
      %cond3A_98 = arith.cmpi ne, %convert_element_type3A_96, %cond3A_97 : i32
      scf.if %cond3A_98 {
        %add3A_215 = arith.constant 2 : i32
        %add3A_216 = arith.addi %mul3A_63, %add3A_215 : i32
        %sub3A = arith.constant 4 : i32
        %sub3A_217 = arith.subi %add3A_216, %sub3A : i32
        %dma_wait3A_218 = arith.constant 2 : i32
        %dma_wait3A_219 = arith.constant 0 : i32
        %dma_wait3A_220 = tpu.memref_slice %arg9[%sub3A_217, %dma_wait3A_219] : memref<80x125xi32, #tpu.memory_space<vmem>> -> memref<1x125xi32, #tpu.memory_space<vmem>>
        %dma_wait3A_221 = tpu.memref_squeeze %dma_wait3A_220 : memref<1x125xi32, #tpu.memory_space<vmem>> -> memref<125xi32, #tpu.memory_space<vmem>>
        %dma_wait3A_222 = arith.constant 0 : i32
        %dma_wait3A_223 = arith.constant 0 : i32
        %dma_wait3A_224 = tpu.memref_slice %arg7[%dma_wait3A_222, %dma_wait3A_223] : memref<10000x64xf32, #tpu.memory_space<vmem_shared>> -> memref<10000x64xf32, #tpu.memory_space<vmem_shared>>
        %dma_wait3A_225 = tpu.memref_slice %arg13[%dma_wait3A_218] : memref<4x!tpu.dma_semaphore, #tpu.memory_space<semaphore_mem>> -> memref<1x!tpu.dma_semaphore, #tpu.memory_space<semaphore_mem>>
        %dma_wait3A_226 = tpu.memref_squeeze %dma_wait3A_225 : memref<1x!tpu.dma_semaphore, #tpu.memory_space<semaphore_mem>> -> memref<!tpu.dma_semaphore, #tpu.memory_space<semaphore_mem>>
        tpu.wait_indirect_dma semaphore(%dma_wait3A_226 : memref<!tpu.dma_semaphore, #tpu.memory_space<semaphore_mem>>) src(%arg14 : memref<125x64xf32, #tpu.memory_space<vmem>>) dst(%dma_wait3A_224 : memref<10000x64xf32, #tpu.memory_space<vmem_shared>>)
      } else {
      }
      %add3A_99 = arith.constant 2 : i32
      %add3A_100 = arith.addi %mul3A_63, %add3A_99 : i32
      %dma_start3A_101 = arith.constant 2 : i32
      %dma_start3A_102 = arith.constant 0 : i32
      %dma_start3A_103 = tpu.memref_slice %arg8[%add3A_100, %dma_start3A_102] : memref<80x125xi32, #tpu.memory_space<vmem>> -> memref<1x125xi32, #tpu.memory_space<vmem>>
      %dma_start3A_104 = tpu.memref_squeeze %dma_start3A_103 : memref<1x125xi32, #tpu.memory_space<vmem>> -> memref<125xi32, #tpu.memory_space<vmem>>
      %dma_start3A_105 = arith.constant 0 : i32
      %dma_start3A_106 = arith.constant 0 : i32
      %dma_start3A_107 = tpu.memref_slice %arg2[%dma_start3A_105, %dma_start3A_106] : memref<10000x64xf32, #tpu.memory_space<hbm>> -> memref<10000x64xf32, #tpu.memory_space<hbm>>
      %dma_start3A_108 = tpu.memref_slice %arg12[%dma_start3A_101] : memref<4x!tpu.dma_semaphore, #tpu.memory_space<semaphore_mem>> -> memref<1x!tpu.dma_semaphore, #tpu.memory_space<semaphore_mem>>
      %dma_start3A_109 = tpu.memref_squeeze %dma_start3A_108 : memref<1x!tpu.dma_semaphore, #tpu.memory_space<semaphore_mem>> -> memref<!tpu.dma_semaphore, #tpu.memory_space<semaphore_mem>>
      tpu.enqueue_indirect_dma source(%dma_start3A_107 : memref<10000x64xf32, #tpu.memory_space<hbm>>) target(%arg14 : memref<125x64xf32, #tpu.memory_space<vmem>>) offsets(%dma_start3A_104 : memref<125xi32, #tpu.memory_space<vmem>>) semaphore(%dma_start3A_109 : memref<!tpu.dma_semaphore, #tpu.memory_space<semaphore_mem>>)
      %gt3A_110 = arith.constant 0 : i32
      %gt3A_111 = arith.cmpi sgt, %scan3A_60, %gt3A_110 : i32
      %convert_element_type3A_112 = arith.extui %gt3A_111 : i1 to i32
      %cond3A_113 = arith.constant 0 : i32
      %cond3A_114 = arith.cmpi ne, %convert_element_type3A_112, %cond3A_113 : i32
      scf.if %cond3A_114 {
        %add3A_215 = arith.constant 3 : i32
        %add3A_216 = arith.addi %mul3A_63, %add3A_215 : i32
        %sub3A = arith.constant 4 : i32
        %sub3A_217 = arith.subi %add3A_216, %sub3A : i32
        %dma_wait3A_218 = arith.constant 3 : i32
        %dma_wait3A_219 = arith.constant 0 : i32
        %dma_wait3A_220 = tpu.memref_slice %arg9[%sub3A_217, %dma_wait3A_219] : memref<80x125xi32, #tpu.memory_space<vmem>> -> memref<1x125xi32, #tpu.memory_space<vmem>>
        %dma_wait3A_221 = tpu.memref_squeeze %dma_wait3A_220 : memref<1x125xi32, #tpu.memory_space<vmem>> -> memref<125xi32, #tpu.memory_space<vmem>>
        %dma_wait3A_222 = arith.constant 0 : i32
        %dma_wait3A_223 = arith.constant 0 : i32
        %dma_wait3A_224 = tpu.memref_slice %arg7[%dma_wait3A_222, %dma_wait3A_223] : memref<10000x64xf32, #tpu.memory_space<vmem_shared>> -> memref<10000x64xf32, #tpu.memory_space<vmem_shared>>
        %dma_wait3A_225 = tpu.memref_slice %arg13[%dma_wait3A_218] : memref<4x!tpu.dma_semaphore, #tpu.memory_space<semaphore_mem>> -> memref<1x!tpu.dma_semaphore, #tpu.memory_space<semaphore_mem>>
        %dma_wait3A_226 = tpu.memref_squeeze %dma_wait3A_225 : memref<1x!tpu.dma_semaphore, #tpu.memory_space<semaphore_mem>> -> memref<!tpu.dma_semaphore, #tpu.memory_space<semaphore_mem>>
        tpu.wait_indirect_dma semaphore(%dma_wait3A_226 : memref<!tpu.dma_semaphore, #tpu.memory_space<semaphore_mem>>) src(%arg15 : memref<125x64xf32, #tpu.memory_space<vmem>>) dst(%dma_wait3A_224 : memref<10000x64xf32, #tpu.memory_space<vmem_shared>>)
      } else {
      }
      %add3A_115 = arith.constant 3 : i32
      %add3A_116 = arith.addi %mul3A_63, %add3A_115 : i32
      %dma_start3A_117 = arith.constant 3 : i32
      %dma_start3A_118 = arith.constant 0 : i32
      %dma_start3A_119 = tpu.memref_slice %arg8[%add3A_116, %dma_start3A_118] : memref<80x125xi32, #tpu.memory_space<vmem>> -> memref<1x125xi32, #tpu.memory_space<vmem>>
      %dma_start3A_120 = tpu.memref_squeeze %dma_start3A_119 : memref<1x125xi32, #tpu.memory_space<vmem>> -> memref<125xi32, #tpu.memory_space<vmem>>
      %dma_start3A_121 = arith.constant 0 : i32
      %dma_start3A_122 = arith.constant 0 : i32
      %dma_start3A_123 = tpu.memref_slice %arg2[%dma_start3A_121, %dma_start3A_122] : memref<10000x64xf32, #tpu.memory_space<hbm>> -> memref<10000x64xf32, #tpu.memory_space<hbm>>
      %dma_start3A_124 = tpu.memref_slice %arg12[%dma_start3A_117] : memref<4x!tpu.dma_semaphore, #tpu.memory_space<semaphore_mem>> -> memref<1x!tpu.dma_semaphore, #tpu.memory_space<semaphore_mem>>
      %dma_start3A_125 = tpu.memref_squeeze %dma_start3A_124 : memref<1x!tpu.dma_semaphore, #tpu.memory_space<semaphore_mem>> -> memref<!tpu.dma_semaphore, #tpu.memory_space<semaphore_mem>>
      tpu.enqueue_indirect_dma source(%dma_start3A_123 : memref<10000x64xf32, #tpu.memory_space<hbm>>) target(%arg15 : memref<125x64xf32, #tpu.memory_space<vmem>>) offsets(%dma_start3A_120 : memref<125xi32, #tpu.memory_space<vmem>>) semaphore(%dma_start3A_125 : memref<!tpu.dma_semaphore, #tpu.memory_space<semaphore_mem>>)
      %add3A_126 = arith.constant 0 : i32
      %add3A_127 = arith.addi %mul3A_63, %add3A_126 : i32
      %dma_wait3A_128 = arith.constant 0 : i32
      %dma_wait3A_129 = arith.constant 0 : i32
      %dma_wait3A_130 = tpu.memref_slice %arg8[%add3A_127, %dma_wait3A_129] : memref<80x125xi32, #tpu.memory_space<vmem>> -> memref<1x125xi32, #tpu.memory_space<vmem>>
      %dma_wait3A_131 = tpu.memref_squeeze %dma_wait3A_130 : memref<1x125xi32, #tpu.memory_space<vmem>> -> memref<125xi32, #tpu.memory_space<vmem>>
      %dma_wait3A_132 = arith.constant 0 : i32
      %dma_wait3A_133 = arith.constant 0 : i32
      %dma_wait3A_134 = tpu.memref_slice %arg2[%dma_wait3A_132, %dma_wait3A_133] : memref<10000x64xf32, #tpu.memory_space<hbm>> -> memref<10000x64xf32, #tpu.memory_space<hbm>>
      %dma_wait3A_135 = tpu.memref_slice %arg12[%dma_wait3A_128] : memref<4x!tpu.dma_semaphore, #tpu.memory_space<semaphore_mem>> -> memref<1x!tpu.dma_semaphore, #tpu.memory_space<semaphore_mem>>
      %dma_wait3A_136 = tpu.memref_squeeze %dma_wait3A_135 : memref<1x!tpu.dma_semaphore, #tpu.memory_space<semaphore_mem>> -> memref<!tpu.dma_semaphore, #tpu.memory_space<semaphore_mem>>
      tpu.wait_indirect_dma semaphore(%dma_wait3A_136 : memref<!tpu.dma_semaphore, #tpu.memory_space<semaphore_mem>>) src(%dma_wait3A_134 : memref<10000x64xf32, #tpu.memory_space<hbm>>) dst(%arg10 : memref<125x64xf32, #tpu.memory_space<vmem>>)
      %add3A_137 = arith.constant 0 : i32
      %add3A_138 = arith.addi %mul3A_63, %add3A_137 : i32
      %dma_start3A_139 = arith.constant 0 : i32
      %dma_start3A_140 = arith.constant 0 : i32
      %dma_start3A_141 = tpu.memref_slice %arg9[%add3A_138, %dma_start3A_140] : memref<80x125xi32, #tpu.memory_space<vmem>> -> memref<1x125xi32, #tpu.memory_space<vmem>>
      %dma_start3A_142 = tpu.memref_squeeze %dma_start3A_141 : memref<1x125xi32, #tpu.memory_space<vmem>> -> memref<125xi32, #tpu.memory_space<vmem>>
      %dma_start3A_143 = arith.constant 0 : i32
      %dma_start3A_144 = arith.constant 0 : i32
      %dma_start3A_145 = tpu.memref_slice %arg7[%dma_start3A_143, %dma_start3A_144] : memref<10000x64xf32, #tpu.memory_space<vmem_shared>> -> memref<10000x64xf32, #tpu.memory_space<vmem_shared>>
      %dma_start3A_146 = tpu.memref_slice %arg13[%dma_start3A_139] : memref<4x!tpu.dma_semaphore, #tpu.memory_space<semaphore_mem>> -> memref<1x!tpu.dma_semaphore, #tpu.memory_space<semaphore_mem>>
      %dma_start3A_147 = tpu.memref_squeeze %dma_start3A_146 : memref<1x!tpu.dma_semaphore, #tpu.memory_space<semaphore_mem>> -> memref<!tpu.dma_semaphore, #tpu.memory_space<semaphore_mem>>
      tpu.enqueue_indirect_dma source(%arg10 : memref<125x64xf32, #tpu.memory_space<vmem>>) target(%dma_start3A_145 : memref<10000x64xf32, #tpu.memory_space<vmem_shared>>) offsets(%dma_start3A_142 : memref<125xi32, #tpu.memory_space<vmem>>) semaphore(%dma_start3A_147 : memref<!tpu.dma_semaphore, #tpu.memory_space<semaphore_mem>>) {add = true}
      %add3A_148 = arith.constant 1 : i32
      %add3A_149 = arith.addi %mul3A_63, %add3A_148 : i32
      %dma_wait3A_150 = arith.constant 1 : i32
      %dma_wait3A_151 = arith.constant 0 : i32
      %dma_wait3A_152 = tpu.memref_slice %arg8[%add3A_149, %dma_wait3A_151] : memref<80x125xi32, #tpu.memory_space<vmem>> -> memref<1x125xi32, #tpu.memory_space<vmem>>
      %dma_wait3A_153 = tpu.memref_squeeze %dma_wait3A_152 : memref<1x125xi32, #tpu.memory_space<vmem>> -> memref<125xi32, #tpu.memory_space<vmem>>
      %dma_wait3A_154 = arith.constant 0 : i32
      %dma_wait3A_155 = arith.constant 0 : i32
      %dma_wait3A_156 = tpu.memref_slice %arg2[%dma_wait3A_154, %dma_wait3A_155] : memref<10000x64xf32, #tpu.memory_space<hbm>> -> memref<10000x64xf32, #tpu.memory_space<hbm>>
      %dma_wait3A_157 = tpu.memref_slice %arg12[%dma_wait3A_150] : memref<4x!tpu.dma_semaphore, #tpu.memory_space<semaphore_mem>> -> memref<1x!tpu.dma_semaphore, #tpu.memory_space<semaphore_mem>>
      %dma_wait3A_158 = tpu.memref_squeeze %dma_wait3A_157 : memref<1x!tpu.dma_semaphore, #tpu.memory_space<semaphore_mem>> -> memref<!tpu.dma_semaphore, #tpu.memory_space<semaphore_mem>>
      tpu.wait_indirect_dma semaphore(%dma_wait3A_158 : memref<!tpu.dma_semaphore, #tpu.memory_space<semaphore_mem>>) src(%dma_wait3A_156 : memref<10000x64xf32, #tpu.memory_space<hbm>>) dst(%arg11 : memref<125x64xf32, #tpu.memory_space<vmem>>)
      %add3A_159 = arith.constant 1 : i32
      %add3A_160 = arith.addi %mul3A_63, %add3A_159 : i32
      %dma_start3A_161 = arith.constant 1 : i32
      %dma_start3A_162 = arith.constant 0 : i32
      %dma_start3A_163 = tpu.memref_slice %arg9[%add3A_160, %dma_start3A_162] : memref<80x125xi32, #tpu.memory_space<vmem>> -> memref<1x125xi32, #tpu.memory_space<vmem>>
      %dma_start3A_164 = tpu.memref_squeeze %dma_start3A_163 : memref<1x125xi32, #tpu.memory_space<vmem>> -> memref<125xi32, #tpu.memory_space<vmem>>
      %dma_start3A_165 = arith.constant 0 : i32
      %dma_start3A_166 = arith.constant 0 : i32
      %dma_start3A_167 = tpu.memref_slice %arg7[%dma_start3A_165, %dma_start3A_166] : memref<10000x64xf32, #tpu.memory_space<vmem_shared>> -> memref<10000x64xf32, #tpu.memory_space<vmem_shared>>
      %dma_start3A_168 = tpu.memref_slice %arg13[%dma_start3A_161] : memref<4x!tpu.dma_semaphore, #tpu.memory_space<semaphore_mem>> -> memref<1x!tpu.dma_semaphore, #tpu.memory_space<semaphore_mem>>
      %dma_start3A_169 = tpu.memref_squeeze %dma_start3A_168 : memref<1x!tpu.dma_semaphore, #tpu.memory_space<semaphore_mem>> -> memref<!tpu.dma_semaphore, #tpu.memory_space<semaphore_mem>>
      tpu.enqueue_indirect_dma source(%arg11 : memref<125x64xf32, #tpu.memory_space<vmem>>) target(%dma_start3A_167 : memref<10000x64xf32, #tpu.memory_space<vmem_shared>>) offsets(%dma_start3A_164 : memref<125xi32, #tpu.memory_space<vmem>>) semaphore(%dma_start3A_169 : memref<!tpu.dma_semaphore, #tpu.memory_space<semaphore_mem>>) {add = true}
      %add3A_170 = arith.constant 2 : i32
      %add3A_171 = arith.addi %mul3A_63, %add3A_170 : i32
      %dma_wait3A_172 = arith.constant 2 : i32
      %dma_wait3A_173 = arith.constant 0 : i32
      %dma_wait3A_174 = tpu.memref_slice %arg8[%add3A_171, %dma_wait3A_173] : memref<80x125xi32, #tpu.memory_space<vmem>> -> memref<1x125xi32, #tpu.memory_space<vmem>>
      %dma_wait3A_175 = tpu.memref_squeeze %dma_wait3A_174 : memref<1x125xi32, #tpu.memory_space<vmem>> -> memref<125xi32, #tpu.memory_space<vmem>>
      %dma_wait3A_176 = arith.constant 0 : i32
      %dma_wait3A_177 = arith.constant 0 : i32
      %dma_wait3A_178 = tpu.memref_slice %arg2[%dma_wait3A_176, %dma_wait3A_177] : memref<10000x64xf32, #tpu.memory_space<hbm>> -> memref<10000x64xf32, #tpu.memory_space<hbm>>
      %dma_wait3A_179 = tpu.memref_slice %arg12[%dma_wait3A_172] : memref<4x!tpu.dma_semaphore, #tpu.memory_space<semaphore_mem>> -> memref<1x!tpu.dma_semaphore, #tpu.memory_space<semaphore_mem>>
      %dma_wait3A_180 = tpu.memref_squeeze %dma_wait3A_179 : memref<1x!tpu.dma_semaphore, #tpu.memory_space<semaphore_mem>> -> memref<!tpu.dma_semaphore, #tpu.memory_space<semaphore_mem>>
      tpu.wait_indirect_dma semaphore(%dma_wait3A_180 : memref<!tpu.dma_semaphore, #tpu.memory_space<semaphore_mem>>) src(%dma_wait3A_178 : memref<10000x64xf32, #tpu.memory_space<hbm>>) dst(%arg14 : memref<125x64xf32, #tpu.memory_space<vmem>>)
      %add3A_181 = arith.constant 2 : i32
      %add3A_182 = arith.addi %mul3A_63, %add3A_181 : i32
      %dma_start3A_183 = arith.constant 2 : i32
      %dma_start3A_184 = arith.constant 0 : i32
      %dma_start3A_185 = tpu.memref_slice %arg9[%add3A_182, %dma_start3A_184] : memref<80x125xi32, #tpu.memory_space<vmem>> -> memref<1x125xi32, #tpu.memory_space<vmem>>
      %dma_start3A_186 = tpu.memref_squeeze %dma_start3A_185 : memref<1x125xi32, #tpu.memory_space<vmem>> -> memref<125xi32, #tpu.memory_space<vmem>>
      %dma_start3A_187 = arith.constant 0 : i32
      %dma_start3A_188 = arith.constant 0 : i32
      %dma_start3A_189 = tpu.memref_slice %arg7[%dma_start3A_187, %dma_start3A_188] : memref<10000x64xf32, #tpu.memory_space<vmem_shared>> -> memref<10000x64xf32, #tpu.memory_space<vmem_shared>>
      %dma_start3A_190 = tpu.memref_slice %arg13[%dma_start3A_183] : memref<4x!tpu.dma_semaphore, #tpu.memory_space<semaphore_mem>> -> memref<1x!tpu.dma_semaphore, #tpu.memory_space<semaphore_mem>>
      %dma_start3A_191 = tpu.memref_squeeze %dma_start3A_190 : memref<1x!tpu.dma_semaphore, #tpu.memory_space<semaphore_mem>> -> memref<!tpu.dma_semaphore, #tpu.memory_space<semaphore_mem>>
      tpu.enqueue_indirect_dma source(%arg14 : memref<125x64xf32, #tpu.memory_space<vmem>>) target(%dma_start3A_189 : memref<10000x64xf32, #tpu.memory_space<vmem_shared>>) offsets(%dma_start3A_186 : memref<125xi32, #tpu.memory_space<vmem>>) semaphore(%dma_start3A_191 : memref<!tpu.dma_semaphore, #tpu.memory_space<semaphore_mem>>) {add = true}
      %add3A_192 = arith.constant 3 : i32
      %add3A_193 = arith.addi %mul3A_63, %add3A_192 : i32
      %dma_wait3A_194 = arith.constant 3 : i32
      %dma_wait3A_195 = arith.constant 0 : i32
      %dma_wait3A_196 = tpu.memref_slice %arg8[%add3A_193, %dma_wait3A_195] : memref<80x125xi32, #tpu.memory_space<vmem>> -> memref<1x125xi32, #tpu.memory_space<vmem>>
      %dma_wait3A_197 = tpu.memref_squeeze %dma_wait3A_196 : memref<1x125xi32, #tpu.memory_space<vmem>> -> memref<125xi32, #tpu.memory_space<vmem>>
      %dma_wait3A_198 = arith.constant 0 : i32
      %dma_wait3A_199 = arith.constant 0 : i32
      %dma_wait3A_200 = tpu.memref_slice %arg2[%dma_wait3A_198, %dma_wait3A_199] : memref<10000x64xf32, #tpu.memory_space<hbm>> -> memref<10000x64xf32, #tpu.memory_space<hbm>>
      %dma_wait3A_201 = tpu.memref_slice %arg12[%dma_wait3A_194] : memref<4x!tpu.dma_semaphore, #tpu.memory_space<semaphore_mem>> -> memref<1x!tpu.dma_semaphore, #tpu.memory_space<semaphore_mem>>
      %dma_wait3A_202 = tpu.memref_squeeze %dma_wait3A_201 : memref<1x!tpu.dma_semaphore, #tpu.memory_space<semaphore_mem>> -> memref<!tpu.dma_semaphore, #tpu.memory_space<semaphore_mem>>
      tpu.wait_indirect_dma semaphore(%dma_wait3A_202 : memref<!tpu.dma_semaphore, #tpu.memory_space<semaphore_mem>>) src(%dma_wait3A_200 : memref<10000x64xf32, #tpu.memory_space<hbm>>) dst(%arg15 : memref<125x64xf32, #tpu.memory_space<vmem>>)
      %add3A_203 = arith.constant 3 : i32
      %add3A_204 = arith.addi %mul3A_63, %add3A_203 : i32
      %dma_start3A_205 = arith.constant 3 : i32
      %dma_start3A_206 = arith.constant 0 : i32
      %dma_start3A_207 = tpu.memref_slice %arg9[%add3A_204, %dma_start3A_206] : memref<80x125xi32, #tpu.memory_space<vmem>> -> memref<1x125xi32, #tpu.memory_space<vmem>>
      %dma_start3A_208 = tpu.memref_squeeze %dma_start3A_207 : memref<1x125xi32, #tpu.memory_space<vmem>> -> memref<125xi32, #tpu.memory_space<vmem>>
      %dma_start3A_209 = arith.constant 0 : i32
      %dma_start3A_210 = arith.constant 0 : i32
      %dma_start3A_211 = tpu.memref_slice %arg7[%dma_start3A_209, %dma_start3A_210] : memref<10000x64xf32, #tpu.memory_space<vmem_shared>> -> memref<10000x64xf32, #tpu.memory_space<vmem_shared>>
      %dma_start3A_212 = tpu.memref_slice %arg13[%dma_start3A_205] : memref<4x!tpu.dma_semaphore, #tpu.memory_space<semaphore_mem>> -> memref<1x!tpu.dma_semaphore, #tpu.memory_space<semaphore_mem>>
      %dma_start3A_213 = tpu.memref_squeeze %dma_start3A_212 : memref<1x!tpu.dma_semaphore, #tpu.memory_space<semaphore_mem>> -> memref<!tpu.dma_semaphore, #tpu.memory_space<semaphore_mem>>
      tpu.enqueue_indirect_dma source(%arg15 : memref<125x64xf32, #tpu.memory_space<vmem>>) target(%dma_start3A_211 : memref<10000x64xf32, #tpu.memory_space<vmem_shared>>) offsets(%dma_start3A_208 : memref<125xi32, #tpu.memory_space<vmem>>) semaphore(%dma_start3A_213 : memref<!tpu.dma_semaphore, #tpu.memory_space<semaphore_mem>>) {add = true}
      %scan3A_214 = arith.constant 0 : i32
      scf.yield %scan3A_214 : i32
    }
    %scan3A_14 = arith.constant 20 : i32
    %dma_wait3A = arith.constant 76 : i32
    %dma_wait3A_15 = arith.constant 0 : i32
    %dma_wait3A_16 = arith.constant 0 : i32
    %dma_wait3A_17 = tpu.memref_slice %arg9[%dma_wait3A, %dma_wait3A_16] : memref<80x125xi32, #tpu.memory_space<vmem>> -> memref<1x125xi32, #tpu.memory_space<vmem>>
    %dma_wait3A_18 = tpu.memref_squeeze %dma_wait3A_17 : memref<1x125xi32, #tpu.memory_space<vmem>> -> memref<125xi32, #tpu.memory_space<vmem>>
    %dma_wait3A_19 = arith.constant 0 : i32
    %dma_wait3A_20 = arith.constant 0 : i32
    %dma_wait3A_21 = tpu.memref_slice %arg7[%dma_wait3A_19, %dma_wait3A_20] : memref<10000x64xf32, #tpu.memory_space<vmem_shared>> -> memref<10000x64xf32, #tpu.memory_space<vmem_shared>>
    %dma_wait3A_22 = tpu.memref_slice %arg13[%dma_wait3A_15] : memref<4x!tpu.dma_semaphore, #tpu.memory_space<semaphore_mem>> -> memref<1x!tpu.dma_semaphore, #tpu.memory_space<semaphore_mem>>
    %dma_wait3A_23 = tpu.memref_squeeze %dma_wait3A_22 : memref<1x!tpu.dma_semaphore, #tpu.memory_space<semaphore_mem>> -> memref<!tpu.dma_semaphore, #tpu.memory_space<semaphore_mem>>
    tpu.wait_indirect_dma semaphore(%dma_wait3A_23 : memref<!tpu.dma_semaphore, #tpu.memory_space<semaphore_mem>>) src(%arg10 : memref<125x64xf32, #tpu.memory_space<vmem>>) dst(%dma_wait3A_21 : memref<10000x64xf32, #tpu.memory_space<vmem_shared>>)
    %dma_wait3A_24 = arith.constant 77 : i32
    %dma_wait3A_25 = arith.constant 1 : i32
    %dma_wait3A_26 = arith.constant 0 : i32
    %dma_wait3A_27 = tpu.memref_slice %arg9[%dma_wait3A_24, %dma_wait3A_26] : memref<80x125xi32, #tpu.memory_space<vmem>> -> memref<1x125xi32, #tpu.memory_space<vmem>>
    %dma_wait3A_28 = tpu.memref_squeeze %dma_wait3A_27 : memref<1x125xi32, #tpu.memory_space<vmem>> -> memref<125xi32, #tpu.memory_space<vmem>>
    %dma_wait3A_29 = arith.constant 0 : i32
    %dma_wait3A_30 = arith.constant 0 : i32
    %dma_wait3A_31 = tpu.memref_slice %arg7[%dma_wait3A_29, %dma_wait3A_30] : memref<10000x64xf32, #tpu.memory_space<vmem_shared>> -> memref<10000x64xf32, #tpu.memory_space<vmem_shared>>
    %dma_wait3A_32 = tpu.memref_slice %arg13[%dma_wait3A_25] : memref<4x!tpu.dma_semaphore, #tpu.memory_space<semaphore_mem>> -> memref<1x!tpu.dma_semaphore, #tpu.memory_space<semaphore_mem>>
    %dma_wait3A_33 = tpu.memref_squeeze %dma_wait3A_32 : memref<1x!tpu.dma_semaphore, #tpu.memory_space<semaphore_mem>> -> memref<!tpu.dma_semaphore, #tpu.memory_space<semaphore_mem>>
    tpu.wait_indirect_dma semaphore(%dma_wait3A_33 : memref<!tpu.dma_semaphore, #tpu.memory_space<semaphore_mem>>) src(%arg11 : memref<125x64xf32, #tpu.memory_space<vmem>>) dst(%dma_wait3A_31 : memref<10000x64xf32, #tpu.memory_space<vmem_shared>>)
    %dma_wait3A_34 = arith.constant 78 : i32
    %dma_wait3A_35 = arith.constant 2 : i32
    %dma_wait3A_36 = arith.constant 0 : i32
    %dma_wait3A_37 = tpu.memref_slice %arg9[%dma_wait3A_34, %dma_wait3A_36] : memref<80x125xi32, #tpu.memory_space<vmem>> -> memref<1x125xi32, #tpu.memory_space<vmem>>
    %dma_wait3A_38 = tpu.memref_squeeze %dma_wait3A_37 : memref<1x125xi32, #tpu.memory_space<vmem>> -> memref<125xi32, #tpu.memory_space<vmem>>
    %dma_wait3A_39 = arith.constant 0 : i32
    %dma_wait3A_40 = arith.constant 0 : i32
    %dma_wait3A_41 = tpu.memref_slice %arg7[%dma_wait3A_39, %dma_wait3A_40] : memref<10000x64xf32, #tpu.memory_space<vmem_shared>> -> memref<10000x64xf32, #tpu.memory_space<vmem_shared>>
    %dma_wait3A_42 = tpu.memref_slice %arg13[%dma_wait3A_35] : memref<4x!tpu.dma_semaphore, #tpu.memory_space<semaphore_mem>> -> memref<1x!tpu.dma_semaphore, #tpu.memory_space<semaphore_mem>>
    %dma_wait3A_43 = tpu.memref_squeeze %dma_wait3A_42 : memref<1x!tpu.dma_semaphore, #tpu.memory_space<semaphore_mem>> -> memref<!tpu.dma_semaphore, #tpu.memory_space<semaphore_mem>>
    tpu.wait_indirect_dma semaphore(%dma_wait3A_43 : memref<!tpu.dma_semaphore, #tpu.memory_space<semaphore_mem>>) src(%arg14 : memref<125x64xf32, #tpu.memory_space<vmem>>) dst(%dma_wait3A_41 : memref<10000x64xf32, #tpu.memory_space<vmem_shared>>)
    %dma_wait3A_44 = arith.constant 79 : i32
    %dma_wait3A_45 = arith.constant 3 : i32
    %dma_wait3A_46 = arith.constant 0 : i32
    %dma_wait3A_47 = tpu.memref_slice %arg9[%dma_wait3A_44, %dma_wait3A_46] : memref<80x125xi32, #tpu.memory_space<vmem>> -> memref<1x125xi32, #tpu.memory_space<vmem>>
    %dma_wait3A_48 = tpu.memref_squeeze %dma_wait3A_47 : memref<1x125xi32, #tpu.memory_space<vmem>> -> memref<125xi32, #tpu.memory_space<vmem>>
    %dma_wait3A_49 = arith.constant 0 : i32
    %dma_wait3A_50 = arith.constant 0 : i32
    %dma_wait3A_51 = tpu.memref_slice %arg7[%dma_wait3A_49, %dma_wait3A_50] : memref<10000x64xf32, #tpu.memory_space<vmem_shared>> -> memref<10000x64xf32, #tpu.memory_space<vmem_shared>>
    %dma_wait3A_52 = tpu.memref_slice %arg13[%dma_wait3A_45] : memref<4x!tpu.dma_semaphore, #tpu.memory_space<semaphore_mem>> -> memref<1x!tpu.dma_semaphore, #tpu.memory_space<semaphore_mem>>
    %dma_wait3A_53 = tpu.memref_squeeze %dma_wait3A_52 : memref<1x!tpu.dma_semaphore, #tpu.memory_space<semaphore_mem>> -> memref<!tpu.dma_semaphore, #tpu.memory_space<semaphore_mem>>
    tpu.wait_indirect_dma semaphore(%dma_wait3A_53 : memref<!tpu.dma_semaphore, #tpu.memory_space<semaphore_mem>>) src(%arg15 : memref<125x64xf32, #tpu.memory_space<vmem>>) dst(%dma_wait3A_51 : memref<10000x64xf32, #tpu.memory_space<vmem_shared>>)
    %barrier3A_54 = arith.constant 0 : index
    tpu.barrier barrier_id(%barrier3A_54)
    %eq3A_55 = arith.constant 0 : i32
    %eq3A_56 = arith.cmpi eq, %arg1, %eq3A_55 : i32
    %convert_element_type3A_57 = arith.extui %eq3A_56 : i1 to i32
    %cond3A_58 = arith.constant 0 : i32
    %cond3A_59 = arith.cmpi ne, %convert_element_type3A_57, %cond3A_58 : i32
    scf.if %cond3A_59 {
      %mul3A_60 = arith.constant 64 : i32
      %mul3A_61 = arith.muli %mul3A_60, %arg0 : i32
      "tpu.region"() ({
        %run_scoped3A = tpu.sem_alloc : memref<!tpu.dma_semaphore, #tpu.memory_space<semaphore_mem>>
        %dma_start3A = arith.constant 0 : i32
        %dma_start3A_62 = tpu.memref_slice %arg6[%dma_start3A, %mul3A_61] : memref<10000x128xf32, #tpu.memory_space<hbm>> -> memref<10000x64xf32, #tpu.memory_space<hbm>>
        tpu.enqueue_dma source(%arg7 : memref<10000x64xf32, #tpu.memory_space<vmem_shared>>) target(%dma_start3A_62 : memref<10000x64xf32, #tpu.memory_space<hbm>>) target_semaphore(%run_scoped3A : memref<!tpu.dma_semaphore, #tpu.memory_space<semaphore_mem>>)
        %dma_wait3A_63 = arith.constant 0 : i32
        %dma_wait3A_64 = tpu.memref_slice %arg6[%dma_wait3A_63, %mul3A_61] : memref<10000x128xf32, #tpu.memory_space<hbm>> -> memref<10000x64xf32, #tpu.memory_space<hbm>>
        tpu.wait_dma2 semaphore(%run_scoped3A : memref<!tpu.dma_semaphore, #tpu.memory_space<semaphore_mem>>) src(%arg7 : memref<10000x64xf32, #tpu.memory_space<vmem_shared>>) dst(%dma_wait3A_64 : memref<10000x64xf32, #tpu.memory_space<hbm>>)
        tpu.yield
      }) : () -> ()
    } else {
    }
    return
  }
}

#map = affine_map<(d0, d1) -> (0, 0)>
module attributes {stable_mosaic.version = 14 : i64} {
  func.func @_deg_body(%arg0: i32, %arg1: i32, %arg2: memref<2560x125xi32, #tpu.memory_space<hbm>>, %arg3: memref<10000x16xf32, #tpu.memory_space<hbm>>, %arg4: memref<125x16xf32, #tpu.memory_space<hbm>>, %arg5: memref<10000x128xf32, #tpu.memory_space<hbm>>, %arg6: memref<10000x16xf32, #tpu.memory_space<vmem_shared>>, %arg7: memref<125x16xf32, #tpu.memory_space<vmem>>, %arg8: memref<80x125xi32, #tpu.memory_space<vmem>>) attributes {dimension_semantics = [#tpu.dimension_semantics<core_parallel>, #tpu.dimension_semantics<subcore_parallel>], iteration_bounds = array<i64: 2, 16>, scalar_prefetch = 0 : i64, scratch_operands = 3 : i64, tpu.core_type = #tpu.core_type<sc_vector_subcore>, window_params = [{transform_indices = #map}, {transform_indices = #map}, {transform_indices = #map}, {transform_indices = #map}]} {
    %mul3A = arith.constant 1280 : i32
    %mul3A_0 = arith.muli %arg0, %mul3A : i32
    %mul3A_1 = arith.constant 80 : i32
    %mul3A_2 = arith.muli %arg1, %mul3A_1 : i32
    %add3A = arith.addi %mul3A_0, %mul3A_2 : i32
    "tpu.region"() ({
      %run_scoped3A = tpu.sem_alloc : memref<!tpu.dma_semaphore, #tpu.memory_space<semaphore_mem>>
      %dma_start3A = arith.constant 0 : i32
      %dma_start3A_17 = tpu.memref_slice %arg2[%add3A, %dma_start3A] : memref<2560x125xi32, #tpu.memory_space<hbm>> -> memref<80x125xi32, #tpu.memory_space<hbm>>
      %dma_start3A_18 = arith.constant 0 : i32
      %dma_start3A_19 = tpu.memref_slice %arg2[%add3A, %dma_start3A_18] : memref<2560x125xi32, #tpu.memory_space<hbm>> -> memref<80x125xi32, #tpu.memory_space<hbm>>
      tpu.enqueue_dma source(%dma_start3A_19 : memref<80x125xi32, #tpu.memory_space<hbm>>) target(%arg8 : memref<80x125xi32, #tpu.memory_space<vmem>>) target_semaphore(%run_scoped3A : memref<!tpu.dma_semaphore, #tpu.memory_space<semaphore_mem>>)
      %dma_wait3A = arith.constant 0 : i32
      %dma_wait3A_20 = tpu.memref_slice %arg2[%add3A, %dma_wait3A] : memref<2560x125xi32, #tpu.memory_space<hbm>> -> memref<80x125xi32, #tpu.memory_space<hbm>>
      %dma_wait3A_21 = arith.constant 0 : i32
      %dma_wait3A_22 = tpu.memref_slice %arg2[%add3A, %dma_wait3A_21] : memref<2560x125xi32, #tpu.memory_space<hbm>> -> memref<80x125xi32, #tpu.memory_space<hbm>>
      tpu.wait_dma2 semaphore(%run_scoped3A : memref<!tpu.dma_semaphore, #tpu.memory_space<semaphore_mem>>) src(%dma_wait3A_22 : memref<80x125xi32, #tpu.memory_space<hbm>>) dst(%arg8 : memref<80x125xi32, #tpu.memory_space<vmem>>)
      tpu.yield
    }) : () -> ()
    %eq3A = arith.constant 0 : i32
    %eq3A_3 = arith.cmpi eq, %arg1, %eq3A : i32
    %convert_element_type3A = arith.extui %eq3A_3 : i1 to i32
    %cond3A = arith.constant 0 : i32
    %cond3A_4 = arith.cmpi ne, %convert_element_type3A, %cond3A : i32
    scf.if %cond3A_4 {
      "tpu.region"() ({
        %run_scoped3A = tpu.sem_alloc : memref<!tpu.dma_semaphore, #tpu.memory_space<semaphore_mem>>
        tpu.enqueue_dma source(%arg3 : memref<10000x16xf32, #tpu.memory_space<hbm>>) target(%arg6 : memref<10000x16xf32, #tpu.memory_space<vmem_shared>>) target_semaphore(%run_scoped3A : memref<!tpu.dma_semaphore, #tpu.memory_space<semaphore_mem>>)
        tpu.wait_dma2 semaphore(%run_scoped3A : memref<!tpu.dma_semaphore, #tpu.memory_space<semaphore_mem>>) src(%arg3 : memref<10000x16xf32, #tpu.memory_space<hbm>>) dst(%arg6 : memref<10000x16xf32, #tpu.memory_space<vmem_shared>>)
        tpu.yield
      }) : () -> ()
    } else {
    }
    "tpu.region"() ({
      %run_scoped3A = tpu.sem_alloc : memref<!tpu.dma_semaphore, #tpu.memory_space<semaphore_mem>>
      tpu.enqueue_dma source(%arg4 : memref<125x16xf32, #tpu.memory_space<hbm>>) target(%arg7 : memref<125x16xf32, #tpu.memory_space<vmem>>) target_semaphore(%run_scoped3A : memref<!tpu.dma_semaphore, #tpu.memory_space<semaphore_mem>>)
      tpu.wait_dma2 semaphore(%run_scoped3A : memref<!tpu.dma_semaphore, #tpu.memory_space<semaphore_mem>>) src(%arg4 : memref<125x16xf32, #tpu.memory_space<hbm>>) dst(%arg7 : memref<125x16xf32, #tpu.memory_space<vmem>>)
      tpu.yield
    }) : () -> ()
    %barrier3A = arith.constant 0 : index
    tpu.barrier barrier_id(%barrier3A)
    %scan3A = arith.constant 0 : i32
    %scan3A_5 = arith.constant 0 : i32
    %scan3A_6 = arith.constant 80 : i32
    %scan3A_7 = arith.addi %scan3A_5, %scan3A_6 : i32
    %scan3A_8 = arith.constant 1 : i32
    %scan3A_9 = scf.for %scan3A_17 = %scan3A_5 to %scan3A_7 step %scan3A_8 iter_args(%scan3A_18 = %scan3A) -> (i32)  : i32 {
      "tpu.region"() ({
        %run_scoped3A = tpu.sem_alloc : memref<!tpu.dma_semaphore, #tpu.memory_space<semaphore_mem>>
        %dma_start3A = arith.constant 0 : i32
        %dma_start3A_20 = tpu.memref_slice %arg8[%scan3A_17, %dma_start3A] : memref<80x125xi32, #tpu.memory_space<vmem>> -> memref<1x125xi32, #tpu.memory_space<vmem>>
        %dma_start3A_21 = tpu.memref_squeeze %dma_start3A_20 : memref<1x125xi32, #tpu.memory_space<vmem>> -> memref<125xi32, #tpu.memory_space<vmem>>
        %dma_start3A_22 = arith.constant 0 : i32
        %dma_start3A_23 = arith.constant 0 : i32
        %dma_start3A_24 = tpu.memref_slice %arg6[%dma_start3A_22, %dma_start3A_23] : memref<10000x16xf32, #tpu.memory_space<vmem_shared>> -> memref<10000x16xf32, #tpu.memory_space<vmem_shared>>
        tpu.enqueue_indirect_dma source(%arg7 : memref<125x16xf32, #tpu.memory_space<vmem>>) target(%dma_start3A_24 : memref<10000x16xf32, #tpu.memory_space<vmem_shared>>) offsets(%dma_start3A_21 : memref<125xi32, #tpu.memory_space<vmem>>) semaphore(%run_scoped3A : memref<!tpu.dma_semaphore, #tpu.memory_space<semaphore_mem>>) {add = true}
        %dma_wait3A = arith.constant 0 : i32
        %dma_wait3A_25 = tpu.memref_slice %arg8[%scan3A_17, %dma_wait3A] : memref<80x125xi32, #tpu.memory_space<vmem>> -> memref<1x125xi32, #tpu.memory_space<vmem>>
        %dma_wait3A_26 = tpu.memref_squeeze %dma_wait3A_25 : memref<1x125xi32, #tpu.memory_space<vmem>> -> memref<125xi32, #tpu.memory_space<vmem>>
        %dma_wait3A_27 = arith.constant 0 : i32
        %dma_wait3A_28 = arith.constant 0 : i32
        %dma_wait3A_29 = tpu.memref_slice %arg6[%dma_wait3A_27, %dma_wait3A_28] : memref<10000x16xf32, #tpu.memory_space<vmem_shared>> -> memref<10000x16xf32, #tpu.memory_space<vmem_shared>>
        tpu.wait_indirect_dma semaphore(%run_scoped3A : memref<!tpu.dma_semaphore, #tpu.memory_space<semaphore_mem>>) src(%arg7 : memref<125x16xf32, #tpu.memory_space<vmem>>) dst(%dma_wait3A_29 : memref<10000x16xf32, #tpu.memory_space<vmem_shared>>)
        tpu.yield
      }) : () -> ()
      %scan3A_19 = arith.constant 0 : i32
      scf.yield %scan3A_19 : i32
    }
    %scan3A_10 = arith.constant 80 : i32
    %barrier3A_11 = arith.constant 0 : index
    tpu.barrier barrier_id(%barrier3A_11)
    %eq3A_12 = arith.constant 0 : i32
    %eq3A_13 = arith.cmpi eq, %arg1, %eq3A_12 : i32
    %convert_element_type3A_14 = arith.extui %eq3A_13 : i1 to i32
    %cond3A_15 = arith.constant 0 : i32
    %cond3A_16 = arith.cmpi ne, %convert_element_type3A_14, %cond3A_15 : i32
    scf.if %cond3A_16 {
      %mul3A_17 = arith.constant 16 : i32
      %mul3A_18 = arith.muli %mul3A_17, %arg0 : i32
      "tpu.region"() ({
        %run_scoped3A = tpu.sem_alloc : memref<!tpu.dma_semaphore, #tpu.memory_space<semaphore_mem>>
        %dma_start3A = arith.constant 0 : i32
        %dma_start3A_19 = tpu.memref_slice %arg5[%dma_start3A, %mul3A_18] : memref<10000x128xf32, #tpu.memory_space<hbm>> -> memref<10000x16xf32, #tpu.memory_space<hbm>>
        tpu.enqueue_dma source(%arg6 : memref<10000x16xf32, #tpu.memory_space<vmem_shared>>) target(%dma_start3A_19 : memref<10000x16xf32, #tpu.memory_space<hbm>>) target_semaphore(%run_scoped3A : memref<!tpu.dma_semaphore, #tpu.memory_space<semaphore_mem>>)
        %dma_wait3A = arith.constant 0 : i32
        %dma_wait3A_20 = tpu.memref_slice %arg5[%dma_wait3A, %mul3A_18] : memref<10000x128xf32, #tpu.memory_space<hbm>> -> memref<10000x16xf32, #tpu.memory_space<hbm>>
        tpu.wait_dma2 semaphore(%run_scoped3A : memref<!tpu.dma_semaphore, #tpu.memory_space<semaphore_mem>>) src(%arg6 : memref<10000x16xf32, #tpu.memory_space<vmem_shared>>) dst(%dma_wait3A_20 : memref<10000x16xf32, #tpu.memory_space<hbm>>)
        tpu.yield
      }) : () -> ()
    } else {
    }
    return
  }
}

#map = affine_map<(d0, d1) -> (0, 0)>
module attributes {stable_mosaic.version = 14 : i64} {
  func.func @_agg_body(%arg0: i32, %arg1: i32, %arg2: memref<10000x64xf32, #tpu.memory_space<hbm>>, %arg3: memref<10000x64xf32, #tpu.memory_space<hbm>>, %arg4: memref<2560x125xi32, #tpu.memory_space<hbm>>, %arg5: memref<2560x125xi32, #tpu.memory_space<hbm>>, %arg6: memref<10000x128xf32, #tpu.memory_space<hbm>>, %arg7: memref<10000x64xf32, #tpu.memory_space<vmem_shared>>, %arg8: memref<80x125xi32, #tpu.memory_space<vmem>>, %arg9: memref<80x125xi32, #tpu.memory_space<vmem>>, %arg10: memref<125x64xf32, #tpu.memory_space<vmem>>, %arg11: memref<125x64xf32, #tpu.memory_space<vmem>>, %arg12: memref<4x!tpu.dma_semaphore, #tpu.memory_space<semaphore_mem>>, %arg13: memref<4x!tpu.dma_semaphore, #tpu.memory_space<semaphore_mem>>, %arg14: memref<125x64xf32, #tpu.memory_space<vmem>>, %arg15: memref<125x64xf32, #tpu.memory_space<vmem>>) attributes {dimension_semantics = [#tpu.dimension_semantics<core_parallel>, #tpu.dimension_semantics<subcore_parallel>], iteration_bounds = array<i64: 2, 16>, scalar_prefetch = 0 : i64, scratch_operands = 9 : i64, tpu.core_type = #tpu.core_type<sc_vector_subcore>, window_params = [{transform_indices = #map}, {transform_indices = #map}, {transform_indices = #map}, {transform_indices = #map}, {transform_indices = #map}]} {
    %mul3A = arith.constant 1280 : i32
    %mul3A_0 = arith.muli %arg0, %mul3A : i32
    %mul3A_1 = arith.constant 80 : i32
    %mul3A_2 = arith.muli %arg1, %mul3A_1 : i32
    %add3A = arith.addi %mul3A_0, %mul3A_2 : i32
    %add3A_3 = arith.constant 0 : i32
    %add3A_4 = arith.addi %add3A, %add3A_3 : i32
    "tpu.region"() ({
      %run_scoped3A = tpu.sem_alloc : memref<!tpu.dma_semaphore, #tpu.memory_space<semaphore_mem>>
      %dma_start3A = arith.constant 0 : i32
      %dma_start3A_60 = tpu.memref_slice %arg4[%add3A_4, %dma_start3A] : memref<2560x125xi32, #tpu.memory_space<hbm>> -> memref<80x125xi32, #tpu.memory_space<hbm>>
      %dma_start3A_61 = arith.constant 0 : i32
      %dma_start3A_62 = tpu.memref_slice %arg4[%add3A_4, %dma_start3A_61] : memref<2560x125xi32, #tpu.memory_space<hbm>> -> memref<80x125xi32, #tpu.memory_space<hbm>>
      tpu.enqueue_dma source(%dma_start3A_62 : memref<80x125xi32, #tpu.memory_space<hbm>>) target(%arg8 : memref<80x125xi32, #tpu.memory_space<vmem>>) target_semaphore(%run_scoped3A : memref<!tpu.dma_semaphore, #tpu.memory_space<semaphore_mem>>)
      %dma_wait3A_63 = arith.constant 0 : i32
      %dma_wait3A_64 = tpu.memref_slice %arg4[%add3A_4, %dma_wait3A_63] : memref<2560x125xi32, #tpu.memory_space<hbm>> -> memref<80x125xi32, #tpu.memory_space<hbm>>
      %dma_wait3A_65 = arith.constant 0 : i32
      %dma_wait3A_66 = tpu.memref_slice %arg4[%add3A_4, %dma_wait3A_65] : memref<2560x125xi32, #tpu.memory_space<hbm>> -> memref<80x125xi32, #tpu.memory_space<hbm>>
      tpu.wait_dma2 semaphore(%run_scoped3A : memref<!tpu.dma_semaphore, #tpu.memory_space<semaphore_mem>>) src(%dma_wait3A_66 : memref<80x125xi32, #tpu.memory_space<hbm>>) dst(%arg8 : memref<80x125xi32, #tpu.memory_space<vmem>>)
      tpu.yield
    }) : () -> ()
    %add3A_5 = arith.constant 0 : i32
    %add3A_6 = arith.addi %add3A, %add3A_5 : i32
    "tpu.region"() ({
      %run_scoped3A = tpu.sem_alloc : memref<!tpu.dma_semaphore, #tpu.memory_space<semaphore_mem>>
      %dma_start3A = arith.constant 0 : i32
      %dma_start3A_60 = tpu.memref_slice %arg5[%add3A_6, %dma_start3A] : memref<2560x125xi32, #tpu.memory_space<hbm>> -> memref<80x125xi32, #tpu.memory_space<hbm>>
      %dma_start3A_61 = arith.constant 0 : i32
      %dma_start3A_62 = tpu.memref_slice %arg5[%add3A_6, %dma_start3A_61] : memref<2560x125xi32, #tpu.memory_space<hbm>> -> memref<80x125xi32, #tpu.memory_space<hbm>>
      tpu.enqueue_dma source(%dma_start3A_62 : memref<80x125xi32, #tpu.memory_space<hbm>>) target(%arg9 : memref<80x125xi32, #tpu.memory_space<vmem>>) target_semaphore(%run_scoped3A : memref<!tpu.dma_semaphore, #tpu.memory_space<semaphore_mem>>)
      %dma_wait3A_63 = arith.constant 0 : i32
      %dma_wait3A_64 = tpu.memref_slice %arg5[%add3A_6, %dma_wait3A_63] : memref<2560x125xi32, #tpu.memory_space<hbm>> -> memref<80x125xi32, #tpu.memory_space<hbm>>
      %dma_wait3A_65 = arith.constant 0 : i32
      %dma_wait3A_66 = tpu.memref_slice %arg5[%add3A_6, %dma_wait3A_65] : memref<2560x125xi32, #tpu.memory_space<hbm>> -> memref<80x125xi32, #tpu.memory_space<hbm>>
      tpu.wait_dma2 semaphore(%run_scoped3A : memref<!tpu.dma_semaphore, #tpu.memory_space<semaphore_mem>>) src(%dma_wait3A_66 : memref<80x125xi32, #tpu.memory_space<hbm>>) dst(%arg9 : memref<80x125xi32, #tpu.memory_space<vmem>>)
      tpu.yield
    }) : () -> ()
    %eq3A = arith.constant 0 : i32
    %eq3A_7 = arith.cmpi eq, %arg1, %eq3A : i32
    %convert_element_type3A = arith.extui %eq3A_7 : i1 to i32
    %cond3A = arith.constant 0 : i32
    %cond3A_8 = arith.cmpi ne, %convert_element_type3A, %cond3A : i32
    scf.if %cond3A_8 {
      "tpu.region"() ({
        %run_scoped3A = tpu.sem_alloc : memref<!tpu.dma_semaphore, #tpu.memory_space<semaphore_mem>>
        tpu.enqueue_dma source(%arg3 : memref<10000x64xf32, #tpu.memory_space<hbm>>) target(%arg7 : memref<10000x64xf32, #tpu.memory_space<vmem_shared>>) target_semaphore(%run_scoped3A : memref<!tpu.dma_semaphore, #tpu.memory_space<semaphore_mem>>)
        tpu.wait_dma2 semaphore(%run_scoped3A : memref<!tpu.dma_semaphore, #tpu.memory_space<semaphore_mem>>) src(%arg3 : memref<10000x64xf32, #tpu.memory_space<hbm>>) dst(%arg7 : memref<10000x64xf32, #tpu.memory_space<vmem_shared>>)
        tpu.yield
      }) : () -> ()
    } else {
    }
    %barrier3A = arith.constant 0 : index
    tpu.barrier barrier_id(%barrier3A)
    %scan3A = arith.constant 0 : i32
    %scan3A_9 = arith.constant 0 : i32
    %scan3A_10 = arith.constant 20 : i32
    %scan3A_11 = arith.addi %scan3A_9, %scan3A_10 : i32
    %scan3A_12 = arith.constant 1 : i32
    %scan3A_13 = scf.for %scan3A_60 = %scan3A_9 to %scan3A_11 step %scan3A_12 iter_args(%scan3A_61 = %scan3A) -> (i32)  : i32 {
      %mul3A_62 = arith.constant 4 : i32
      %mul3A_63 = arith.muli %mul3A_62, %scan3A_60 : i32
      %gt3A = arith.constant 0 : i32
      %gt3A_64 = arith.cmpi sgt, %scan3A_60, %gt3A : i32
      %convert_element_type3A_65 = arith.extui %gt3A_64 : i1 to i32
      %cond3A_66 = arith.constant 0 : i32
      %cond3A_67 = arith.cmpi ne, %convert_element_type3A_65, %cond3A_66 : i32
      scf.if %cond3A_67 {
        %add3A_215 = arith.constant 0 : i32
        %add3A_216 = arith.addi %mul3A_63, %add3A_215 : i32
        %sub3A = arith.constant 4 : i32
        %sub3A_217 = arith.subi %add3A_216, %sub3A : i32
        %dma_wait3A_218 = arith.constant 0 : i32
        %dma_wait3A_219 = arith.constant 0 : i32
        %dma_wait3A_220 = tpu.memref_slice %arg9[%sub3A_217, %dma_wait3A_219] : memref<80x125xi32, #tpu.memory_space<vmem>> -> memref<1x125xi32, #tpu.memory_space<vmem>>
        %dma_wait3A_221 = tpu.memref_squeeze %dma_wait3A_220 : memref<1x125xi32, #tpu.memory_space<vmem>> -> memref<125xi32, #tpu.memory_space<vmem>>
        %dma_wait3A_222 = arith.constant 0 : i32
        %dma_wait3A_223 = arith.constant 0 : i32
        %dma_wait3A_224 = tpu.memref_slice %arg7[%dma_wait3A_222, %dma_wait3A_223] : memref<10000x64xf32, #tpu.memory_space<vmem_shared>> -> memref<10000x64xf32, #tpu.memory_space<vmem_shared>>
        %dma_wait3A_225 = tpu.memref_slice %arg13[%dma_wait3A_218] : memref<4x!tpu.dma_semaphore, #tpu.memory_space<semaphore_mem>> -> memref<1x!tpu.dma_semaphore, #tpu.memory_space<semaphore_mem>>
        %dma_wait3A_226 = tpu.memref_squeeze %dma_wait3A_225 : memref<1x!tpu.dma_semaphore, #tpu.memory_space<semaphore_mem>> -> memref<!tpu.dma_semaphore, #tpu.memory_space<semaphore_mem>>
        tpu.wait_indirect_dma semaphore(%dma_wait3A_226 : memref<!tpu.dma_semaphore, #tpu.memory_space<semaphore_mem>>) src(%arg10 : memref<125x64xf32, #tpu.memory_space<vmem>>) dst(%dma_wait3A_224 : memref<10000x64xf32, #tpu.memory_space<vmem_shared>>)
      } else {
      }
      %add3A_68 = arith.constant 0 : i32
      %add3A_69 = arith.addi %mul3A_63, %add3A_68 : i32
      %dma_start3A = arith.constant 0 : i32
      %dma_start3A_70 = arith.constant 0 : i32
      %dma_start3A_71 = tpu.memref_slice %arg8[%add3A_69, %dma_start3A_70] : memref<80x125xi32, #tpu.memory_space<vmem>> -> memref<1x125xi32, #tpu.memory_space<vmem>>
      %dma_start3A_72 = tpu.memref_squeeze %dma_start3A_71 : memref<1x125xi32, #tpu.memory_space<vmem>> -> memref<125xi32, #tpu.memory_space<vmem>>
      %dma_start3A_73 = arith.constant 0 : i32
      %dma_start3A_74 = arith.constant 0 : i32
      %dma_start3A_75 = tpu.memref_slice %arg2[%dma_start3A_73, %dma_start3A_74] : memref<10000x64xf32, #tpu.memory_space<hbm>> -> memref<10000x64xf32, #tpu.memory_space<hbm>>
      %dma_start3A_76 = tpu.memref_slice %arg12[%dma_start3A] : memref<4x!tpu.dma_semaphore, #tpu.memory_space<semaphore_mem>> -> memref<1x!tpu.dma_semaphore, #tpu.memory_space<semaphore_mem>>
      %dma_start3A_77 = tpu.memref_squeeze %dma_start3A_76 : memref<1x!tpu.dma_semaphore, #tpu.memory_space<semaphore_mem>> -> memref<!tpu.dma_semaphore, #tpu.memory_space<semaphore_mem>>
      tpu.enqueue_indirect_dma source(%dma_start3A_75 : memref<10000x64xf32, #tpu.memory_space<hbm>>) target(%arg10 : memref<125x64xf32, #tpu.memory_space<vmem>>) offsets(%dma_start3A_72 : memref<125xi32, #tpu.memory_space<vmem>>) semaphore(%dma_start3A_77 : memref<!tpu.dma_semaphore, #tpu.memory_space<semaphore_mem>>)
      %gt3A_78 = arith.constant 0 : i32
      %gt3A_79 = arith.cmpi sgt, %scan3A_60, %gt3A_78 : i32
      %convert_element_type3A_80 = arith.extui %gt3A_79 : i1 to i32
      %cond3A_81 = arith.constant 0 : i32
      %cond3A_82 = arith.cmpi ne, %convert_element_type3A_80, %cond3A_81 : i32
      scf.if %cond3A_82 {
        %add3A_215 = arith.constant 1 : i32
        %add3A_216 = arith.addi %mul3A_63, %add3A_215 : i32
        %sub3A = arith.constant 4 : i32
        %sub3A_217 = arith.subi %add3A_216, %sub3A : i32
        %dma_wait3A_218 = arith.constant 1 : i32
        %dma_wait3A_219 = arith.constant 0 : i32
        %dma_wait3A_220 = tpu.memref_slice %arg9[%sub3A_217, %dma_wait3A_219] : memref<80x125xi32, #tpu.memory_space<vmem>> -> memref<1x125xi32, #tpu.memory_space<vmem>>
        %dma_wait3A_221 = tpu.memref_squeeze %dma_wait3A_220 : memref<1x125xi32, #tpu.memory_space<vmem>> -> memref<125xi32, #tpu.memory_space<vmem>>
        %dma_wait3A_222 = arith.constant 0 : i32
        %dma_wait3A_223 = arith.constant 0 : i32
        %dma_wait3A_224 = tpu.memref_slice %arg7[%dma_wait3A_222, %dma_wait3A_223] : memref<10000x64xf32, #tpu.memory_space<vmem_shared>> -> memref<10000x64xf32, #tpu.memory_space<vmem_shared>>
        %dma_wait3A_225 = tpu.memref_slice %arg13[%dma_wait3A_218] : memref<4x!tpu.dma_semaphore, #tpu.memory_space<semaphore_mem>> -> memref<1x!tpu.dma_semaphore, #tpu.memory_space<semaphore_mem>>
        %dma_wait3A_226 = tpu.memref_squeeze %dma_wait3A_225 : memref<1x!tpu.dma_semaphore, #tpu.memory_space<semaphore_mem>> -> memref<!tpu.dma_semaphore, #tpu.memory_space<semaphore_mem>>
        tpu.wait_indirect_dma semaphore(%dma_wait3A_226 : memref<!tpu.dma_semaphore, #tpu.memory_space<semaphore_mem>>) src(%arg11 : memref<125x64xf32, #tpu.memory_space<vmem>>) dst(%dma_wait3A_224 : memref<10000x64xf32, #tpu.memory_space<vmem_shared>>)
      } else {
      }
      %add3A_83 = arith.constant 1 : i32
      %add3A_84 = arith.addi %mul3A_63, %add3A_83 : i32
      %dma_start3A_85 = arith.constant 1 : i32
      %dma_start3A_86 = arith.constant 0 : i32
      %dma_start3A_87 = tpu.memref_slice %arg8[%add3A_84, %dma_start3A_86] : memref<80x125xi32, #tpu.memory_space<vmem>> -> memref<1x125xi32, #tpu.memory_space<vmem>>
      %dma_start3A_88 = tpu.memref_squeeze %dma_start3A_87 : memref<1x125xi32, #tpu.memory_space<vmem>> -> memref<125xi32, #tpu.memory_space<vmem>>
      %dma_start3A_89 = arith.constant 0 : i32
      %dma_start3A_90 = arith.constant 0 : i32
      %dma_start3A_91 = tpu.memref_slice %arg2[%dma_start3A_89, %dma_start3A_90] : memref<10000x64xf32, #tpu.memory_space<hbm>> -> memref<10000x64xf32, #tpu.memory_space<hbm>>
      %dma_start3A_92 = tpu.memref_slice %arg12[%dma_start3A_85] : memref<4x!tpu.dma_semaphore, #tpu.memory_space<semaphore_mem>> -> memref<1x!tpu.dma_semaphore, #tpu.memory_space<semaphore_mem>>
      %dma_start3A_93 = tpu.memref_squeeze %dma_start3A_92 : memref<1x!tpu.dma_semaphore, #tpu.memory_space<semaphore_mem>> -> memref<!tpu.dma_semaphore, #tpu.memory_space<semaphore_mem>>
      tpu.enqueue_indirect_dma source(%dma_start3A_91 : memref<10000x64xf32, #tpu.memory_space<hbm>>) target(%arg11 : memref<125x64xf32, #tpu.memory_space<vmem>>) offsets(%dma_start3A_88 : memref<125xi32, #tpu.memory_space<vmem>>) semaphore(%dma_start3A_93 : memref<!tpu.dma_semaphore, #tpu.memory_space<semaphore_mem>>)
      %gt3A_94 = arith.constant 0 : i32
      %gt3A_95 = arith.cmpi sgt, %scan3A_60, %gt3A_94 : i32
      %convert_element_type3A_96 = arith.extui %gt3A_95 : i1 to i32
      %cond3A_97 = arith.constant 0 : i32
      %cond3A_98 = arith.cmpi ne, %convert_element_type3A_96, %cond3A_97 : i32
      scf.if %cond3A_98 {
        %add3A_215 = arith.constant 2 : i32
        %add3A_216 = arith.addi %mul3A_63, %add3A_215 : i32
        %sub3A = arith.constant 4 : i32
        %sub3A_217 = arith.subi %add3A_216, %sub3A : i32
        %dma_wait3A_218 = arith.constant 2 : i32
        %dma_wait3A_219 = arith.constant 0 : i32
        %dma_wait3A_220 = tpu.memref_slice %arg9[%sub3A_217, %dma_wait3A_219] : memref<80x125xi32, #tpu.memory_space<vmem>> -> memref<1x125xi32, #tpu.memory_space<vmem>>
        %dma_wait3A_221 = tpu.memref_squeeze %dma_wait3A_220 : memref<1x125xi32, #tpu.memory_space<vmem>> -> memref<125xi32, #tpu.memory_space<vmem>>
        %dma_wait3A_222 = arith.constant 0 : i32
        %dma_wait3A_223 = arith.constant 0 : i32
        %dma_wait3A_224 = tpu.memref_slice %arg7[%dma_wait3A_222, %dma_wait3A_223] : memref<10000x64xf32, #tpu.memory_space<vmem_shared>> -> memref<10000x64xf32, #tpu.memory_space<vmem_shared>>
        %dma_wait3A_225 = tpu.memref_slice %arg13[%dma_wait3A_218] : memref<4x!tpu.dma_semaphore, #tpu.memory_space<semaphore_mem>> -> memref<1x!tpu.dma_semaphore, #tpu.memory_space<semaphore_mem>>
        %dma_wait3A_226 = tpu.memref_squeeze %dma_wait3A_225 : memref<1x!tpu.dma_semaphore, #tpu.memory_space<semaphore_mem>> -> memref<!tpu.dma_semaphore, #tpu.memory_space<semaphore_mem>>
        tpu.wait_indirect_dma semaphore(%dma_wait3A_226 : memref<!tpu.dma_semaphore, #tpu.memory_space<semaphore_mem>>) src(%arg14 : memref<125x64xf32, #tpu.memory_space<vmem>>) dst(%dma_wait3A_224 : memref<10000x64xf32, #tpu.memory_space<vmem_shared>>)
      } else {
      }
      %add3A_99 = arith.constant 2 : i32
      %add3A_100 = arith.addi %mul3A_63, %add3A_99 : i32
      %dma_start3A_101 = arith.constant 2 : i32
      %dma_start3A_102 = arith.constant 0 : i32
      %dma_start3A_103 = tpu.memref_slice %arg8[%add3A_100, %dma_start3A_102] : memref<80x125xi32, #tpu.memory_space<vmem>> -> memref<1x125xi32, #tpu.memory_space<vmem>>
      %dma_start3A_104 = tpu.memref_squeeze %dma_start3A_103 : memref<1x125xi32, #tpu.memory_space<vmem>> -> memref<125xi32, #tpu.memory_space<vmem>>
      %dma_start3A_105 = arith.constant 0 : i32
      %dma_start3A_106 = arith.constant 0 : i32
      %dma_start3A_107 = tpu.memref_slice %arg2[%dma_start3A_105, %dma_start3A_106] : memref<10000x64xf32, #tpu.memory_space<hbm>> -> memref<10000x64xf32, #tpu.memory_space<hbm>>
      %dma_start3A_108 = tpu.memref_slice %arg12[%dma_start3A_101] : memref<4x!tpu.dma_semaphore, #tpu.memory_space<semaphore_mem>> -> memref<1x!tpu.dma_semaphore, #tpu.memory_space<semaphore_mem>>
      %dma_start3A_109 = tpu.memref_squeeze %dma_start3A_108 : memref<1x!tpu.dma_semaphore, #tpu.memory_space<semaphore_mem>> -> memref<!tpu.dma_semaphore, #tpu.memory_space<semaphore_mem>>
      tpu.enqueue_indirect_dma source(%dma_start3A_107 : memref<10000x64xf32, #tpu.memory_space<hbm>>) target(%arg14 : memref<125x64xf32, #tpu.memory_space<vmem>>) offsets(%dma_start3A_104 : memref<125xi32, #tpu.memory_space<vmem>>) semaphore(%dma_start3A_109 : memref<!tpu.dma_semaphore, #tpu.memory_space<semaphore_mem>>)
      %gt3A_110 = arith.constant 0 : i32
      %gt3A_111 = arith.cmpi sgt, %scan3A_60, %gt3A_110 : i32
      %convert_element_type3A_112 = arith.extui %gt3A_111 : i1 to i32
      %cond3A_113 = arith.constant 0 : i32
      %cond3A_114 = arith.cmpi ne, %convert_element_type3A_112, %cond3A_113 : i32
      scf.if %cond3A_114 {
        %add3A_215 = arith.constant 3 : i32
        %add3A_216 = arith.addi %mul3A_63, %add3A_215 : i32
        %sub3A = arith.constant 4 : i32
        %sub3A_217 = arith.subi %add3A_216, %sub3A : i32
        %dma_wait3A_218 = arith.constant 3 : i32
        %dma_wait3A_219 = arith.constant 0 : i32
        %dma_wait3A_220 = tpu.memref_slice %arg9[%sub3A_217, %dma_wait3A_219] : memref<80x125xi32, #tpu.memory_space<vmem>> -> memref<1x125xi32, #tpu.memory_space<vmem>>
        %dma_wait3A_221 = tpu.memref_squeeze %dma_wait3A_220 : memref<1x125xi32, #tpu.memory_space<vmem>> -> memref<125xi32, #tpu.memory_space<vmem>>
        %dma_wait3A_222 = arith.constant 0 : i32
        %dma_wait3A_223 = arith.constant 0 : i32
        %dma_wait3A_224 = tpu.memref_slice %arg7[%dma_wait3A_222, %dma_wait3A_223] : memref<10000x64xf32, #tpu.memory_space<vmem_shared>> -> memref<10000x64xf32, #tpu.memory_space<vmem_shared>>
        %dma_wait3A_225 = tpu.memref_slice %arg13[%dma_wait3A_218] : memref<4x!tpu.dma_semaphore, #tpu.memory_space<semaphore_mem>> -> memref<1x!tpu.dma_semaphore, #tpu.memory_space<semaphore_mem>>
        %dma_wait3A_226 = tpu.memref_squeeze %dma_wait3A_225 : memref<1x!tpu.dma_semaphore, #tpu.memory_space<semaphore_mem>> -> memref<!tpu.dma_semaphore, #tpu.memory_space<semaphore_mem>>
        tpu.wait_indirect_dma semaphore(%dma_wait3A_226 : memref<!tpu.dma_semaphore, #tpu.memory_space<semaphore_mem>>) src(%arg15 : memref<125x64xf32, #tpu.memory_space<vmem>>) dst(%dma_wait3A_224 : memref<10000x64xf32, #tpu.memory_space<vmem_shared>>)
      } else {
      }
      %add3A_115 = arith.constant 3 : i32
      %add3A_116 = arith.addi %mul3A_63, %add3A_115 : i32
      %dma_start3A_117 = arith.constant 3 : i32
      %dma_start3A_118 = arith.constant 0 : i32
      %dma_start3A_119 = tpu.memref_slice %arg8[%add3A_116, %dma_start3A_118] : memref<80x125xi32, #tpu.memory_space<vmem>> -> memref<1x125xi32, #tpu.memory_space<vmem>>
      %dma_start3A_120 = tpu.memref_squeeze %dma_start3A_119 : memref<1x125xi32, #tpu.memory_space<vmem>> -> memref<125xi32, #tpu.memory_space<vmem>>
      %dma_start3A_121 = arith.constant 0 : i32
      %dma_start3A_122 = arith.constant 0 : i32
      %dma_start3A_123 = tpu.memref_slice %arg2[%dma_start3A_121, %dma_start3A_122] : memref<10000x64xf32, #tpu.memory_space<hbm>> -> memref<10000x64xf32, #tpu.memory_space<hbm>>
      %dma_start3A_124 = tpu.memref_slice %arg12[%dma_start3A_117] : memref<4x!tpu.dma_semaphore, #tpu.memory_space<semaphore_mem>> -> memref<1x!tpu.dma_semaphore, #tpu.memory_space<semaphore_mem>>
      %dma_start3A_125 = tpu.memref_squeeze %dma_start3A_124 : memref<1x!tpu.dma_semaphore, #tpu.memory_space<semaphore_mem>> -> memref<!tpu.dma_semaphore, #tpu.memory_space<semaphore_mem>>
      tpu.enqueue_indirect_dma source(%dma_start3A_123 : memref<10000x64xf32, #tpu.memory_space<hbm>>) target(%arg15 : memref<125x64xf32, #tpu.memory_space<vmem>>) offsets(%dma_start3A_120 : memref<125xi32, #tpu.memory_space<vmem>>) semaphore(%dma_start3A_125 : memref<!tpu.dma_semaphore, #tpu.memory_space<semaphore_mem>>)
      %add3A_126 = arith.constant 0 : i32
      %add3A_127 = arith.addi %mul3A_63, %add3A_126 : i32
      %dma_wait3A_128 = arith.constant 0 : i32
      %dma_wait3A_129 = arith.constant 0 : i32
      %dma_wait3A_130 = tpu.memref_slice %arg8[%add3A_127, %dma_wait3A_129] : memref<80x125xi32, #tpu.memory_space<vmem>> -> memref<1x125xi32, #tpu.memory_space<vmem>>
      %dma_wait3A_131 = tpu.memref_squeeze %dma_wait3A_130 : memref<1x125xi32, #tpu.memory_space<vmem>> -> memref<125xi32, #tpu.memory_space<vmem>>
      %dma_wait3A_132 = arith.constant 0 : i32
      %dma_wait3A_133 = arith.constant 0 : i32
      %dma_wait3A_134 = tpu.memref_slice %arg2[%dma_wait3A_132, %dma_wait3A_133] : memref<10000x64xf32, #tpu.memory_space<hbm>> -> memref<10000x64xf32, #tpu.memory_space<hbm>>
      %dma_wait3A_135 = tpu.memref_slice %arg12[%dma_wait3A_128] : memref<4x!tpu.dma_semaphore, #tpu.memory_space<semaphore_mem>> -> memref<1x!tpu.dma_semaphore, #tpu.memory_space<semaphore_mem>>
      %dma_wait3A_136 = tpu.memref_squeeze %dma_wait3A_135 : memref<1x!tpu.dma_semaphore, #tpu.memory_space<semaphore_mem>> -> memref<!tpu.dma_semaphore, #tpu.memory_space<semaphore_mem>>
      tpu.wait_indirect_dma semaphore(%dma_wait3A_136 : memref<!tpu.dma_semaphore, #tpu.memory_space<semaphore_mem>>) src(%dma_wait3A_134 : memref<10000x64xf32, #tpu.memory_space<hbm>>) dst(%arg10 : memref<125x64xf32, #tpu.memory_space<vmem>>)
      %add3A_137 = arith.constant 0 : i32
      %add3A_138 = arith.addi %mul3A_63, %add3A_137 : i32
      %dma_start3A_139 = arith.constant 0 : i32
      %dma_start3A_140 = arith.constant 0 : i32
      %dma_start3A_141 = tpu.memref_slice %arg9[%add3A_138, %dma_start3A_140] : memref<80x125xi32, #tpu.memory_space<vmem>> -> memref<1x125xi32, #tpu.memory_space<vmem>>
      %dma_start3A_142 = tpu.memref_squeeze %dma_start3A_141 : memref<1x125xi32, #tpu.memory_space<vmem>> -> memref<125xi32, #tpu.memory_space<vmem>>
      %dma_start3A_143 = arith.constant 0 : i32
      %dma_start3A_144 = arith.constant 0 : i32
      %dma_start3A_145 = tpu.memref_slice %arg7[%dma_start3A_143, %dma_start3A_144] : memref<10000x64xf32, #tpu.memory_space<vmem_shared>> -> memref<10000x64xf32, #tpu.memory_space<vmem_shared>>
      %dma_start3A_146 = tpu.memref_slice %arg13[%dma_start3A_139] : memref<4x!tpu.dma_semaphore, #tpu.memory_space<semaphore_mem>> -> memref<1x!tpu.dma_semaphore, #tpu.memory_space<semaphore_mem>>
      %dma_start3A_147 = tpu.memref_squeeze %dma_start3A_146 : memref<1x!tpu.dma_semaphore, #tpu.memory_space<semaphore_mem>> -> memref<!tpu.dma_semaphore, #tpu.memory_space<semaphore_mem>>
      tpu.enqueue_indirect_dma source(%arg10 : memref<125x64xf32, #tpu.memory_space<vmem>>) target(%dma_start3A_145 : memref<10000x64xf32, #tpu.memory_space<vmem_shared>>) offsets(%dma_start3A_142 : memref<125xi32, #tpu.memory_space<vmem>>) semaphore(%dma_start3A_147 : memref<!tpu.dma_semaphore, #tpu.memory_space<semaphore_mem>>) {add = true}
      %add3A_148 = arith.constant 1 : i32
      %add3A_149 = arith.addi %mul3A_63, %add3A_148 : i32
      %dma_wait3A_150 = arith.constant 1 : i32
      %dma_wait3A_151 = arith.constant 0 : i32
      %dma_wait3A_152 = tpu.memref_slice %arg8[%add3A_149, %dma_wait3A_151] : memref<80x125xi32, #tpu.memory_space<vmem>> -> memref<1x125xi32, #tpu.memory_space<vmem>>
      %dma_wait3A_153 = tpu.memref_squeeze %dma_wait3A_152 : memref<1x125xi32, #tpu.memory_space<vmem>> -> memref<125xi32, #tpu.memory_space<vmem>>
      %dma_wait3A_154 = arith.constant 0 : i32
      %dma_wait3A_155 = arith.constant 0 : i32
      %dma_wait3A_156 = tpu.memref_slice %arg2[%dma_wait3A_154, %dma_wait3A_155] : memref<10000x64xf32, #tpu.memory_space<hbm>> -> memref<10000x64xf32, #tpu.memory_space<hbm>>
      %dma_wait3A_157 = tpu.memref_slice %arg12[%dma_wait3A_150] : memref<4x!tpu.dma_semaphore, #tpu.memory_space<semaphore_mem>> -> memref<1x!tpu.dma_semaphore, #tpu.memory_space<semaphore_mem>>
      %dma_wait3A_158 = tpu.memref_squeeze %dma_wait3A_157 : memref<1x!tpu.dma_semaphore, #tpu.memory_space<semaphore_mem>> -> memref<!tpu.dma_semaphore, #tpu.memory_space<semaphore_mem>>
      tpu.wait_indirect_dma semaphore(%dma_wait3A_158 : memref<!tpu.dma_semaphore, #tpu.memory_space<semaphore_mem>>) src(%dma_wait3A_156 : memref<10000x64xf32, #tpu.memory_space<hbm>>) dst(%arg11 : memref<125x64xf32, #tpu.memory_space<vmem>>)
      %add3A_159 = arith.constant 1 : i32
      %add3A_160 = arith.addi %mul3A_63, %add3A_159 : i32
      %dma_start3A_161 = arith.constant 1 : i32
      %dma_start3A_162 = arith.constant 0 : i32
      %dma_start3A_163 = tpu.memref_slice %arg9[%add3A_160, %dma_start3A_162] : memref<80x125xi32, #tpu.memory_space<vmem>> -> memref<1x125xi32, #tpu.memory_space<vmem>>
      %dma_start3A_164 = tpu.memref_squeeze %dma_start3A_163 : memref<1x125xi32, #tpu.memory_space<vmem>> -> memref<125xi32, #tpu.memory_space<vmem>>
      %dma_start3A_165 = arith.constant 0 : i32
      %dma_start3A_166 = arith.constant 0 : i32
      %dma_start3A_167 = tpu.memref_slice %arg7[%dma_start3A_165, %dma_start3A_166] : memref<10000x64xf32, #tpu.memory_space<vmem_shared>> -> memref<10000x64xf32, #tpu.memory_space<vmem_shared>>
      %dma_start3A_168 = tpu.memref_slice %arg13[%dma_start3A_161] : memref<4x!tpu.dma_semaphore, #tpu.memory_space<semaphore_mem>> -> memref<1x!tpu.dma_semaphore, #tpu.memory_space<semaphore_mem>>
      %dma_start3A_169 = tpu.memref_squeeze %dma_start3A_168 : memref<1x!tpu.dma_semaphore, #tpu.memory_space<semaphore_mem>> -> memref<!tpu.dma_semaphore, #tpu.memory_space<semaphore_mem>>
      tpu.enqueue_indirect_dma source(%arg11 : memref<125x64xf32, #tpu.memory_space<vmem>>) target(%dma_start3A_167 : memref<10000x64xf32, #tpu.memory_space<vmem_shared>>) offsets(%dma_start3A_164 : memref<125xi32, #tpu.memory_space<vmem>>) semaphore(%dma_start3A_169 : memref<!tpu.dma_semaphore, #tpu.memory_space<semaphore_mem>>) {add = true}
      %add3A_170 = arith.constant 2 : i32
      %add3A_171 = arith.addi %mul3A_63, %add3A_170 : i32
      %dma_wait3A_172 = arith.constant 2 : i32
      %dma_wait3A_173 = arith.constant 0 : i32
      %dma_wait3A_174 = tpu.memref_slice %arg8[%add3A_171, %dma_wait3A_173] : memref<80x125xi32, #tpu.memory_space<vmem>> -> memref<1x125xi32, #tpu.memory_space<vmem>>
      %dma_wait3A_175 = tpu.memref_squeeze %dma_wait3A_174 : memref<1x125xi32, #tpu.memory_space<vmem>> -> memref<125xi32, #tpu.memory_space<vmem>>
      %dma_wait3A_176 = arith.constant 0 : i32
      %dma_wait3A_177 = arith.constant 0 : i32
      %dma_wait3A_178 = tpu.memref_slice %arg2[%dma_wait3A_176, %dma_wait3A_177] : memref<10000x64xf32, #tpu.memory_space<hbm>> -> memref<10000x64xf32, #tpu.memory_space<hbm>>
      %dma_wait3A_179 = tpu.memref_slice %arg12[%dma_wait3A_172] : memref<4x!tpu.dma_semaphore, #tpu.memory_space<semaphore_mem>> -> memref<1x!tpu.dma_semaphore, #tpu.memory_space<semaphore_mem>>
      %dma_wait3A_180 = tpu.memref_squeeze %dma_wait3A_179 : memref<1x!tpu.dma_semaphore, #tpu.memory_space<semaphore_mem>> -> memref<!tpu.dma_semaphore, #tpu.memory_space<semaphore_mem>>
      tpu.wait_indirect_dma semaphore(%dma_wait3A_180 : memref<!tpu.dma_semaphore, #tpu.memory_space<semaphore_mem>>) src(%dma_wait3A_178 : memref<10000x64xf32, #tpu.memory_space<hbm>>) dst(%arg14 : memref<125x64xf32, #tpu.memory_space<vmem>>)
      %add3A_181 = arith.constant 2 : i32
      %add3A_182 = arith.addi %mul3A_63, %add3A_181 : i32
      %dma_start3A_183 = arith.constant 2 : i32
      %dma_start3A_184 = arith.constant 0 : i32
      %dma_start3A_185 = tpu.memref_slice %arg9[%add3A_182, %dma_start3A_184] : memref<80x125xi32, #tpu.memory_space<vmem>> -> memref<1x125xi32, #tpu.memory_space<vmem>>
      %dma_start3A_186 = tpu.memref_squeeze %dma_start3A_185 : memref<1x125xi32, #tpu.memory_space<vmem>> -> memref<125xi32, #tpu.memory_space<vmem>>
      %dma_start3A_187 = arith.constant 0 : i32
      %dma_start3A_188 = arith.constant 0 : i32
      %dma_start3A_189 = tpu.memref_slice %arg7[%dma_start3A_187, %dma_start3A_188] : memref<10000x64xf32, #tpu.memory_space<vmem_shared>> -> memref<10000x64xf32, #tpu.memory_space<vmem_shared>>
      %dma_start3A_190 = tpu.memref_slice %arg13[%dma_start3A_183] : memref<4x!tpu.dma_semaphore, #tpu.memory_space<semaphore_mem>> -> memref<1x!tpu.dma_semaphore, #tpu.memory_space<semaphore_mem>>
      %dma_start3A_191 = tpu.memref_squeeze %dma_start3A_190 : memref<1x!tpu.dma_semaphore, #tpu.memory_space<semaphore_mem>> -> memref<!tpu.dma_semaphore, #tpu.memory_space<semaphore_mem>>
      tpu.enqueue_indirect_dma source(%arg14 : memref<125x64xf32, #tpu.memory_space<vmem>>) target(%dma_start3A_189 : memref<10000x64xf32, #tpu.memory_space<vmem_shared>>) offsets(%dma_start3A_186 : memref<125xi32, #tpu.memory_space<vmem>>) semaphore(%dma_start3A_191 : memref<!tpu.dma_semaphore, #tpu.memory_space<semaphore_mem>>) {add = true}
      %add3A_192 = arith.constant 3 : i32
      %add3A_193 = arith.addi %mul3A_63, %add3A_192 : i32
      %dma_wait3A_194 = arith.constant 3 : i32
      %dma_wait3A_195 = arith.constant 0 : i32
      %dma_wait3A_196 = tpu.memref_slice %arg8[%add3A_193, %dma_wait3A_195] : memref<80x125xi32, #tpu.memory_space<vmem>> -> memref<1x125xi32, #tpu.memory_space<vmem>>
      %dma_wait3A_197 = tpu.memref_squeeze %dma_wait3A_196 : memref<1x125xi32, #tpu.memory_space<vmem>> -> memref<125xi32, #tpu.memory_space<vmem>>
      %dma_wait3A_198 = arith.constant 0 : i32
      %dma_wait3A_199 = arith.constant 0 : i32
      %dma_wait3A_200 = tpu.memref_slice %arg2[%dma_wait3A_198, %dma_wait3A_199] : memref<10000x64xf32, #tpu.memory_space<hbm>> -> memref<10000x64xf32, #tpu.memory_space<hbm>>
      %dma_wait3A_201 = tpu.memref_slice %arg12[%dma_wait3A_194] : memref<4x!tpu.dma_semaphore, #tpu.memory_space<semaphore_mem>> -> memref<1x!tpu.dma_semaphore, #tpu.memory_space<semaphore_mem>>
      %dma_wait3A_202 = tpu.memref_squeeze %dma_wait3A_201 : memref<1x!tpu.dma_semaphore, #tpu.memory_space<semaphore_mem>> -> memref<!tpu.dma_semaphore, #tpu.memory_space<semaphore_mem>>
      tpu.wait_indirect_dma semaphore(%dma_wait3A_202 : memref<!tpu.dma_semaphore, #tpu.memory_space<semaphore_mem>>) src(%dma_wait3A_200 : memref<10000x64xf32, #tpu.memory_space<hbm>>) dst(%arg15 : memref<125x64xf32, #tpu.memory_space<vmem>>)
      %add3A_203 = arith.constant 3 : i32
      %add3A_204 = arith.addi %mul3A_63, %add3A_203 : i32
      %dma_start3A_205 = arith.constant 3 : i32
      %dma_start3A_206 = arith.constant 0 : i32
      %dma_start3A_207 = tpu.memref_slice %arg9[%add3A_204, %dma_start3A_206] : memref<80x125xi32, #tpu.memory_space<vmem>> -> memref<1x125xi32, #tpu.memory_space<vmem>>
      %dma_start3A_208 = tpu.memref_squeeze %dma_start3A_207 : memref<1x125xi32, #tpu.memory_space<vmem>> -> memref<125xi32, #tpu.memory_space<vmem>>
      %dma_start3A_209 = arith.constant 0 : i32
      %dma_start3A_210 = arith.constant 0 : i32
      %dma_start3A_211 = tpu.memref_slice %arg7[%dma_start3A_209, %dma_start3A_210] : memref<10000x64xf32, #tpu.memory_space<vmem_shared>> -> memref<10000x64xf32, #tpu.memory_space<vmem_shared>>
      %dma_start3A_212 = tpu.memref_slice %arg13[%dma_start3A_205] : memref<4x!tpu.dma_semaphore, #tpu.memory_space<semaphore_mem>> -> memref<1x!tpu.dma_semaphore, #tpu.memory_space<semaphore_mem>>
      %dma_start3A_213 = tpu.memref_squeeze %dma_start3A_212 : memref<1x!tpu.dma_semaphore, #tpu.memory_space<semaphore_mem>> -> memref<!tpu.dma_semaphore, #tpu.memory_space<semaphore_mem>>
      tpu.enqueue_indirect_dma source(%arg15 : memref<125x64xf32, #tpu.memory_space<vmem>>) target(%dma_start3A_211 : memref<10000x64xf32, #tpu.memory_space<vmem_shared>>) offsets(%dma_start3A_208 : memref<125xi32, #tpu.memory_space<vmem>>) semaphore(%dma_start3A_213 : memref<!tpu.dma_semaphore, #tpu.memory_space<semaphore_mem>>) {add = true}
      %scan3A_214 = arith.constant 0 : i32
      scf.yield %scan3A_214 : i32
    }
    %scan3A_14 = arith.constant 20 : i32
    %dma_wait3A = arith.constant 76 : i32
    %dma_wait3A_15 = arith.constant 0 : i32
    %dma_wait3A_16 = arith.constant 0 : i32
    %dma_wait3A_17 = tpu.memref_slice %arg9[%dma_wait3A, %dma_wait3A_16] : memref<80x125xi32, #tpu.memory_space<vmem>> -> memref<1x125xi32, #tpu.memory_space<vmem>>
    %dma_wait3A_18 = tpu.memref_squeeze %dma_wait3A_17 : memref<1x125xi32, #tpu.memory_space<vmem>> -> memref<125xi32, #tpu.memory_space<vmem>>
    %dma_wait3A_19 = arith.constant 0 : i32
    %dma_wait3A_20 = arith.constant 0 : i32
    %dma_wait3A_21 = tpu.memref_slice %arg7[%dma_wait3A_19, %dma_wait3A_20] : memref<10000x64xf32, #tpu.memory_space<vmem_shared>> -> memref<10000x64xf32, #tpu.memory_space<vmem_shared>>
    %dma_wait3A_22 = tpu.memref_slice %arg13[%dma_wait3A_15] : memref<4x!tpu.dma_semaphore, #tpu.memory_space<semaphore_mem>> -> memref<1x!tpu.dma_semaphore, #tpu.memory_space<semaphore_mem>>
    %dma_wait3A_23 = tpu.memref_squeeze %dma_wait3A_22 : memref<1x!tpu.dma_semaphore, #tpu.memory_space<semaphore_mem>> -> memref<!tpu.dma_semaphore, #tpu.memory_space<semaphore_mem>>
    tpu.wait_indirect_dma semaphore(%dma_wait3A_23 : memref<!tpu.dma_semaphore, #tpu.memory_space<semaphore_mem>>) src(%arg10 : memref<125x64xf32, #tpu.memory_space<vmem>>) dst(%dma_wait3A_21 : memref<10000x64xf32, #tpu.memory_space<vmem_shared>>)
    %dma_wait3A_24 = arith.constant 77 : i32
    %dma_wait3A_25 = arith.constant 1 : i32
    %dma_wait3A_26 = arith.constant 0 : i32
    %dma_wait3A_27 = tpu.memref_slice %arg9[%dma_wait3A_24, %dma_wait3A_26] : memref<80x125xi32, #tpu.memory_space<vmem>> -> memref<1x125xi32, #tpu.memory_space<vmem>>
    %dma_wait3A_28 = tpu.memref_squeeze %dma_wait3A_27 : memref<1x125xi32, #tpu.memory_space<vmem>> -> memref<125xi32, #tpu.memory_space<vmem>>
    %dma_wait3A_29 = arith.constant 0 : i32
    %dma_wait3A_30 = arith.constant 0 : i32
    %dma_wait3A_31 = tpu.memref_slice %arg7[%dma_wait3A_29, %dma_wait3A_30] : memref<10000x64xf32, #tpu.memory_space<vmem_shared>> -> memref<10000x64xf32, #tpu.memory_space<vmem_shared>>
    %dma_wait3A_32 = tpu.memref_slice %arg13[%dma_wait3A_25] : memref<4x!tpu.dma_semaphore, #tpu.memory_space<semaphore_mem>> -> memref<1x!tpu.dma_semaphore, #tpu.memory_space<semaphore_mem>>
    %dma_wait3A_33 = tpu.memref_squeeze %dma_wait3A_32 : memref<1x!tpu.dma_semaphore, #tpu.memory_space<semaphore_mem>> -> memref<!tpu.dma_semaphore, #tpu.memory_space<semaphore_mem>>
    tpu.wait_indirect_dma semaphore(%dma_wait3A_33 : memref<!tpu.dma_semaphore, #tpu.memory_space<semaphore_mem>>) src(%arg11 : memref<125x64xf32, #tpu.memory_space<vmem>>) dst(%dma_wait3A_31 : memref<10000x64xf32, #tpu.memory_space<vmem_shared>>)
    %dma_wait3A_34 = arith.constant 78 : i32
    %dma_wait3A_35 = arith.constant 2 : i32
    %dma_wait3A_36 = arith.constant 0 : i32
    %dma_wait3A_37 = tpu.memref_slice %arg9[%dma_wait3A_34, %dma_wait3A_36] : memref<80x125xi32, #tpu.memory_space<vmem>> -> memref<1x125xi32, #tpu.memory_space<vmem>>
    %dma_wait3A_38 = tpu.memref_squeeze %dma_wait3A_37 : memref<1x125xi32, #tpu.memory_space<vmem>> -> memref<125xi32, #tpu.memory_space<vmem>>
    %dma_wait3A_39 = arith.constant 0 : i32
    %dma_wait3A_40 = arith.constant 0 : i32
    %dma_wait3A_41 = tpu.memref_slice %arg7[%dma_wait3A_39, %dma_wait3A_40] : memref<10000x64xf32, #tpu.memory_space<vmem_shared>> -> memref<10000x64xf32, #tpu.memory_space<vmem_shared>>
    %dma_wait3A_42 = tpu.memref_slice %arg13[%dma_wait3A_35] : memref<4x!tpu.dma_semaphore, #tpu.memory_space<semaphore_mem>> -> memref<1x!tpu.dma_semaphore, #tpu.memory_space<semaphore_mem>>
    %dma_wait3A_43 = tpu.memref_squeeze %dma_wait3A_42 : memref<1x!tpu.dma_semaphore, #tpu.memory_space<semaphore_mem>> -> memref<!tpu.dma_semaphore, #tpu.memory_space<semaphore_mem>>
    tpu.wait_indirect_dma semaphore(%dma_wait3A_43 : memref<!tpu.dma_semaphore, #tpu.memory_space<semaphore_mem>>) src(%arg14 : memref<125x64xf32, #tpu.memory_space<vmem>>) dst(%dma_wait3A_41 : memref<10000x64xf32, #tpu.memory_space<vmem_shared>>)
    %dma_wait3A_44 = arith.constant 79 : i32
    %dma_wait3A_45 = arith.constant 3 : i32
    %dma_wait3A_46 = arith.constant 0 : i32
    %dma_wait3A_47 = tpu.memref_slice %arg9[%dma_wait3A_44, %dma_wait3A_46] : memref<80x125xi32, #tpu.memory_space<vmem>> -> memref<1x125xi32, #tpu.memory_space<vmem>>
    %dma_wait3A_48 = tpu.memref_squeeze %dma_wait3A_47 : memref<1x125xi32, #tpu.memory_space<vmem>> -> memref<125xi32, #tpu.memory_space<vmem>>
    %dma_wait3A_49 = arith.constant 0 : i32
    %dma_wait3A_50 = arith.constant 0 : i32
    %dma_wait3A_51 = tpu.memref_slice %arg7[%dma_wait3A_49, %dma_wait3A_50] : memref<10000x64xf32, #tpu.memory_space<vmem_shared>> -> memref<10000x64xf32, #tpu.memory_space<vmem_shared>>
    %dma_wait3A_52 = tpu.memref_slice %arg13[%dma_wait3A_45] : memref<4x!tpu.dma_semaphore, #tpu.memory_space<semaphore_mem>> -> memref<1x!tpu.dma_semaphore, #tpu.memory_space<semaphore_mem>>
    %dma_wait3A_53 = tpu.memref_squeeze %dma_wait3A_52 : memref<1x!tpu.dma_semaphore, #tpu.memory_space<semaphore_mem>> -> memref<!tpu.dma_semaphore, #tpu.memory_space<semaphore_mem>>
    tpu.wait_indirect_dma semaphore(%dma_wait3A_53 : memref<!tpu.dma_semaphore, #tpu.memory_space<semaphore_mem>>) src(%arg15 : memref<125x64xf32, #tpu.memory_space<vmem>>) dst(%dma_wait3A_51 : memref<10000x64xf32, #tpu.memory_space<vmem_shared>>)
    %barrier3A_54 = arith.constant 0 : index
    tpu.barrier barrier_id(%barrier3A_54)
    %eq3A_55 = arith.constant 0 : i32
    %eq3A_56 = arith.cmpi eq, %arg1, %eq3A_55 : i32
    %convert_element_type3A_57 = arith.extui %eq3A_56 : i1 to i32
    %cond3A_58 = arith.constant 0 : i32
    %cond3A_59 = arith.cmpi ne, %convert_element_type3A_57, %cond3A_58 : i32
    scf.if %cond3A_59 {
      %mul3A_60 = arith.constant 64 : i32
      %mul3A_61 = arith.muli %mul3A_60, %arg0 : i32
      "tpu.region"() ({
        %run_scoped3A = tpu.sem_alloc : memref<!tpu.dma_semaphore, #tpu.memory_space<semaphore_mem>>
        %dma_start3A = arith.constant 0 : i32
        %dma_start3A_62 = tpu.memref_slice %arg6[%dma_start3A, %mul3A_61] : memref<10000x128xf32, #tpu.memory_space<hbm>> -> memref<10000x64xf32, #tpu.memory_space<hbm>>
        tpu.enqueue_dma source(%arg7 : memref<10000x64xf32, #tpu.memory_space<vmem_shared>>) target(%dma_start3A_62 : memref<10000x64xf32, #tpu.memory_space<hbm>>) target_semaphore(%run_scoped3A : memref<!tpu.dma_semaphore, #tpu.memory_space<semaphore_mem>>)
        %dma_wait3A_63 = arith.constant 0 : i32
        %dma_wait3A_64 = tpu.memref_slice %arg6[%dma_wait3A_63, %mul3A_61] : memref<10000x128xf32, #tpu.memory_space<hbm>> -> memref<10000x64xf32, #tpu.memory_space<hbm>>
        tpu.wait_dma2 semaphore(%run_scoped3A : memref<!tpu.dma_semaphore, #tpu.memory_space<semaphore_mem>>) src(%arg7 : memref<10000x64xf32, #tpu.memory_space<vmem_shared>>) dst(%dma_wait3A_64 : memref<10000x64xf32, #tpu.memory_space<hbm>>)
        tpu.yield
      }) : () -> ()
    } else {
    }
    return
  }
}

#map = affine_map<(d0, d1) -> (0, 0)>
module attributes {stable_mosaic.version = 14 : i64} {
  func.func @_agg_body(%arg0: i32, %arg1: i32, %arg2: memref<10000x128xf32, #tpu.memory_space<hbm>>, %arg3: memref<10000x128xf32, #tpu.memory_space<hbm>>, %arg4: memref<2560x125xi32, #tpu.memory_space<hbm>>, %arg5: memref<2560x125xi32, #tpu.memory_space<hbm>>, %arg6: memref<20000x128xf32, #tpu.memory_space<hbm>>, %arg7: memref<10000x128xf32, #tpu.memory_space<vmem_shared>>, %arg8: memref<40x125xi32, #tpu.memory_space<vmem>>, %arg9: memref<40x125xi32, #tpu.memory_space<vmem>>, %arg10: memref<125x128xf32, #tpu.memory_space<vmem>>, %arg11: memref<125x128xf32, #tpu.memory_space<vmem>>, %arg12: memref<!tpu.dma_semaphore, #tpu.memory_space<semaphore_mem>>, %arg13: memref<!tpu.dma_semaphore, #tpu.memory_space<semaphore_mem>>) attributes {dimension_semantics = [#tpu.dimension_semantics<core_parallel>, #tpu.dimension_semantics<subcore_parallel>], iteration_bounds = array<i64: 2, 16>, scalar_prefetch = 0 : i64, scratch_operands = 7 : i64, tpu.core_type = #tpu.core_type<sc_vector_subcore>, window_params = [{transform_indices = #map}, {transform_indices = #map}, {transform_indices = #map}, {transform_indices = #map}, {transform_indices = #map}]} {
    %mul3A = arith.constant 1280 : i32
    %mul3A_0 = arith.muli %arg0, %mul3A : i32
    %mul3A_1 = arith.constant 80 : i32
    %mul3A_2 = arith.muli %arg1, %mul3A_1 : i32
    %add3A = arith.addi %mul3A_0, %mul3A_2 : i32
    %add3A_3 = arith.constant 0 : i32
    %add3A_4 = arith.addi %add3A, %add3A_3 : i32
    "tpu.region"() ({
      %run_scoped3A = tpu.sem_alloc : memref<!tpu.dma_semaphore, #tpu.memory_space<semaphore_mem>>
      %dma_start3A_45 = arith.constant 0 : i32
      %dma_start3A_46 = tpu.memref_slice %arg4[%add3A_4, %dma_start3A_45] : memref<2560x125xi32, #tpu.memory_space<hbm>> -> memref<40x125xi32, #tpu.memory_space<hbm>>
      %dma_start3A_47 = arith.constant 0 : i32
      %dma_start3A_48 = tpu.memref_slice %arg4[%add3A_4, %dma_start3A_47] : memref<2560x125xi32, #tpu.memory_space<hbm>> -> memref<40x125xi32, #tpu.memory_space<hbm>>
      tpu.enqueue_dma source(%dma_start3A_48 : memref<40x125xi32, #tpu.memory_space<hbm>>) target(%arg8 : memref<40x125xi32, #tpu.memory_space<vmem>>) target_semaphore(%run_scoped3A : memref<!tpu.dma_semaphore, #tpu.memory_space<semaphore_mem>>)
      %dma_wait3A = arith.constant 0 : i32
      %dma_wait3A_49 = tpu.memref_slice %arg4[%add3A_4, %dma_wait3A] : memref<2560x125xi32, #tpu.memory_space<hbm>> -> memref<40x125xi32, #tpu.memory_space<hbm>>
      %dma_wait3A_50 = arith.constant 0 : i32
      %dma_wait3A_51 = tpu.memref_slice %arg4[%add3A_4, %dma_wait3A_50] : memref<2560x125xi32, #tpu.memory_space<hbm>> -> memref<40x125xi32, #tpu.memory_space<hbm>>
      tpu.wait_dma2 semaphore(%run_scoped3A : memref<!tpu.dma_semaphore, #tpu.memory_space<semaphore_mem>>) src(%dma_wait3A_51 : memref<40x125xi32, #tpu.memory_space<hbm>>) dst(%arg8 : memref<40x125xi32, #tpu.memory_space<vmem>>)
      tpu.yield
    }) : () -> ()
    %add3A_5 = arith.constant 0 : i32
    %add3A_6 = arith.addi %add3A, %add3A_5 : i32
    "tpu.region"() ({
      %run_scoped3A = tpu.sem_alloc : memref<!tpu.dma_semaphore, #tpu.memory_space<semaphore_mem>>
      %dma_start3A_45 = arith.constant 0 : i32
      %dma_start3A_46 = tpu.memref_slice %arg5[%add3A_6, %dma_start3A_45] : memref<2560x125xi32, #tpu.memory_space<hbm>> -> memref<40x125xi32, #tpu.memory_space<hbm>>
      %dma_start3A_47 = arith.constant 0 : i32
      %dma_start3A_48 = tpu.memref_slice %arg5[%add3A_6, %dma_start3A_47] : memref<2560x125xi32, #tpu.memory_space<hbm>> -> memref<40x125xi32, #tpu.memory_space<hbm>>
      tpu.enqueue_dma source(%dma_start3A_48 : memref<40x125xi32, #tpu.memory_space<hbm>>) target(%arg9 : memref<40x125xi32, #tpu.memory_space<vmem>>) target_semaphore(%run_scoped3A : memref<!tpu.dma_semaphore, #tpu.memory_space<semaphore_mem>>)
      %dma_wait3A = arith.constant 0 : i32
      %dma_wait3A_49 = tpu.memref_slice %arg5[%add3A_6, %dma_wait3A] : memref<2560x125xi32, #tpu.memory_space<hbm>> -> memref<40x125xi32, #tpu.memory_space<hbm>>
      %dma_wait3A_50 = arith.constant 0 : i32
      %dma_wait3A_51 = tpu.memref_slice %arg5[%add3A_6, %dma_wait3A_50] : memref<2560x125xi32, #tpu.memory_space<hbm>> -> memref<40x125xi32, #tpu.memory_space<hbm>>
      tpu.wait_dma2 semaphore(%run_scoped3A : memref<!tpu.dma_semaphore, #tpu.memory_space<semaphore_mem>>) src(%dma_wait3A_51 : memref<40x125xi32, #tpu.memory_space<hbm>>) dst(%arg9 : memref<40x125xi32, #tpu.memory_space<vmem>>)
      tpu.yield
    }) : () -> ()
    %eq3A = arith.constant 0 : i32
    %eq3A_7 = arith.cmpi eq, %arg1, %eq3A : i32
    %convert_element_type3A = arith.extui %eq3A_7 : i1 to i32
    %cond3A = arith.constant 0 : i32
    %cond3A_8 = arith.cmpi ne, %convert_element_type3A, %cond3A : i32
    scf.if %cond3A_8 {
      "tpu.region"() ({
        %run_scoped3A = tpu.sem_alloc : memref<!tpu.dma_semaphore, #tpu.memory_space<semaphore_mem>>
        tpu.enqueue_dma source(%arg3 : memref<10000x128xf32, #tpu.memory_space<hbm>>) target(%arg7 : memref<10000x128xf32, #tpu.memory_space<vmem_shared>>) target_semaphore(%run_scoped3A : memref<!tpu.dma_semaphore, #tpu.memory_space<semaphore_mem>>)
        tpu.wait_dma2 semaphore(%run_scoped3A : memref<!tpu.dma_semaphore, #tpu.memory_space<semaphore_mem>>) src(%arg3 : memref<10000x128xf32, #tpu.memory_space<hbm>>) dst(%arg7 : memref<10000x128xf32, #tpu.memory_space<vmem_shared>>)
        tpu.yield
      }) : () -> ()
    } else {
    }
    %barrier3A = arith.constant 0 : index
    tpu.barrier barrier_id(%barrier3A)
    %dma_start3A = arith.constant 0 : i32
    %dma_start3A_9 = arith.constant 0 : i32
    %dma_start3A_10 = tpu.memref_slice %arg8[%dma_start3A, %dma_start3A_9] : memref<40x125xi32, #tpu.memory_space<vmem>> -> memref<1x125xi32, #tpu.memory_space<vmem>>
    %dma_start3A_11 = tpu.memref_squeeze %dma_start3A_10 : memref<1x125xi32, #tpu.memory_space<vmem>> -> memref<125xi32, #tpu.memory_space<vmem>>
    %dma_start3A_12 = arith.constant 0 : i32
    %dma_start3A_13 = arith.constant 0 : i32
    %dma_start3A_14 = tpu.memref_slice %arg2[%dma_start3A_12, %dma_start3A_13] : memref<10000x128xf32, #tpu.memory_space<hbm>> -> memref<10000x128xf32, #tpu.memory_space<hbm>>
    tpu.enqueue_indirect_dma source(%dma_start3A_14 : memref<10000x128xf32, #tpu.memory_space<hbm>>) target(%arg10 : memref<125x128xf32, #tpu.memory_space<vmem>>) offsets(%dma_start3A_11 : memref<125xi32, #tpu.memory_space<vmem>>) semaphore(%arg12 : memref<!tpu.dma_semaphore, #tpu.memory_space<semaphore_mem>>)
    %scan3A = arith.constant 0 : i32
    %scan3A_15 = arith.constant 0 : i32
    %scan3A_16 = arith.constant 20 : i32
    %scan3A_17 = arith.addi %scan3A_15, %scan3A_16 : i32
    %scan3A_18 = arith.constant 1 : i32
    %scan3A_19 = scf.for %scan3A_45 = %scan3A_15 to %scan3A_17 step %scan3A_18 iter_args(%scan3A_46 = %scan3A) -> (i32)  : i32 {
      %mul3A_47 = arith.constant 2 : i32
      %mul3A_48 = arith.muli %mul3A_47, %scan3A_45 : i32
      %add3A_49 = arith.constant 0 : i32
      %add3A_50 = arith.addi %add3A_49, %mul3A_48 : i32
      %add3A_51 = arith.constant 1 : i32
      %add3A_52 = arith.addi %add3A_50, %add3A_51 : i32
      %dma_start3A_53 = arith.constant 0 : i32
      %dma_start3A_54 = tpu.memref_slice %arg8[%add3A_52, %dma_start3A_53] : memref<40x125xi32, #tpu.memory_space<vmem>> -> memref<1x125xi32, #tpu.memory_space<vmem>>
      %dma_start3A_55 = tpu.memref_squeeze %dma_start3A_54 : memref<1x125xi32, #tpu.memory_space<vmem>> -> memref<125xi32, #tpu.memory_space<vmem>>
      %dma_start3A_56 = arith.constant 0 : i32
      %dma_start3A_57 = arith.constant 0 : i32
      %dma_start3A_58 = tpu.memref_slice %arg2[%dma_start3A_56, %dma_start3A_57] : memref<10000x128xf32, #tpu.memory_space<hbm>> -> memref<10000x128xf32, #tpu.memory_space<hbm>>
      tpu.enqueue_indirect_dma source(%dma_start3A_58 : memref<10000x128xf32, #tpu.memory_space<hbm>>) target(%arg11 : memref<125x128xf32, #tpu.memory_space<vmem>>) offsets(%dma_start3A_55 : memref<125xi32, #tpu.memory_space<vmem>>) semaphore(%arg13 : memref<!tpu.dma_semaphore, #tpu.memory_space<semaphore_mem>>)
      %dma_wait3A = arith.constant 0 : i32
      %dma_wait3A_59 = tpu.memref_slice %arg8[%add3A_50, %dma_wait3A] : memref<40x125xi32, #tpu.memory_space<vmem>> -> memref<1x125xi32, #tpu.memory_space<vmem>>
      %dma_wait3A_60 = tpu.memref_squeeze %dma_wait3A_59 : memref<1x125xi32, #tpu.memory_space<vmem>> -> memref<125xi32, #tpu.memory_space<vmem>>
      %dma_wait3A_61 = arith.constant 0 : i32
      %dma_wait3A_62 = arith.constant 0 : i32
      %dma_wait3A_63 = tpu.memref_slice %arg2[%dma_wait3A_61, %dma_wait3A_62] : memref<10000x128xf32, #tpu.memory_space<hbm>> -> memref<10000x128xf32, #tpu.memory_space<hbm>>
      tpu.wait_indirect_dma semaphore(%arg12 : memref<!tpu.dma_semaphore, #tpu.memory_space<semaphore_mem>>) src(%dma_wait3A_63 : memref<10000x128xf32, #tpu.memory_space<hbm>>) dst(%arg10 : memref<125x128xf32, #tpu.memory_space<vmem>>)
      "tpu.region"() ({
        %run_scoped3A = tpu.sem_alloc : memref<!tpu.dma_semaphore, #tpu.memory_space<semaphore_mem>>
        %dma_start3A_77 = arith.constant 0 : i32
        %dma_start3A_78 = tpu.memref_slice %arg9[%add3A_50, %dma_start3A_77] : memref<40x125xi32, #tpu.memory_space<vmem>> -> memref<1x125xi32, #tpu.memory_space<vmem>>
        %dma_start3A_79 = tpu.memref_squeeze %dma_start3A_78 : memref<1x125xi32, #tpu.memory_space<vmem>> -> memref<125xi32, #tpu.memory_space<vmem>>
        %dma_start3A_80 = arith.constant 0 : i32
        %dma_start3A_81 = arith.constant 0 : i32
        %dma_start3A_82 = tpu.memref_slice %arg7[%dma_start3A_80, %dma_start3A_81] : memref<10000x128xf32, #tpu.memory_space<vmem_shared>> -> memref<10000x128xf32, #tpu.memory_space<vmem_shared>>
        tpu.enqueue_indirect_dma source(%arg10 : memref<125x128xf32, #tpu.memory_space<vmem>>) target(%dma_start3A_82 : memref<10000x128xf32, #tpu.memory_space<vmem_shared>>) offsets(%dma_start3A_79 : memref<125xi32, #tpu.memory_space<vmem>>) semaphore(%run_scoped3A : memref<!tpu.dma_semaphore, #tpu.memory_space<semaphore_mem>>) {add = true}
        %dma_wait3A_83 = arith.constant 0 : i32
        %dma_wait3A_84 = tpu.memref_slice %arg9[%add3A_50, %dma_wait3A_83] : memref<40x125xi32, #tpu.memory_space<vmem>> -> memref<1x125xi32, #tpu.memory_space<vmem>>
        %dma_wait3A_85 = tpu.memref_squeeze %dma_wait3A_84 : memref<1x125xi32, #tpu.memory_space<vmem>> -> memref<125xi32, #tpu.memory_space<vmem>>
        %dma_wait3A_86 = arith.constant 0 : i32
        %dma_wait3A_87 = arith.constant 0 : i32
        %dma_wait3A_88 = tpu.memref_slice %arg7[%dma_wait3A_86, %dma_wait3A_87] : memref<10000x128xf32, #tpu.memory_space<vmem_shared>> -> memref<10000x128xf32, #tpu.memory_space<vmem_shared>>
        tpu.wait_indirect_dma semaphore(%run_scoped3A : memref<!tpu.dma_semaphore, #tpu.memory_space<semaphore_mem>>) src(%arg10 : memref<125x128xf32, #tpu.memory_space<vmem>>) dst(%dma_wait3A_88 : memref<10000x128xf32, #tpu.memory_space<vmem_shared>>)
        tpu.yield
      }) : () -> ()
      %add3A_64 = arith.constant 2 : i32
      %add3A_65 = arith.addi %add3A_50, %add3A_64 : i32
      %lt3A = arith.constant 40 : i32
      %lt3A_66 = arith.cmpi slt, %add3A_65, %lt3A : i32
      %convert_element_type3A_67 = arith.extui %lt3A_66 : i1 to i32
      %cond3A_68 = arith.constant 0 : i32
      %cond3A_69 = arith.cmpi ne, %convert_element_type3A_67, %cond3A_68 : i32
      scf.if %cond3A_69 {
        %add3A_77 = arith.constant 2 : i32
        %add3A_78 = arith.addi %add3A_50, %add3A_77 : i32
        %dma_start3A_79 = arith.constant 0 : i32
        %dma_start3A_80 = tpu.memref_slice %arg8[%add3A_78, %dma_start3A_79] : memref<40x125xi32, #tpu.memory_space<vmem>> -> memref<1x125xi32, #tpu.memory_space<vmem>>
        %dma_start3A_81 = tpu.memref_squeeze %dma_start3A_80 : memref<1x125xi32, #tpu.memory_space<vmem>> -> memref<125xi32, #tpu.memory_space<vmem>>
        %dma_start3A_82 = arith.constant 0 : i32
        %dma_start3A_83 = arith.constant 0 : i32
        %dma_start3A_84 = tpu.memref_slice %arg2[%dma_start3A_82, %dma_start3A_83] : memref<10000x128xf32, #tpu.memory_space<hbm>> -> memref<10000x128xf32, #tpu.memory_space<hbm>>
        tpu.enqueue_indirect_dma source(%dma_start3A_84 : memref<10000x128xf32, #tpu.memory_space<hbm>>) target(%arg10 : memref<125x128xf32, #tpu.memory_space<vmem>>) offsets(%dma_start3A_81 : memref<125xi32, #tpu.memory_space<vmem>>) semaphore(%arg12 : memref<!tpu.dma_semaphore, #tpu.memory_space<semaphore_mem>>)
      } else {
      }
      %dma_wait3A_70 = arith.constant 0 : i32
      %dma_wait3A_71 = tpu.memref_slice %arg8[%add3A_52, %dma_wait3A_70] : memref<40x125xi32, #tpu.memory_space<vmem>> -> memref<1x125xi32, #tpu.memory_space<vmem>>
      %dma_wait3A_72 = tpu.memref_squeeze %dma_wait3A_71 : memref<1x125xi32, #tpu.memory_space<vmem>> -> memref<125xi32, #tpu.memory_space<vmem>>
      %dma_wait3A_73 = arith.constant 0 : i32
      %dma_wait3A_74 = arith.constant 0 : i32
      %dma_wait3A_75 = tpu.memref_slice %arg2[%dma_wait3A_73, %dma_wait3A_74] : memref<10000x128xf32, #tpu.memory_space<hbm>> -> memref<10000x128xf32, #tpu.memory_space<hbm>>
      tpu.wait_indirect_dma semaphore(%arg13 : memref<!tpu.dma_semaphore, #tpu.memory_space<semaphore_mem>>) src(%dma_wait3A_75 : memref<10000x128xf32, #tpu.memory_space<hbm>>) dst(%arg11 : memref<125x128xf32, #tpu.memory_space<vmem>>)
      "tpu.region"() ({
        %run_scoped3A = tpu.sem_alloc : memref<!tpu.dma_semaphore, #tpu.memory_space<semaphore_mem>>
        %dma_start3A_77 = arith.constant 0 : i32
        %dma_start3A_78 = tpu.memref_slice %arg9[%add3A_52, %dma_start3A_77] : memref<40x125xi32, #tpu.memory_space<vmem>> -> memref<1x125xi32, #tpu.memory_space<vmem>>
        %dma_start3A_79 = tpu.memref_squeeze %dma_start3A_78 : memref<1x125xi32, #tpu.memory_space<vmem>> -> memref<125xi32, #tpu.memory_space<vmem>>
        %dma_start3A_80 = arith.constant 0 : i32
        %dma_start3A_81 = arith.constant 0 : i32
        %dma_start3A_82 = tpu.memref_slice %arg7[%dma_start3A_80, %dma_start3A_81] : memref<10000x128xf32, #tpu.memory_space<vmem_shared>> -> memref<10000x128xf32, #tpu.memory_space<vmem_shared>>
        tpu.enqueue_indirect_dma source(%arg11 : memref<125x128xf32, #tpu.memory_space<vmem>>) target(%dma_start3A_82 : memref<10000x128xf32, #tpu.memory_space<vmem_shared>>) offsets(%dma_start3A_79 : memref<125xi32, #tpu.memory_space<vmem>>) semaphore(%run_scoped3A : memref<!tpu.dma_semaphore, #tpu.memory_space<semaphore_mem>>) {add = true}
        %dma_wait3A_83 = arith.constant 0 : i32
        %dma_wait3A_84 = tpu.memref_slice %arg9[%add3A_52, %dma_wait3A_83] : memref<40x125xi32, #tpu.memory_space<vmem>> -> memref<1x125xi32, #tpu.memory_space<vmem>>
        %dma_wait3A_85 = tpu.memref_squeeze %dma_wait3A_84 : memref<1x125xi32, #tpu.memory_space<vmem>> -> memref<125xi32, #tpu.memory_space<vmem>>
        %dma_wait3A_86 = arith.constant 0 : i32
        %dma_wait3A_87 = arith.constant 0 : i32
        %dma_wait3A_88 = tpu.memref_slice %arg7[%dma_wait3A_86, %dma_wait3A_87] : memref<10000x128xf32, #tpu.memory_space<vmem_shared>> -> memref<10000x128xf32, #tpu.memory_space<vmem_shared>>
        tpu.wait_indirect_dma semaphore(%run_scoped3A : memref<!tpu.dma_semaphore, #tpu.memory_space<semaphore_mem>>) src(%arg11 : memref<125x128xf32, #tpu.memory_space<vmem>>) dst(%dma_wait3A_88 : memref<10000x128xf32, #tpu.memory_space<vmem_shared>>)
        tpu.yield
      }) : () -> ()
      %scan3A_76 = arith.constant 0 : i32
      scf.yield %scan3A_76 : i32
    }
    %scan3A_20 = arith.constant 20 : i32
    %add3A_21 = arith.constant 40 : i32
    %add3A_22 = arith.addi %add3A, %add3A_21 : i32
    "tpu.region"() ({
      %run_scoped3A = tpu.sem_alloc : memref<!tpu.dma_semaphore, #tpu.memory_space<semaphore_mem>>
      %dma_start3A_45 = arith.constant 0 : i32
      %dma_start3A_46 = tpu.memref_slice %arg4[%add3A_22, %dma_start3A_45] : memref<2560x125xi32, #tpu.memory_space<hbm>> -> memref<40x125xi32, #tpu.memory_space<hbm>>
      %dma_start3A_47 = arith.constant 0 : i32
      %dma_start3A_48 = tpu.memref_slice %arg4[%add3A_22, %dma_start3A_47] : memref<2560x125xi32, #tpu.memory_space<hbm>> -> memref<40x125xi32, #tpu.memory_space<hbm>>
      tpu.enqueue_dma source(%dma_start3A_48 : memref<40x125xi32, #tpu.memory_space<hbm>>) target(%arg8 : memref<40x125xi32, #tpu.memory_space<vmem>>) target_semaphore(%run_scoped3A : memref<!tpu.dma_semaphore, #tpu.memory_space<semaphore_mem>>)
      %dma_wait3A = arith.constant 0 : i32
      %dma_wait3A_49 = tpu.memref_slice %arg4[%add3A_22, %dma_wait3A] : memref<2560x125xi32, #tpu.memory_space<hbm>> -> memref<40x125xi32, #tpu.memory_space<hbm>>
      %dma_wait3A_50 = arith.constant 0 : i32
      %dma_wait3A_51 = tpu.memref_slice %arg4[%add3A_22, %dma_wait3A_50] : memref<2560x125xi32, #tpu.memory_space<hbm>> -> memref<40x125xi32, #tpu.memory_space<hbm>>
      tpu.wait_dma2 semaphore(%run_scoped3A : memref<!tpu.dma_semaphore, #tpu.memory_space<semaphore_mem>>) src(%dma_wait3A_51 : memref<40x125xi32, #tpu.memory_space<hbm>>) dst(%arg8 : memref<40x125xi32, #tpu.memory_space<vmem>>)
      tpu.yield
    }) : () -> ()
    %add3A_23 = arith.constant 40 : i32
    %add3A_24 = arith.addi %add3A, %add3A_23 : i32
    "tpu.region"() ({
      %run_scoped3A = tpu.sem_alloc : memref<!tpu.dma_semaphore, #tpu.memory_space<semaphore_mem>>
      %dma_start3A_45 = arith.constant 0 : i32
      %dma_start3A_46 = tpu.memref_slice %arg5[%add3A_24, %dma_start3A_45] : memref<2560x125xi32, #tpu.memory_space<hbm>> -> memref<40x125xi32, #tpu.memory_space<hbm>>
      %dma_start3A_47 = arith.constant 0 : i32
      %dma_start3A_48 = tpu.memref_slice %arg5[%add3A_24, %dma_start3A_47] : memref<2560x125xi32, #tpu.memory_space<hbm>> -> memref<40x125xi32, #tpu.memory_space<hbm>>
      tpu.enqueue_dma source(%dma_start3A_48 : memref<40x125xi32, #tpu.memory_space<hbm>>) target(%arg9 : memref<40x125xi32, #tpu.memory_space<vmem>>) target_semaphore(%run_scoped3A : memref<!tpu.dma_semaphore, #tpu.memory_space<semaphore_mem>>)
      %dma_wait3A = arith.constant 0 : i32
      %dma_wait3A_49 = tpu.memref_slice %arg5[%add3A_24, %dma_wait3A] : memref<2560x125xi32, #tpu.memory_space<hbm>> -> memref<40x125xi32, #tpu.memory_space<hbm>>
      %dma_wait3A_50 = arith.constant 0 : i32
      %dma_wait3A_51 = tpu.memref_slice %arg5[%add3A_24, %dma_wait3A_50] : memref<2560x125xi32, #tpu.memory_space<hbm>> -> memref<40x125xi32, #tpu.memory_space<hbm>>
      tpu.wait_dma2 semaphore(%run_scoped3A : memref<!tpu.dma_semaphore, #tpu.memory_space<semaphore_mem>>) src(%dma_wait3A_51 : memref<40x125xi32, #tpu.memory_space<hbm>>) dst(%arg9 : memref<40x125xi32, #tpu.memory_space<vmem>>)
      tpu.yield
    }) : () -> ()
    %dma_start3A_25 = arith.constant 0 : i32
    %dma_start3A_26 = arith.constant 0 : i32
    %dma_start3A_27 = tpu.memref_slice %arg8[%dma_start3A_25, %dma_start3A_26] : memref<40x125xi32, #tpu.memory_space<vmem>> -> memref<1x125xi32, #tpu.memory_space<vmem>>
    %dma_start3A_28 = tpu.memref_squeeze %dma_start3A_27 : memref<1x125xi32, #tpu.memory_space<vmem>> -> memref<125xi32, #tpu.memory_space<vmem>>
    %dma_start3A_29 = arith.constant 0 : i32
    %dma_start3A_30 = arith.constant 0 : i32
    %dma_start3A_31 = tpu.memref_slice %arg2[%dma_start3A_29, %dma_start3A_30] : memref<10000x128xf32, #tpu.memory_space<hbm>> -> memref<10000x128xf32, #tpu.memory_space<hbm>>
    tpu.enqueue_indirect_dma source(%dma_start3A_31 : memref<10000x128xf32, #tpu.memory_space<hbm>>) target(%arg10 : memref<125x128xf32, #tpu.memory_space<vmem>>) offsets(%dma_start3A_28 : memref<125xi32, #tpu.memory_space<vmem>>) semaphore(%arg12 : memref<!tpu.dma_semaphore, #tpu.memory_space<semaphore_mem>>)
    %scan3A_32 = arith.constant 0 : i32
    %scan3A_33 = arith.constant 0 : i32
    %scan3A_34 = arith.constant 20 : i32
    %scan3A_35 = arith.addi %scan3A_33, %scan3A_34 : i32
    %scan3A_36 = arith.constant 1 : i32
    %scan3A_37 = scf.for %scan3A_45 = %scan3A_33 to %scan3A_35 step %scan3A_36 iter_args(%scan3A_46 = %scan3A_32) -> (i32)  : i32 {
      %mul3A_47 = arith.constant 2 : i32
      %mul3A_48 = arith.muli %mul3A_47, %scan3A_45 : i32
      %add3A_49 = arith.constant 0 : i32
      %add3A_50 = arith.addi %add3A_49, %mul3A_48 : i32
      %add3A_51 = arith.constant 1 : i32
      %add3A_52 = arith.addi %add3A_50, %add3A_51 : i32
      %dma_start3A_53 = arith.constant 0 : i32
      %dma_start3A_54 = tpu.memref_slice %arg8[%add3A_52, %dma_start3A_53] : memref<40x125xi32, #tpu.memory_space<vmem>> -> memref<1x125xi32, #tpu.memory_space<vmem>>
      %dma_start3A_55 = tpu.memref_squeeze %dma_start3A_54 : memref<1x125xi32, #tpu.memory_space<vmem>> -> memref<125xi32, #tpu.memory_space<vmem>>
      %dma_start3A_56 = arith.constant 0 : i32
      %dma_start3A_57 = arith.constant 0 : i32
      %dma_start3A_58 = tpu.memref_slice %arg2[%dma_start3A_56, %dma_start3A_57] : memref<10000x128xf32, #tpu.memory_space<hbm>> -> memref<10000x128xf32, #tpu.memory_space<hbm>>
      tpu.enqueue_indirect_dma source(%dma_start3A_58 : memref<10000x128xf32, #tpu.memory_space<hbm>>) target(%arg11 : memref<125x128xf32, #tpu.memory_space<vmem>>) offsets(%dma_start3A_55 : memref<125xi32, #tpu.memory_space<vmem>>) semaphore(%arg13 : memref<!tpu.dma_semaphore, #tpu.memory_space<semaphore_mem>>)
      %dma_wait3A = arith.constant 0 : i32
      %dma_wait3A_59 = tpu.memref_slice %arg8[%add3A_50, %dma_wait3A] : memref<40x125xi32, #tpu.memory_space<vmem>> -> memref<1x125xi32, #tpu.memory_space<vmem>>
      %dma_wait3A_60 = tpu.memref_squeeze %dma_wait3A_59 : memref<1x125xi32, #tpu.memory_space<vmem>> -> memref<125xi32, #tpu.memory_space<vmem>>
      %dma_wait3A_61 = arith.constant 0 : i32
      %dma_wait3A_62 = arith.constant 0 : i32
      %dma_wait3A_63 = tpu.memref_slice %arg2[%dma_wait3A_61, %dma_wait3A_62] : memref<10000x128xf32, #tpu.memory_space<hbm>> -> memref<10000x128xf32, #tpu.memory_space<hbm>>
      tpu.wait_indirect_dma semaphore(%arg12 : memref<!tpu.dma_semaphore, #tpu.memory_space<semaphore_mem>>) src(%dma_wait3A_63 : memref<10000x128xf32, #tpu.memory_space<hbm>>) dst(%arg10 : memref<125x128xf32, #tpu.memory_space<vmem>>)
      "tpu.region"() ({
        %run_scoped3A = tpu.sem_alloc : memref<!tpu.dma_semaphore, #tpu.memory_space<semaphore_mem>>
        %dma_start3A_77 = arith.constant 0 : i32
        %dma_start3A_78 = tpu.memref_slice %arg9[%add3A_50, %dma_start3A_77] : memref<40x125xi32, #tpu.memory_space<vmem>> -> memref<1x125xi32, #tpu.memory_space<vmem>>
        %dma_start3A_79 = tpu.memref_squeeze %dma_start3A_78 : memref<1x125xi32, #tpu.memory_space<vmem>> -> memref<125xi32, #tpu.memory_space<vmem>>
        %dma_start3A_80 = arith.constant 0 : i32
        %dma_start3A_81 = arith.constant 0 : i32
        %dma_start3A_82 = tpu.memref_slice %arg7[%dma_start3A_80, %dma_start3A_81] : memref<10000x128xf32, #tpu.memory_space<vmem_shared>> -> memref<10000x128xf32, #tpu.memory_space<vmem_shared>>
        tpu.enqueue_indirect_dma source(%arg10 : memref<125x128xf32, #tpu.memory_space<vmem>>) target(%dma_start3A_82 : memref<10000x128xf32, #tpu.memory_space<vmem_shared>>) offsets(%dma_start3A_79 : memref<125xi32, #tpu.memory_space<vmem>>) semaphore(%run_scoped3A : memref<!tpu.dma_semaphore, #tpu.memory_space<semaphore_mem>>) {add = true}
        %dma_wait3A_83 = arith.constant 0 : i32
        %dma_wait3A_84 = tpu.memref_slice %arg9[%add3A_50, %dma_wait3A_83] : memref<40x125xi32, #tpu.memory_space<vmem>> -> memref<1x125xi32, #tpu.memory_space<vmem>>
        %dma_wait3A_85 = tpu.memref_squeeze %dma_wait3A_84 : memref<1x125xi32, #tpu.memory_space<vmem>> -> memref<125xi32, #tpu.memory_space<vmem>>
        %dma_wait3A_86 = arith.constant 0 : i32
        %dma_wait3A_87 = arith.constant 0 : i32
        %dma_wait3A_88 = tpu.memref_slice %arg7[%dma_wait3A_86, %dma_wait3A_87] : memref<10000x128xf32, #tpu.memory_space<vmem_shared>> -> memref<10000x128xf32, #tpu.memory_space<vmem_shared>>
        tpu.wait_indirect_dma semaphore(%run_scoped3A : memref<!tpu.dma_semaphore, #tpu.memory_space<semaphore_mem>>) src(%arg10 : memref<125x128xf32, #tpu.memory_space<vmem>>) dst(%dma_wait3A_88 : memref<10000x128xf32, #tpu.memory_space<vmem_shared>>)
        tpu.yield
      }) : () -> ()
      %add3A_64 = arith.constant 2 : i32
      %add3A_65 = arith.addi %add3A_50, %add3A_64 : i32
      %lt3A = arith.constant 40 : i32
      %lt3A_66 = arith.cmpi slt, %add3A_65, %lt3A : i32
      %convert_element_type3A_67 = arith.extui %lt3A_66 : i1 to i32
      %cond3A_68 = arith.constant 0 : i32
      %cond3A_69 = arith.cmpi ne, %convert_element_type3A_67, %cond3A_68 : i32
      scf.if %cond3A_69 {
        %add3A_77 = arith.constant 2 : i32
        %add3A_78 = arith.addi %add3A_50, %add3A_77 : i32
        %dma_start3A_79 = arith.constant 0 : i32
        %dma_start3A_80 = tpu.memref_slice %arg8[%add3A_78, %dma_start3A_79] : memref<40x125xi32, #tpu.memory_space<vmem>> -> memref<1x125xi32, #tpu.memory_space<vmem>>
        %dma_start3A_81 = tpu.memref_squeeze %dma_start3A_80 : memref<1x125xi32, #tpu.memory_space<vmem>> -> memref<125xi32, #tpu.memory_space<vmem>>
        %dma_start3A_82 = arith.constant 0 : i32
        %dma_start3A_83 = arith.constant 0 : i32
        %dma_start3A_84 = tpu.memref_slice %arg2[%dma_start3A_82, %dma_start3A_83] : memref<10000x128xf32, #tpu.memory_space<hbm>> -> memref<10000x128xf32, #tpu.memory_space<hbm>>
        tpu.enqueue_indirect_dma source(%dma_start3A_84 : memref<10000x128xf32, #tpu.memory_space<hbm>>) target(%arg10 : memref<125x128xf32, #tpu.memory_space<vmem>>) offsets(%dma_start3A_81 : memref<125xi32, #tpu.memory_space<vmem>>) semaphore(%arg12 : memref<!tpu.dma_semaphore, #tpu.memory_space<semaphore_mem>>)
      } else {
      }
      %dma_wait3A_70 = arith.constant 0 : i32
      %dma_wait3A_71 = tpu.memref_slice %arg8[%add3A_52, %dma_wait3A_70] : memref<40x125xi32, #tpu.memory_space<vmem>> -> memref<1x125xi32, #tpu.memory_space<vmem>>
      %dma_wait3A_72 = tpu.memref_squeeze %dma_wait3A_71 : memref<1x125xi32, #tpu.memory_space<vmem>> -> memref<125xi32, #tpu.memory_space<vmem>>
      %dma_wait3A_73 = arith.constant 0 : i32
      %dma_wait3A_74 = arith.constant 0 : i32
      %dma_wait3A_75 = tpu.memref_slice %arg2[%dma_wait3A_73, %dma_wait3A_74] : memref<10000x128xf32, #tpu.memory_space<hbm>> -> memref<10000x128xf32, #tpu.memory_space<hbm>>
      tpu.wait_indirect_dma semaphore(%arg13 : memref<!tpu.dma_semaphore, #tpu.memory_space<semaphore_mem>>) src(%dma_wait3A_75 : memref<10000x128xf32, #tpu.memory_space<hbm>>) dst(%arg11 : memref<125x128xf32, #tpu.memory_space<vmem>>)
      "tpu.region"() ({
        %run_scoped3A = tpu.sem_alloc : memref<!tpu.dma_semaphore, #tpu.memory_space<semaphore_mem>>
        %dma_start3A_77 = arith.constant 0 : i32
        %dma_start3A_78 = tpu.memref_slice %arg9[%add3A_52, %dma_start3A_77] : memref<40x125xi32, #tpu.memory_space<vmem>> -> memref<1x125xi32, #tpu.memory_space<vmem>>
        %dma_start3A_79 = tpu.memref_squeeze %dma_start3A_78 : memref<1x125xi32, #tpu.memory_space<vmem>> -> memref<125xi32, #tpu.memory_space<vmem>>
        %dma_start3A_80 = arith.constant 0 : i32
        %dma_start3A_81 = arith.constant 0 : i32
        %dma_start3A_82 = tpu.memref_slice %arg7[%dma_start3A_80, %dma_start3A_81] : memref<10000x128xf32, #tpu.memory_space<vmem_shared>> -> memref<10000x128xf32, #tpu.memory_space<vmem_shared>>
        tpu.enqueue_indirect_dma source(%arg11 : memref<125x128xf32, #tpu.memory_space<vmem>>) target(%dma_start3A_82 : memref<10000x128xf32, #tpu.memory_space<vmem_shared>>) offsets(%dma_start3A_79 : memref<125xi32, #tpu.memory_space<vmem>>) semaphore(%run_scoped3A : memref<!tpu.dma_semaphore, #tpu.memory_space<semaphore_mem>>) {add = true}
        %dma_wait3A_83 = arith.constant 0 : i32
        %dma_wait3A_84 = tpu.memref_slice %arg9[%add3A_52, %dma_wait3A_83] : memref<40x125xi32, #tpu.memory_space<vmem>> -> memref<1x125xi32, #tpu.memory_space<vmem>>
        %dma_wait3A_85 = tpu.memref_squeeze %dma_wait3A_84 : memref<1x125xi32, #tpu.memory_space<vmem>> -> memref<125xi32, #tpu.memory_space<vmem>>
        %dma_wait3A_86 = arith.constant 0 : i32
        %dma_wait3A_87 = arith.constant 0 : i32
        %dma_wait3A_88 = tpu.memref_slice %arg7[%dma_wait3A_86, %dma_wait3A_87] : memref<10000x128xf32, #tpu.memory_space<vmem_shared>> -> memref<10000x128xf32, #tpu.memory_space<vmem_shared>>
        tpu.wait_indirect_dma semaphore(%run_scoped3A : memref<!tpu.dma_semaphore, #tpu.memory_space<semaphore_mem>>) src(%arg11 : memref<125x128xf32, #tpu.memory_space<vmem>>) dst(%dma_wait3A_88 : memref<10000x128xf32, #tpu.memory_space<vmem_shared>>)
        tpu.yield
      }) : () -> ()
      %scan3A_76 = arith.constant 0 : i32
      scf.yield %scan3A_76 : i32
    }
    %scan3A_38 = arith.constant 20 : i32
    %barrier3A_39 = arith.constant 0 : index
    tpu.barrier barrier_id(%barrier3A_39)
    %eq3A_40 = arith.constant 0 : i32
    %eq3A_41 = arith.cmpi eq, %arg1, %eq3A_40 : i32
    %convert_element_type3A_42 = arith.extui %eq3A_41 : i1 to i32
    %cond3A_43 = arith.constant 0 : i32
    %cond3A_44 = arith.cmpi ne, %convert_element_type3A_42, %cond3A_43 : i32
    scf.if %cond3A_44 {
      %mul3A_45 = arith.constant 10000 : i32
      %mul3A_46 = arith.muli %arg0, %mul3A_45 : i32
      "tpu.region"() ({
        %run_scoped3A = tpu.sem_alloc : memref<!tpu.dma_semaphore, #tpu.memory_space<semaphore_mem>>
        %dma_start3A_47 = arith.constant 0 : i32
        %dma_start3A_48 = tpu.memref_slice %arg6[%mul3A_46, %dma_start3A_47] : memref<20000x128xf32, #tpu.memory_space<hbm>> -> memref<10000x128xf32, #tpu.memory_space<hbm>>
        tpu.enqueue_dma source(%arg7 : memref<10000x128xf32, #tpu.memory_space<vmem_shared>>) target(%dma_start3A_48 : memref<10000x128xf32, #tpu.memory_space<hbm>>) target_semaphore(%run_scoped3A : memref<!tpu.dma_semaphore, #tpu.memory_space<semaphore_mem>>)
        %dma_wait3A = arith.constant 0 : i32
        %dma_wait3A_49 = tpu.memref_slice %arg6[%mul3A_46, %dma_wait3A] : memref<20000x128xf32, #tpu.memory_space<hbm>> -> memref<10000x128xf32, #tpu.memory_space<hbm>>
        tpu.wait_dma2 semaphore(%run_scoped3A : memref<!tpu.dma_semaphore, #tpu.memory_space<semaphore_mem>>) src(%arg7 : memref<10000x128xf32, #tpu.memory_space<vmem_shared>>) dst(%dma_wait3A_49 : memref<10000x128xf32, #tpu.memory_space<hbm>>)
        tpu.yield
      }) : () -> ()
    } else {
    }
    return
  }
}

module attributes {stable_mosaic.version = 14 : i64} {
  func.func @_k1a_body(%arg0: i32, %arg1: memref<1000x128xf32, #tpu.memory_space<vmem>>, %arg2: memref<128x64xf32, #tpu.memory_space<vmem>>, %arg3: memref<1000x64xf32, #tpu.memory_space<vmem>>) attributes {dimension_semantics = [#tpu.dimension_semantics<arbitrary>], iteration_bounds = array<i64: 10>, scalar_prefetch = 0 : i64, scratch_operands = 0 : i64, tpu.core_type = #tpu.core_type<tc>, window_params = [{transform_indices = @transform_0, window_bounds = array<i64: 1000, 128>}, {pipeline_mode = #tpu.pipeline_mode<synchronous>, transform_indices = @transform_1, window_bounds = array<i64: 128, 64>}, {transform_indices = @transform_2, window_bounds = array<i64: 1000, 64>}]} {
    %get3A = arith.constant 0 : index
    %get3A_0 = arith.constant 0 : index
    %get3A_1 = vector.load %arg1[%get3A, %get3A_0] : memref<1000x128xf32, #tpu.memory_space<vmem>>, vector<1000x128xf32>
    %get3A_2 = arith.constant 0 : index
    %get3A_3 = arith.constant 0 : index
    %get3A_4 = vector.load %arg2[%get3A_2, %get3A_3] : memref<128x64xf32, #tpu.memory_space<vmem>>, vector<128x64xf32>
    %dot_general3A = arith.constant dense<0.000000e+00> : vector<1000x64xf32>
    %dot_general3A_5 = tpu.matmul %get3A_1, %get3A_4, %dot_general3A {dimension_numbers = #tpu.dot_dimension_numbers<[1], [0], [0], [1], [0, 0, 1, 1], [], []>, transpose_lhs_hint = false} : vector<1000x128xf32>, vector<128x64xf32>, vector<1000x64xf32> -> vector<1000x64xf32>
    %swap3A = arith.constant 0 : index
    %swap3A_6 = arith.constant 0 : index
    %swap3A_7 = vector.load %arg3[%swap3A, %swap3A_6] : memref<1000x64xf32, #tpu.memory_space<vmem>>, vector<1000x64xf32>
    tpu.vector_store %arg3[%swap3A, %swap3A_6], %dot_general3A_5 {strides = array<i32>} : memref<1000x64xf32, #tpu.memory_space<vmem>>, vector<1000x64xf32>,
    return
  }
  func.func @transform_0(%arg0: i32) -> (i32, i32) {
    %c0_i32 = arith.constant 0 : i32
    %c0_i32_0 = arith.constant 0 : i32
    return %arg0, %c0_i32 : i32, i32
  }
  func.func @transform_1(%arg0: i32) -> (i32, i32) {
    %c0_i32 = arith.constant 0 : i32
    %c0_i32_0 = arith.constant 0 : i32
    %c0_i32_1 = arith.constant 0 : i32
    return %c0_i32, %c0_i32_0 : i32, i32
  }
  func.func @transform_2(%arg0: i32) -> (i32, i32) {
    %c0_i32 = arith.constant 0 : i32
    %c0_i32_0 = arith.constant 0 : i32
    return %arg0, %c0_i32 : i32, i32
  }
}

module attributes {stable_mosaic.version = 14 : i64} {
  func.func @_k1b_body(%arg0: i32, %arg1: memref<1000x128xf32, #tpu.memory_space<vmem>>, %arg2: memref<1000x64xf32, #tpu.memory_space<vmem>>, %arg3: memref<1000x64xf32, #tpu.memory_space<vmem>>, %arg4: memref<1000x1xf32, #tpu.memory_space<vmem>>) attributes {dimension_semantics = [#tpu.dimension_semantics<arbitrary>], iteration_bounds = array<i64: 10>, scalar_prefetch = 0 : i64, scratch_operands = 0 : i64, tpu.core_type = #tpu.core_type<tc>, window_params = [{transform_indices = @transform_0, window_bounds = array<i64: 1000, 128>}, {transform_indices = @transform_1, window_bounds = array<i64: 1000, 64>}, {transform_indices = @transform_2, window_bounds = array<i64: 1000, 64>}, {transform_indices = @transform_3, window_bounds = array<i64: 1000, 1>}]} {
    %get3A = arith.constant 0 : index
    %get3A_0 = arith.constant 0 : index
    %get3A_1 = vector.load %arg1[%get3A, %get3A_0] : memref<1000x128xf32, #tpu.memory_space<vmem>>, vector<1000x1xf32>
    %get3A_2 = arith.constant 0 : index
    %get3A_3 = arith.constant 16 : index
    %get3A_4 = vector.load %arg1[%get3A_2, %get3A_3] : memref<1000x128xf32, #tpu.memory_space<vmem>>, vector<1000x1xf32>
    %add3A = arith.addf %get3A_1, %get3A_4 : vector<1000x1xf32>
    %add3A_5 = arith.constant 1.000000e+00 : f32
    %add3A_6 = vector.broadcast %add3A_5 : f32 to vector<1000x1xf32>
    %add3A_7 = arith.addf %add3A, %add3A_6 : vector<1000x1xf32>
    %rsqrt3A = math.rsqrt %add3A_7 : vector<1000x1xf32>
    %swap3A = arith.constant 0 : index
    %swap3A_8 = arith.constant 0 : index
    %swap3A_9 = vector.load %arg4[%swap3A, %swap3A_8] : memref<1000x1xf32, #tpu.memory_space<vmem>>, vector<1000x1xf32>
    tpu.vector_store %arg4[%swap3A, %swap3A_8], %rsqrt3A {strides = array<i32>} : memref<1000x1xf32, #tpu.memory_space<vmem>>, vector<1000x1xf32>,
    %get3A_10 = arith.constant 0 : index
    %get3A_11 = arith.constant 0 : index
    %get3A_12 = vector.load %arg2[%get3A_10, %get3A_11] : memref<1000x64xf32, #tpu.memory_space<vmem>>, vector<1000x64xf32>
    %mul3A = vector.broadcast %rsqrt3A : vector<1000x1xf32> to vector<1000x64xf32>
    %mul3A_13 = arith.mulf %get3A_12, %mul3A : vector<1000x64xf32>
    %swap3A_14 = arith.constant 0 : index
    %swap3A_15 = arith.constant 0 : index
    %swap3A_16 = vector.load %arg3[%swap3A_14, %swap3A_15] : memref<1000x64xf32, #tpu.memory_space<vmem>>, vector<1000x64xf32>
    tpu.vector_store %arg3[%swap3A_14, %swap3A_15], %mul3A_13 {strides = array<i32>} : memref<1000x64xf32, #tpu.memory_space<vmem>>, vector<1000x64xf32>,
    return
  }
  func.func @transform_0(%arg0: i32) -> (i32, i32) {
    %c0_i32 = arith.constant 0 : i32
    %c0_i32_0 = arith.constant 0 : i32
    return %arg0, %c0_i32 : i32, i32
  }
  func.func @transform_1(%arg0: i32) -> (i32, i32) {
    %c0_i32 = arith.constant 0 : i32
    %c0_i32_0 = arith.constant 0 : i32
    return %arg0, %c0_i32 : i32, i32
  }
  func.func @transform_2(%arg0: i32) -> (i32, i32) {
    %c0_i32 = arith.constant 0 : i32
    %c0_i32_0 = arith.constant 0 : i32
    return %arg0, %c0_i32 : i32, i32
  }
  func.func @transform_3(%arg0: i32) -> (i32, i32) {
    %c0_i32 = arith.constant 0 : i32
    %c0_i32_0 = arith.constant 0 : i32
    return %arg0, %c0_i32 : i32, i32
  }
}

module attributes {stable_mosaic.version = 14 : i64} {
  func.func @_k2_body(%arg0: i32, %arg1: memref<1000x128xf32, #tpu.memory_space<vmem>>, %arg2: memref<1000x64xf32, #tpu.memory_space<vmem>>, %arg3: memref<1000x1xf32, #tpu.memory_space<vmem>>, %arg4: memref<1x64xf32, #tpu.memory_space<vmem>>, %arg5: memref<64x64xf32, #tpu.memory_space<vmem>>, %arg6: memref<1000x64xf32, #tpu.memory_space<vmem>>) attributes {dimension_semantics = [#tpu.dimension_semantics<arbitrary>], iteration_bounds = array<i64: 10>, scalar_prefetch = 0 : i64, scratch_operands = 0 : i64, tpu.core_type = #tpu.core_type<tc>, window_params = [{transform_indices = @transform_0, window_bounds = array<i64: 1000, 128>}, {transform_indices = @transform_1, window_bounds = array<i64: 1000, 64>}, {transform_indices = @transform_2, window_bounds = array<i64: 1000, 1>}, {pipeline_mode = #tpu.pipeline_mode<synchronous>, transform_indices = @transform_3, window_bounds = array<i64: 1, 64>}, {pipeline_mode = #tpu.pipeline_mode<synchronous>, transform_indices = @transform_4, window_bounds = array<i64: 64, 64>}, {transform_indices = @transform_5, window_bounds = array<i64: 1000, 64>}]} {
    %get3A = arith.constant 0 : index
    %get3A_0 = arith.constant 0 : index
    %get3A_1 = vector.load %arg3[%get3A, %get3A_0] : memref<1000x1xf32, #tpu.memory_space<vmem>>, vector<1000x1xf32>
    %get3A_2 = arith.constant 0 : index
    %get3A_3 = arith.constant 0 : index
    %get3A_4 = vector.load %arg1[%get3A_2, %get3A_3] : memref<1000x128xf32, #tpu.memory_space<vmem>>, vector<1000x64xf32>
    %get3A_5 = arith.constant 0 : index
    %get3A_6 = arith.constant 64 : index
    %get3A_7 = vector.load %arg1[%get3A_5, %get3A_6] : memref<1000x128xf32, #tpu.memory_space<vmem>>, vector<1000x64xf32>
    %add3A = arith.addf %get3A_4, %get3A_7 : vector<1000x64xf32>
    %get3A_8 = arith.constant 0 : index
    %get3A_9 = arith.constant 0 : index
    %get3A_10 = vector.load %arg2[%get3A_8, %get3A_9] : memref<1000x64xf32, #tpu.memory_space<vmem>>, vector<1000x64xf32>
    %add3A_11 = arith.addf %add3A, %get3A_10 : vector<1000x64xf32>
    %mul3A = vector.broadcast %get3A_1 : vector<1000x1xf32> to vector<1000x64xf32>
    %mul3A_12 = arith.mulf %mul3A, %add3A_11 : vector<1000x64xf32>
    %get3A_13 = arith.constant 0 : index
    %get3A_14 = arith.constant 0 : index
    %get3A_15 = vector.load %arg4[%get3A_13, %get3A_14] : memref<1x64xf32, #tpu.memory_space<vmem>>, vector<1x64xf32>
    %add3A_16 = vector.broadcast %get3A_15 : vector<1x64xf32> to vector<1000x64xf32>
    %add3A_17 = arith.addf %mul3A_12, %add3A_16 : vector<1000x64xf32>
    %max3A = arith.constant 0.000000e+00 : f32
    %max3A_18 = vector.broadcast %max3A : f32 to vector<1000x64xf32>
    %max3A_19 = arith.maximumf %add3A_17, %max3A_18 : vector<1000x64xf32>
    %get3A_20 = arith.constant 0 : index
    %get3A_21 = arith.constant 0 : index
    %get3A_22 = vector.load %arg5[%get3A_20, %get3A_21] : memref<64x64xf32, #tpu.memory_space<vmem>>, vector<64x64xf32>
    %dot_general3A = arith.constant dense<0.000000e+00> : vector<1000x64xf32>
    %dot_general3A_23 = tpu.matmul %max3A_19, %get3A_22, %dot_general3A {dimension_numbers = #tpu.dot_dimension_numbers<[1], [0], [0], [1], [0, 0, 1, 1], [], []>, transpose_lhs_hint = false} : vector<1000x64xf32>, vector<64x64xf32>, vector<1000x64xf32> -> vector<1000x64xf32>
    %mul3A_24 = vector.broadcast %get3A_1 : vector<1000x1xf32> to vector<1000x64xf32>
    %mul3A_25 = arith.mulf %dot_general3A_23, %mul3A_24 : vector<1000x64xf32>
    %swap3A = arith.constant 0 : index
    %swap3A_26 = arith.constant 0 : index
    %swap3A_27 = vector.load %arg6[%swap3A, %swap3A_26] : memref<1000x64xf32, #tpu.memory_space<vmem>>, vector<1000x64xf32>
    tpu.vector_store %arg6[%swap3A, %swap3A_26], %mul3A_25 {strides = array<i32>} : memref<1000x64xf32, #tpu.memory_space<vmem>>, vector<1000x64xf32>,
    return
  }
  func.func @transform_0(%arg0: i32) -> (i32, i32) {
    %c0_i32 = arith.constant 0 : i32
    %c0_i32_0 = arith.constant 0 : i32
    return %arg0, %c0_i32 : i32, i32
  }
  func.func @transform_1(%arg0: i32) -> (i32, i32) {
    %c0_i32 = arith.constant 0 : i32
    %c0_i32_0 = arith.constant 0 : i32
    return %arg0, %c0_i32 : i32, i32
  }
  func.func @transform_2(%arg0: i32) -> (i32, i32) {
    %c0_i32 = arith.constant 0 : i32
    %c0_i32_0 = arith.constant 0 : i32
    return %arg0, %c0_i32 : i32, i32
  }
  func.func @transform_3(%arg0: i32) -> (i32, i32) {
    %c0_i32 = arith.constant 0 : i32
    %c0_i32_0 = arith.constant 0 : i32
    %c0_i32_1 = arith.constant 0 : i32
    return %c0_i32, %c0_i32_0 : i32, i32
  }
  func.func @transform_4(%arg0: i32) -> (i32, i32) {
    %c0_i32 = arith.constant 0 : i32
    %c0_i32_0 = arith.constant 0 : i32
    %c0_i32_1 = arith.constant 0 : i32
    return %c0_i32, %c0_i32_0 : i32, i32
  }
  func.func @transform_5(%arg0: i32) -> (i32, i32) {
    %c0_i32 = arith.constant 0 : i32
    %c0_i32_0 = arith.constant 0 : i32
    return %arg0, %c0_i32 : i32, i32
  }
}

module attributes {stable_mosaic.version = 14 : i64} {
  func.func @_k2_body(%arg0: i32, %arg1: memref<1000x128xf32, #tpu.memory_space<vmem>>, %arg2: memref<1000x64xf32, #tpu.memory_space<vmem>>, %arg3: memref<1000x1xf32, #tpu.memory_space<vmem>>, %arg4: memref<1x64xf32, #tpu.memory_space<vmem>>, %arg5: memref<64x128xf32, #tpu.memory_space<vmem>>, %arg6: memref<1000x128xf32, #tpu.memory_space<vmem>>) attributes {dimension_semantics = [#tpu.dimension_semantics<arbitrary>], iteration_bounds = array<i64: 10>, scalar_prefetch = 0 : i64, scratch_operands = 0 : i64, tpu.core_type = #tpu.core_type<tc>, window_params = [{transform_indices = @transform_0, window_bounds = array<i64: 1000, 128>}, {transform_indices = @transform_1, window_bounds = array<i64: 1000, 64>}, {transform_indices = @transform_2, window_bounds = array<i64: 1000, 1>}, {pipeline_mode = #tpu.pipeline_mode<synchronous>, transform_indices = @transform_3, window_bounds = array<i64: 1, 64>}, {pipeline_mode = #tpu.pipeline_mode<synchronous>, transform_indices = @transform_4, window_bounds = array<i64: 64, 128>}, {transform_indices = @transform_5, window_bounds = array<i64: 1000, 128>}]} {
    %get3A = arith.constant 0 : index
    %get3A_0 = arith.constant 0 : index
    %get3A_1 = vector.load %arg3[%get3A, %get3A_0] : memref<1000x1xf32, #tpu.memory_space<vmem>>, vector<1000x1xf32>
    %get3A_2 = arith.constant 0 : index
    %get3A_3 = arith.constant 0 : index
    %get3A_4 = vector.load %arg1[%get3A_2, %get3A_3] : memref<1000x128xf32, #tpu.memory_space<vmem>>, vector<1000x64xf32>
    %get3A_5 = arith.constant 0 : index
    %get3A_6 = arith.constant 64 : index
    %get3A_7 = vector.load %arg1[%get3A_5, %get3A_6] : memref<1000x128xf32, #tpu.memory_space<vmem>>, vector<1000x64xf32>
    %add3A = arith.addf %get3A_4, %get3A_7 : vector<1000x64xf32>
    %get3A_8 = arith.constant 0 : index
    %get3A_9 = arith.constant 0 : index
    %get3A_10 = vector.load %arg2[%get3A_8, %get3A_9] : memref<1000x64xf32, #tpu.memory_space<vmem>>, vector<1000x64xf32>
    %add3A_11 = arith.addf %add3A, %get3A_10 : vector<1000x64xf32>
    %mul3A = vector.broadcast %get3A_1 : vector<1000x1xf32> to vector<1000x64xf32>
    %mul3A_12 = arith.mulf %mul3A, %add3A_11 : vector<1000x64xf32>
    %get3A_13 = arith.constant 0 : index
    %get3A_14 = arith.constant 0 : index
    %get3A_15 = vector.load %arg4[%get3A_13, %get3A_14] : memref<1x64xf32, #tpu.memory_space<vmem>>, vector<1x64xf32>
    %add3A_16 = vector.broadcast %get3A_15 : vector<1x64xf32> to vector<1000x64xf32>
    %add3A_17 = arith.addf %mul3A_12, %add3A_16 : vector<1000x64xf32>
    %max3A = arith.constant 0.000000e+00 : f32
    %max3A_18 = vector.broadcast %max3A : f32 to vector<1000x64xf32>
    %max3A_19 = arith.maximumf %add3A_17, %max3A_18 : vector<1000x64xf32>
    %get3A_20 = arith.constant 0 : index
    %get3A_21 = arith.constant 0 : index
    %get3A_22 = vector.load %arg5[%get3A_20, %get3A_21] : memref<64x128xf32, #tpu.memory_space<vmem>>, vector<64x128xf32>
    %dot_general3A = arith.constant dense<0.000000e+00> : vector<1000x128xf32>
    %dot_general3A_23 = tpu.matmul %max3A_19, %get3A_22, %dot_general3A {dimension_numbers = #tpu.dot_dimension_numbers<[1], [0], [0], [1], [0, 0, 1, 1], [], []>, transpose_lhs_hint = false} : vector<1000x64xf32>, vector<64x128xf32>, vector<1000x128xf32> -> vector<1000x128xf32>
    %mul3A_24 = vector.broadcast %get3A_1 : vector<1000x1xf32> to vector<1000x128xf32>
    %mul3A_25 = arith.mulf %dot_general3A_23, %mul3A_24 : vector<1000x128xf32>
    %swap3A = arith.constant 0 : index
    %swap3A_26 = arith.constant 0 : index
    %swap3A_27 = vector.load %arg6[%swap3A, %swap3A_26] : memref<1000x128xf32, #tpu.memory_space<vmem>>, vector<1000x128xf32>
    tpu.vector_store %arg6[%swap3A, %swap3A_26], %mul3A_25 {strides = array<i32>} : memref<1000x128xf32, #tpu.memory_space<vmem>>, vector<1000x128xf32>,
    return
  }
  func.func @transform_0(%arg0: i32) -> (i32, i32) {
    %c0_i32 = arith.constant 0 : i32
    %c0_i32_0 = arith.constant 0 : i32
    return %arg0, %c0_i32 : i32, i32
  }
  func.func @transform_1(%arg0: i32) -> (i32, i32) {
    %c0_i32 = arith.constant 0 : i32
    %c0_i32_0 = arith.constant 0 : i32
    return %arg0, %c0_i32 : i32, i32
  }
  func.func @transform_2(%arg0: i32) -> (i32, i32) {
    %c0_i32 = arith.constant 0 : i32
    %c0_i32_0 = arith.constant 0 : i32
    return %arg0, %c0_i32 : i32, i32
  }
  func.func @transform_3(%arg0: i32) -> (i32, i32) {
    %c0_i32 = arith.constant 0 : i32
    %c0_i32_0 = arith.constant 0 : i32
    %c0_i32_1 = arith.constant 0 : i32
    return %c0_i32, %c0_i32_0 : i32, i32
  }
  func.func @transform_4(%arg0: i32) -> (i32, i32) {
    %c0_i32 = arith.constant 0 : i32
    %c0_i32_0 = arith.constant 0 : i32
    %c0_i32_1 = arith.constant 0 : i32
    return %c0_i32, %c0_i32_0 : i32, i32
  }
  func.func @transform_5(%arg0: i32) -> (i32, i32) {
    %c0_i32 = arith.constant 0 : i32
    %c0_i32_0 = arith.constant 0 : i32
    return %arg0, %c0_i32 : i32, i32
  }
}

module attributes {stable_mosaic.version = 14 : i64} {
  func.func @_k4_body(%arg0: i32, %arg1: memref<1000x128xf32, #tpu.memory_space<vmem>>, %arg2: memref<1000x128xf32, #tpu.memory_space<vmem>>, %arg3: memref<1000x128xf32, #tpu.memory_space<vmem>>, %arg4: memref<1000x1xf32, #tpu.memory_space<vmem>>, %arg5: memref<1x128xf32, #tpu.memory_space<vmem>>, %arg6: memref<1000x128xf32, #tpu.memory_space<vmem>>) attributes {dimension_semantics = [#tpu.dimension_semantics<arbitrary>], iteration_bounds = array<i64: 10>, scalar_prefetch = 0 : i64, scratch_operands = 0 : i64, tpu.core_type = #tpu.core_type<tc>, window_params = [{transform_indices = @transform_0, window_bounds = array<i64: 1000, 128>}, {transform_indices = @transform_1, window_bounds = array<i64: 1000, 128>}, {transform_indices = @transform_2, window_bounds = array<i64: 1000, 128>}, {transform_indices = @transform_3, window_bounds = array<i64: 1000, 1>}, {pipeline_mode = #tpu.pipeline_mode<synchronous>, transform_indices = @transform_4, window_bounds = array<i64: 1, 128>}, {transform_indices = @transform_5, window_bounds = array<i64: 1000, 128>}]} {
    %get3A = arith.constant 0 : index
    %get3A_0 = arith.constant 0 : index
    %get3A_1 = vector.load %arg4[%get3A, %get3A_0] : memref<1000x1xf32, #tpu.memory_space<vmem>>, vector<1000x1xf32>
    %get3A_2 = arith.constant 0 : index
    %get3A_3 = arith.constant 0 : index
    %get3A_4 = vector.load %arg1[%get3A_2, %get3A_3] : memref<1000x128xf32, #tpu.memory_space<vmem>>, vector<1000x128xf32>
    %get3A_5 = arith.constant 0 : index
    %get3A_6 = arith.constant 0 : index
    %get3A_7 = vector.load %arg2[%get3A_5, %get3A_6] : memref<1000x128xf32, #tpu.memory_space<vmem>>, vector<1000x128xf32>
    %add3A = arith.addf %get3A_4, %get3A_7 : vector<1000x128xf32>
    %get3A_8 = arith.constant 0 : index
    %get3A_9 = arith.constant 0 : index
    %get3A_10 = vector.load %arg3[%get3A_8, %get3A_9] : memref<1000x128xf32, #tpu.memory_space<vmem>>, vector<1000x128xf32>
    %add3A_11 = arith.addf %add3A, %get3A_10 : vector<1000x128xf32>
    %mul3A = vector.broadcast %get3A_1 : vector<1000x1xf32> to vector<1000x128xf32>
    %mul3A_12 = arith.mulf %mul3A, %add3A_11 : vector<1000x128xf32>
    %get3A_13 = arith.constant 0 : index
    %get3A_14 = arith.constant 0 : index
    %get3A_15 = vector.load %arg5[%get3A_13, %get3A_14] : memref<1x128xf32, #tpu.memory_space<vmem>>, vector<1x128xf32>
    %add3A_16 = vector.broadcast %get3A_15 : vector<1x128xf32> to vector<1000x128xf32>
    %add3A_17 = arith.addf %mul3A_12, %add3A_16 : vector<1000x128xf32>
    %swap3A = arith.constant 0 : index
    %swap3A_18 = arith.constant 0 : index
    %swap3A_19 = vector.load %arg6[%swap3A, %swap3A_18] : memref<1000x128xf32, #tpu.memory_space<vmem>>, vector<1000x128xf32>
    tpu.vector_store %arg6[%swap3A, %swap3A_18], %add3A_17 {strides = array<i32>} : memref<1000x128xf32, #tpu.memory_space<vmem>>, vector<1000x128xf32>,
    return
  }
  func.func @transform_0(%arg0: i32) -> (i32, i32) {
    %c0_i32 = arith.constant 0 : i32
    %c0_i32_0 = arith.constant 0 : i32
    return %arg0, %c0_i32 : i32, i32
  }
  func.func @transform_1(%arg0: i32) -> (i32, i32) {
    %add3A = arith.constant 10 : i32
    %add3A_0 = arith.addi %arg0, %add3A : i32
    %c0_i32 = arith.constant 0 : i32
    %c0_i32_1 = arith.constant 0 : i32
    return %add3A_0, %c0_i32 : i32, i32
  }
  func.func @transform_2(%arg0: i32) -> (i32, i32) {
    %c0_i32 = arith.constant 0 : i32
    %c0_i32_0 = arith.constant 0 : i32
    return %arg0, %c0_i32 : i32, i32
  }
  func.func @transform_3(%arg0: i32) -> (i32, i32) {
    %c0_i32 = arith.constant 0 : i32
    %c0_i32_0 = arith.constant 0 : i32
    return %arg0, %c0_i32 : i32, i32
  }
  func.func @transform_4(%arg0: i32) -> (i32, i32) {
    %c0_i32 = arith.constant 0 : i32
    %c0_i32_0 = arith.constant 0 : i32
    %c0_i32_1 = arith.constant 0 : i32
    return %c0_i32, %c0_i32_0 : i32, i32
  }
  func.func @transform_5(%arg0: i32) -> (i32, i32) {
    %c0_i32 = arith.constant 0 : i32
    %c0_i32_0 = arith.constant 0 : i32
    return %arg0, %c0_i32 : i32, i32
  }
}

</mosaic_0001>

<sc_bundles>
// kernel: kernel.11.cloned.1.call-start
scs
__scs_entry_jumppad:
0x0: {  	(pc) =	sbr.rel $0x88, $3  }
0x1: {  	(tag) =	ssettag $0x0;
	lr =	simm.s32 $0x1  }
0x2: {  	[smem:$0x3F99] =	sst lr;
	_ =	strace $0xD0000000  }
0x3: {  	_ = 	snop  }
0x4: {  	_ = 	snop  }
0x5: {  	_ = 	snop  }
0x6: {  	_ = 	snop  }
0x7: {  	_ = 	snop  }
__scs_overlays_trampoline_lowered:
0x8: {  	[smem:$0x3FA8] =	sst s0  }
0x9: {  	[smem:$0x3FA9] =	sst s1  }
0xa: {  	[smem:$0x3FAA] =	sst s2  }
0xb: {  	[smem:$0x3FAB] =	sst s3  }
0xc: {  	[smem:$0x3FAC] =	sst s4  }
0xd: {  	[smem:$0x3FAD] =	sst s5  }
0xe: {  	[smem:$0x3FAE] =	sst s6  }
0xf: {  	[smem:$0x3FAF] =	sst s7  }
0x10: {  	[smem:$0x3FB0] =	sst s8  }
0x11: {  	[smem:$0x3FB1] =	sst s9;
	s0 =	simm.s32 @!p0 $0x0  }
0x12: {  	s1 =	sld [smem:$0x3F97];
	s0 =	simm.s32 @p0 $0x1  }
0x13: {  	[smem:$0x3FB2] =	sst s0;
	s0 =	simm.s32 @!p1 $0x0  }
0x14: {  	s2 =	sld [smem:$0x3F96];
	s0 =	simm.s32 @p1 $0x1  }
0x15: {  	[smem:$0x3FB3] =	sst s0;
	s0 =	simm.s32 @!p2 $0x0  }
0x16: {  	s3 =	sld [smem:$0x3FDB];
	s0 =	simm.s32 @p2 $0x1  }
0x17: {  	s4 =	simm.s32 $0x1BF5;
	[smem:$0x3FB5] =	sst s0  }
0x18: {  	s0 =	sld [smem:$0x3F98];
	_ =	swait.ge [sflag:s4], $0x0  }
0x19: {  	s7 =	sld [smem:$0x3F99]  }
0x1a: {  	s8 =	sadd.s32 $0xFFFFE003, lr  }
0x1b: {  	s9 =	sadd.s32 $0xFFFFFEF7, lr;
	s5 =	simm.s32 $0xFFFFFFFF;
	p2 =	slt.u32 s8, $0xFFFFF086  }
0x1c: {  	p1 =	slt.u32 s9, $0xF7A;
	s5 =	simm.s32 @!p2 $0x0  }
0x1d: {  	s5 =	simm.s32 @p1 $0x1;
	p0 =	seq.s32 s7, s2  }
0x1e: {  	s7 =	smul.u32 @!p0 $0xF7A, s2;
	p2 =	seq.s32 @!p0 s5, $0x0  }
0x1f: {  	s9 =	smul.u32 $0xF7A, s1;
	s8 =	simm.s32 @!p0 $0x1BF5;
	p2 =	por !p2, p0  }
0x20: {  	[sflag:s8] =	ssyncset.s32 @!p0 $0xFFFFF086;
	s6 =	sadd.s32 @!p0 s3, s7;
	s7 =	simm.s32 @!p0 $0x108  }
0x21: {  	s3 =	sadd.s32 s3, s9;
	s6 =	sadd.s32 @!p0 $0x88, s6;
	s7 =	simm.s32 @p2 $0x1082  }
0x22: {  	[simem:s7], [sflag:s8] =	dma.local @!p0 [hbm:s6], $0xF7A  }
0x23: {  	s9 =	sor.u32 $0xD0000000, s2;
	s6 =	simm.s32 $0x108;
	_ =	swait.ge @!p0 [sflag:s8], $0x0  }
0x24: {  	s3 =	sadd.s32 $0x88, s3;
	s6 =	simm.s32 @!p1 $0x1082;
	[sflag:s4] =	ssyncset.s32 $0xFFFFF086  }
0x25: {  	[simem:s6], [sflag:s4] =	dma.local [hbm:s3], $0xF7A  }
0x26: {  	[smem:$0x3F99] =	sst s1;
	(tag) =	ssettag s2;
	_ =	strace s9  }
0x27: {  	s1 =	sld [smem:$0x3FA9]  }
0x28: {  	s2 =	sld [smem:$0x3FAA]  }
0x29: {  	s4 =	sld [smem:$0x3FAC]  }
0x2a: {  	p0 =	seq.s32 s5, $0x0;
	s5 =	sld [smem:$0x3FAD]  }
0x2b: {  	s6 =	sld [smem:$0x3FAE]  }
0x2c: {  	s7 =	sld [smem:$0x3FAF]  }
0x2d: {  	s3 =	simm.s32 $0x108;
	s8 =	sld [smem:$0x3FB0]  }
0x2e: {  	s3 =	simm.s32 @!p0 $0x1082;
	s9 =	sld [smem:$0x3FB1]  }
0x2f: {  	lr =	sadd.s32 s0, s3;
	s0 =	sld [smem:$0x3FA8]  }
0x30: {  	s3 =	sld [smem:$0x3FAB]  }
0x31: {  	[smem:$0x3FB4] =	sst s10  }
0x32: {  	s10 =	sld [smem:$0x3FB2];
	_ =	sdelay $0x3  }
0x33: {  	p0 =	seq.s32 s10, $0x1;
	s10 =	sld [smem:$0x3FB4];
	_ =	sdelay $0x3  }
0x34: {  	[smem:$0x3FB4] =	sst s10  }
0x35: {  	s10 =	sld [smem:$0x3FB3];
	_ =	sdelay $0x3  }
0x36: {  	p1 =	seq.s32 s10, $0x1;
	s10 =	sld [smem:$0x3FB4];
	_ =	sdelay $0x3  }
0x37: {  	[smem:$0x3FB4] =	sst s10  }
0x38: {  	s10 =	sld [smem:$0x3FB5]  }
0x39: {  	_ = 	snop;
	(pc) =	sbr.ind lr, $3  }
0x3a: {  	_ = 	snop  }
0x3b: {  	_ = 	snop  }
0x3c: {  	p2 =	seq.s32 s10, $0x1;
	s10 =	sld [smem:$0x3FB4]  }
0x3d: {  	_ =	shalt  }
0x3e: {  	_ =	shalt  }
0x3f: {  	_ =	shalt  }
0x40: {  	_ =	shalt  }
0x41: {  	_ =	shalt  }
0x42: {  	_ =	shalt  }
0x43: {  	_ =	shalt  }
0x44: {  	_ =	shalt  }
0x45: {  	_ =	shalt  }
0x46: {  	_ =	shalt  }
0x47: {  	_ =	shalt  }
0x48: {  	_ =	shalt  }
0x49: {  	_ =	shalt  }
0x4a: {  	_ =	shalt  }
0x4b: {  	_ =	shalt  }
0x4c: {  	_ =	shalt  }
0x4d: {  	_ =	shalt  }
0x4e: {  	_ =	shalt  }
0x4f: {  	_ =	shalt  }
0x50: {  	_ =	shalt  }
0x51: {  	_ =	shalt  }
0x52: {  	_ =	shalt  }
0x53: {  	_ =	shalt  }
0x54: {  	_ =	shalt  }
0x55: {  	_ =	shalt  }
0x56: {  	_ =	shalt  }
0x57: {  	_ =	shalt  }
0x58: {  	_ =	shalt  }
0x59: {  	_ =	shalt  }
0x5a: {  	_ =	shalt  }
0x5b: {  	_ =	shalt  }
0x5c: {  	_ =	shalt  }
0x5d: {  	_ =	shalt  }
0x5e: {  	_ =	shalt  }
0x5f: {  	_ =	shalt  }
0x60: {  	_ =	shalt  }
0x61: {  	_ =	shalt  }
0x62: {  	_ =	shalt  }
0x63: {  	_ =	shalt  }
0x64: {  	_ =	shalt  }
0x65: {  	_ =	shalt  }
0x66: {  	_ =	shalt  }
0x67: {  	_ =	shalt  }
0x68: {  	_ =	shalt  }
0x69: {  	_ =	shalt  }
0x6a: {  	_ =	shalt  }
0x6b: {  	_ =	shalt  }
0x6c: {  	_ =	shalt  }
0x6d: {  	_ =	shalt  }
0x6e: {  	_ =	shalt  }
0x6f: {  	_ =	shalt  }
0x70: {  	_ =	shalt  }
0x71: {  	_ =	shalt  }
0x72: {  	_ =	shalt  }
0x73: {  	_ =	shalt  }
0x74: {  	_ =	shalt  }
0x75: {  	_ =	shalt  }
0x76: {  	_ =	shalt  }
0x77: {  	_ =	shalt  }
0x78: {  	_ =	shalt  }
0x79: {  	_ =	shalt  }
0x7a: {  	_ =	shalt  }
0x7b: {  	_ =	shalt  }
0x7c: {  	_ =	shalt  }
0x7d: {  	_ =	shalt  }
0x7e: {  	_ =	shalt  }
0x7f: {  	_ =	shalt  }
0x80: {  	_ =	shalt  }
0x81: {  	_ =	shalt  }
0x82: {  	_ =	shalt  }
0x83: {  	_ =	shalt  }
0x84: {  	_ =	shalt  }
0x85: {  	_ =	shalt  }
0x86: {  	_ =	shalt  }
0x87: {  	_ =	shalt  }
.Lfunc_end0:
.L_simem_size_0:
called_computation_lowered:
.L_overlay_start_0:
0x88: {  	s2 =	sld [smem:$0x3FD9]  }
0x89: {  	s3 =	sld [smem:$0x3FFE];
	_ =	sdelay $0x1  }
0x8a: {  	s1 =	srdreg.scid  }
0x8b: {  	s0 =	sand.u32 $0x1, s1  }
0x8c: {  	s17 =	sshll.u32 s0, $0xA;
	s2 =	sadd.s32 s3, s2  }
0x8d: {  	s2 =	sadd.s32 s2, s17  }
0x8e: {  	[smem:$0x3FC0] =	sst s2  }
0x8f: {  	_ = 	snop  }
0x90: {  	s2 =	sld [smem:$0x3FD0];
	(tm) =	ssettm $0x1  }
0x91: {  	s18 =	sld [smem:$0x3FFB];
	_ =	sdelay $0x3  }
0x92: {  	_ =	strace s18  }
0x93: {  	s3 =	sld [smem:$0x3FFC];
	_ =	sdelay $0x3  }
0x94: {  	_ =	strace s3  }
0x95: {  	s3 =	sld [smem:$0x3FFD];
	_ =	sdelay $0x3  }
0x96: {  	_ =	strace s3  }
0x97: {  	_ =	strace $0x8FFFFFFF  }
0x98: {  	s19 =	sld [smem:$0x3FDB];
	_ =	sdelay $0x1  }
0x99: {  	s4 =	simm.s32 $_scs_section_size  }
0x9a: {  	s5 =	simm.s32 $_size__tile_overlayer_lowered;
	s6 =	simm.s32 $_tile_overlayer_lowered  }
0x9b: {  	s22 =	simm.s32 $0x1BFF;
	s21 =	sshll.u32 s6, $0x1;
	s3 =	sadd.s32 s4, s19  }
0x9c: {  	s7 =	simm.s32 $0x0;
	s20 =	sshll.u32 s5, $0x1;
	s5 =	sadd.s32 s21, s3  }
0x9d: {  	[timem:s7], [sflag:s22] =	dma.local [hbm:s5], s20  }
0x9e: {  	_ =	swait.ge [sflag:s22], s20  }
0x9f: {  	s4 =	ssub.s32 $0x0, s20;
	[sflag:s22] =	ssyncset.done $0x0  }
0xa0: {  	[sflag:s22] =	ssyncadd.s32 s4;
	_ =	sdelay $0x1  }
0xa1: {  	s23 =	simm.s32 $0x1B8B  }
0xa2: {  	_ =	swait.ge [sflag:s23], $0x1  }
0xa3: {  	[sflag:s23] =	ssyncset.done $0x0  }
0xa4: {  	s25 =	simm.s32 $0x1B8E;
	s24 =	sld [smem:$0x3FFE];
	[sflag:s23] =	ssyncadd.s32 $0xFFFFFFFF  }
0xa5: {  	s26 =	simm.s32 $execute0_lowered;
	[smem:$0x3FD2] =	sst s25  }
0xa6: {  	s5 =	sshll.u32 s26, $0x1;
	_ =	strace $0x80000046;
	[dreg:$0x1] =	wrdreg $0xFFFFFFFF  }
0xa7: {  	s28 =	simm.s32 $_size_execute0_lowered;
	s3 =	sadd.s32 s3, s5;
	[dreg:$0x0] =	wrdreg $0x0  }
0xa8: {  	s5 =	sshll.u32 s28, $0x1;
	[dreg:$0x2] =	wrdreg s3  }
0xa9: {  	[dreg:$0x3] =	wrdreg s5  }
0xaa: {  	[dreg:$0x4] =	wrdreg $0xC0  }
0xab: {  	_ =	task [dreg:s7], $0x5FFFF  }
0xac: {  	[dreg:$0x1] =	wrdreg $0xFFFFFFFF  }
0xad: {  	[dreg:$0x0] =	wrdreg $0x60  }
0xae: {  	[dreg:$0x2] =	wrdreg s24  }
0xaf: {  	[dreg:$0x3] =	wrdreg s2  }
0xb0: {  	[dreg:$0x4] =	wrdreg $0x0  }
0xb1: {  	[dreg:$0x5] =	wrdreg $0x9  }
0xb2: {  	_ =	task.clear_ibuf [dreg:s7], $0x6FFFF;
	_ =	strace $0x90000046  }
0xb3: {  	s29 =	simm.s32 $0x9;
	_ =	strace $0x80000048  }
0xb4: {  	_ =	swait.ge [sflag:s29], $0x1  }
0xb5: {  	[sflag:s29] =	ssyncadd.s32 $0xFFFFFFFF  }
0xb6: {  	_ =	strace $0x90000048  }
0xb7: {  	_ =	sfence  }
0xb8: {  	s30 =	sld [smem:$0x0];
	_ =	sdelay $0x2  }
0xb9: {  	s31 =	sshll.u32 s1, $0xD;
	s1 =	sshrl.u32 s1, $0x2  }
0xba: {  	s3 =	sand.u32 $0x4000, s31;
	s1 =	sadd.s32 s1, s30  }
0xbb: {  	s0 =	sor.u32 s3, s0;
	s1 =	sshll.u32 s1, $0x11  }
0xbc: {  	s0 =	sor.u32 s1, s0  }
0xbd: {  	s0 =	sadd.s32 $0x8F2B, s0  }
0xbe: {  	[sflag:s0] =	ssyncadd.remote.s32 $0x1  }
0xbf: {  	_ =	sfence.sel $0xFFFF  }
0xc0: {  	[dreg:$0x0] =	wrdreg $0xFFFFFFFF;
	(pc) =	sbr.abs _section_cstart, $3  }
0xc1: {  	[dreg:$0x1] =	wrdreg $0xFFFFFFFF  }
0xc2: {  	_ =	task.clear_ibuf [dreg:s7], $0x2FFFF;
	_ =	strace $0x9FFFFFFF  }
0xc3: {  	(tm) =	ssettm $0x7FFFFFFF  }
tec
execute0_lowered:
.L_overlay_start_1:
0x0: {  	(tag) =	ssettag $0x1  }
0x1: {  	s4 =	rddreg [dreg:$0x0]  }
0x2: {  	s0 =	srdreg.scid;
	s6 =	rddreg [dreg:$0x1]  }
0x3: {  	s8 =	stileid.u32;
	s1 =	rddreg [dreg:$0x2];
	s2 =	simm.s32 $0x0  }
0x4: {  	s11 =	simm.s32 $0x2710;
	s12 =	simm.s32 $0x7D;
	s13 =	simm.s32 $0x0  }
0x5: {  	s7 =	sand.u32 $0x1, s0;
	s5 =	smul.u32 $0x500, s8;
	s0 =	rddreg [dreg:$0x3]  }
0x6: {  	[smem:$0x7FF] =	sst s2;
	p0 =	sne.s32 s8, $0x0;
	s8 =	simm.s32 $0x2EE0  }
0x7: {  	s3 =	smul.u32 $0x5000, s7;
	s9 =	ssub.s32 $0x2, s7;
	s7 =	sshll.u32 s7, $0x1  }
0x8: {  	_ =	strace $0x80000047;
	s10 =	sshrl.u32 s9, $0x1;
	s6 =	sadd.s32 s6, s7  }
0x9: {  	s3 =	sadd.s32 s5, s3;
	s9 =	ssub.s32 s9, s10;
	s10 =	sshrl.u32 @!p0 s1, $0x3  }
0xa: {  	s5 =	sadd.s32 s3, s4;
	s3 =	sadd.s32 $0xD000, s4;
	s4 =	sadd.s32 $0x12000, s4  }
0xb: {  	s7 =	smax.u32 s9, $0x1;
	s9 =	simm.s32 $0x1;
	s5 =	sadd.s32 $0x3000, s5  }
.LBB2_1:
0xc: {  	[tilespmem:s8], [sflag:$0x1] =	stream.linear.gather [hbm4b:s5+s2], $0x2800, $0x38;
	[tilespmem:$0x56E0] =	vst v63  }
0xd: {  	_ =	swait.ge [sflag:s9], $0x2800  }
0xe: {  	[sflag:s9] =	ssyncset.done $0x0  }
0xf: {  	s14 =	simm.s32 @!p0 $0x1C01;
	[sflag:s9] =	ssyncadd.s32 $0xFFFFD800  }
0x10: {  	[spmem:s10], [sflag:s14] =	dma.local @!p0 [hbm:s3], $0x4E20  }
0x11: {  	s14 =	simm.s32 @!p0 $0x1  }
0x12: {  	_ =	swait.ge @!p0 [sflag:s14], $0x4E20  }
0x13: {  	[sflag:s14] =	ssyncset.done @!p0 $0x0  }
0x14: {  	[sflag:s14] =	ssyncadd.s32 @!p0 $0xFFFFB1E0  }
0x15: {  	[tilespmem:s11], [sflag:$0x1] =	stream.linear.gather [hbm4b:s4+s2], $0x7D0, $0x38;
	[tilespmem:$0x56E0] =	vst v63  }
0x16: {  	_ =	swait.ge [sflag:s9], $0x7D0  }
0x17: {  	[sflag:s9] =	ssyncset.done $0x0  }
0x18: {  	[sflag:s9] =	ssyncadd.s32 $0xFFFFF830  }
0x19: {  	s31 =	simm.s32 $0x2EE0;
	[bflag:$0x0] =	sbarrier.arrive $0xFFFF  }
0x1a: {  	[spmem:s1] =	stream.indirect.scatter.add.f32 [tilespmem:s11], [sflag:$0x1], $0x10, s31, s12, $0xb8;
	[tilespmem:$0x56E0] =	vst v63  }
0x1b: {  	s14 =	simm.s32 $0x200;
	_ =	swait.ge [sflag:s9], $0x7D0  }
.LBB2_2:
0x1c: {  	s15 =	sshra.s32 s14, $0x2;
	[sflag:s9] =	ssyncset.done $0x0;
	p1 =	sne.s32 s14, $0x9E00  }
.Ltmp0:
0x1d: {  	s15 =	sadd.s32 $0x2EE0, s15;
	[sflag:s9] =	ssyncadd.s32 $0xFFFFF830;
	(pc) =	sbr.rel @p1 .LBB2_2-.Ltmp0, $3  }
0x1e: {  	[spmem:s1] =	stream.indirect.scatter.add.f32 [tilespmem:s11], [sflag:$0x1], $0x10, s15, s12, $0xb8;
	[tilespmem:$0x56E0] =	vst v63  }
0x1f: {  	s14 =	sadd.s32 $0x200, s14;
	_ =	sdelay $0x1  }
0x20: {  	_ =	swait.ge [sflag:s9], $0x7D0  }
0x21: {  	[sflag:s9] =	ssyncset.done $0x0  }
0x22: {  	s14 =	simm.s32 @!p0 $0x1;
	s15 =	simm.s32 @!p0 $0x10;
	s13 =	sadd.s32 $0x1, s13  }
0x23: {  	s16 =	simm.s32 @!p0 $0x2;
	[sflag:s9] =	ssyncadd.s32 $0xFFFFF830;
	p1 =	sne.s32 s13, s7  }
.Ltmp1:
0x24: {  	s17 =	simm.s32 @!p0 $0x1C01;
	[bflag:$0x0] =	sbarrier.arrive $0xFFFF;
	(pc) =	sbr.rel @p1 .LBB2_1-.Ltmp1, $4  }
0x25: {  	[hbm:s6@s15], [sflag:s17] =	dma.strided @!p0 [spmem:s10@s16], $0x4E20, s14, $0x2   }
0x26: {  	_ =	swait.ge @!p0 [sflag:s14], $0x4E20  }
0x27: {  	[sflag:s14] =	ssyncset.done @!p0 $0x0  }
0x28: {  	[sflag:s14] =	ssyncadd.s32 @!p0 $0xFFFFB1E0  }
0x29: {  	_ =	sfence.sel $0x180000  }
0x2a: {  	[bflag:$0x0] =	sbarrier.arrive $0xFFFF  }
0x2b: {  	_ =	strace $0x90000047  }
0x2c: {  	s0 =	sadd.s32 @!p0 $0x100000, s0;
	[bflag:$0x2] =	sbarrier.arrive $0xFFFF  }
0x2d: {  	[sflag:s0] =	ssyncadd.tile.s32 @!p0 $0x1;
	_ =	shalt  }
.Lfunc_end2:
_tile_overlayer_lowered:
.L_overlay_start_2:
0x2e: {  	(tag) =	ssettag $0x2  }
0x2f: {  	s0 =	rddreg [dreg:$0x0];
	s2 =	stileid.u32  }
0x30: {  	s1 =	rddreg [dreg:$0x1];
	p0 =	sne.s32 s2, $0x0  }
0x31: {  	s3 =	rddreg [dreg:$0x2];
	[bflag:$0x3] =	sbarrier.arrive $0xFFFF;
	s2 =	simm.s32 @!p0 $0x1C01  }
0x32: {  	[timem:s3], [sflag:s2] =	dma.local @!p0 [hbm:s0], s1  }
0x33: {  	s0 =	simm.s32 @!p0 $0x1  }
0x34: {  	_ =	swait.ge @!p0 [sflag:s0], s1  }
0x35: {  	s1 =	ssub.s32 @!p0 $0x0, s1;
	[sflag:s0] =	ssyncset.done @!p0 $0x0  }
0x36: {  	[sflag:s0] =	ssyncadd.s32 @!p0 s1  }
0x37: {  	[bflag:$0x3] =	sbarrier.arrive $0xFFFF  }
0x38: {  	_ =	shalt  }

// kernel: kernel.14.cloned.1.call-start
scs
__scs_entry_jumppad:
0x0: {  	(pc) =	sbr.rel $0x88, $3  }
0x1: {  	(tag) =	ssettag $0x0;
	lr =	simm.s32 $0x1  }
0x2: {  	[smem:$0x3F99] =	sst lr;
	_ =	strace $0xD0000000  }
0x3: {  	_ = 	snop  }
0x4: {  	_ = 	snop  }
0x5: {  	_ = 	snop  }
0x6: {  	_ = 	snop  }
0x7: {  	_ = 	snop  }
__scs_overlays_trampoline_lowered:
0x8: {  	[smem:$0x3FA8] =	sst s0  }
0x9: {  	[smem:$0x3FA9] =	sst s1  }
0xa: {  	[smem:$0x3FAA] =	sst s2  }
0xb: {  	[smem:$0x3FAB] =	sst s3  }
0xc: {  	[smem:$0x3FAC] =	sst s4  }
0xd: {  	[smem:$0x3FAD] =	sst s5  }
0xe: {  	[smem:$0x3FAE] =	sst s6  }
0xf: {  	[smem:$0x3FAF] =	sst s7  }
0x10: {  	[smem:$0x3FB0] =	sst s8  }
0x11: {  	[smem:$0x3FB1] =	sst s9;
	s0 =	simm.s32 @!p0 $0x0  }
0x12: {  	s1 =	sld [smem:$0x3F97];
	s0 =	simm.s32 @p0 $0x1  }
0x13: {  	[smem:$0x3FB2] =	sst s0;
	s0 =	simm.s32 @!p1 $0x0  }
0x14: {  	s2 =	sld [smem:$0x3F96];
	s0 =	simm.s32 @p1 $0x1  }
0x15: {  	[smem:$0x3FB3] =	sst s0;
	s0 =	simm.s32 @!p2 $0x0  }
0x16: {  	s3 =	sld [smem:$0x3FDB];
	s0 =	simm.s32 @p2 $0x1  }
0x17: {  	s4 =	simm.s32 $0x1BF5;
	[smem:$0x3FB5] =	sst s0  }
0x18: {  	s0 =	sld [smem:$0x3F98];
	_ =	swait.ge [sflag:s4], $0x0  }
0x19: {  	s7 =	sld [smem:$0x3F99]  }
0x1a: {  	s8 =	sadd.s32 $0xFFFFE003, lr  }
0x1b: {  	s9 =	sadd.s32 $0xFFFFFEF7, lr;
	s5 =	simm.s32 $0xFFFFFFFF;
	p2 =	slt.u32 s8, $0xFFFFF086  }
0x1c: {  	p1 =	slt.u32 s9, $0xF7A;
	s5 =	simm.s32 @!p2 $0x0  }
0x1d: {  	s5 =	simm.s32 @p1 $0x1;
	p0 =	seq.s32 s7, s2  }
0x1e: {  	s7 =	smul.u32 @!p0 $0xF7A, s2;
	p2 =	seq.s32 @!p0 s5, $0x0  }
0x1f: {  	s9 =	smul.u32 $0xF7A, s1;
	s8 =	simm.s32 @!p0 $0x1BF5;
	p2 =	por !p2, p0  }
0x20: {  	[sflag:s8] =	ssyncset.s32 @!p0 $0xFFFFF086;
	s6 =	sadd.s32 @!p0 s3, s7;
	s7 =	simm.s32 @!p0 $0x108  }
0x21: {  	s3 =	sadd.s32 s3, s9;
	s6 =	sadd.s32 @!p0 $0x88, s6;
	s7 =	simm.s32 @p2 $0x1082  }
0x22: {  	[simem:s7], [sflag:s8] =	dma.local @!p0 [hbm:s6], $0xF7A  }
0x23: {  	s9 =	sor.u32 $0xD0000000, s2;
	s6 =	simm.s32 $0x108;
	_ =	swait.ge @!p0 [sflag:s8], $0x0  }
0x24: {  	s3 =	sadd.s32 $0x88, s3;
	s6 =	simm.s32 @!p1 $0x1082;
	[sflag:s4] =	ssyncset.s32 $0xFFFFF086  }
0x25: {  	[simem:s6], [sflag:s4] =	dma.local [hbm:s3], $0xF7A  }
0x26: {  	[smem:$0x3F99] =	sst s1;
	(tag) =	ssettag s2;
	_ =	strace s9  }
0x27: {  	s1 =	sld [smem:$0x3FA9]  }
0x28: {  	s2 =	sld [smem:$0x3FAA]  }
0x29: {  	s4 =	sld [smem:$0x3FAC]  }
0x2a: {  	p0 =	seq.s32 s5, $0x0;
	s5 =	sld [smem:$0x3FAD]  }
0x2b: {  	s6 =	sld [smem:$0x3FAE]  }
0x2c: {  	s7 =	sld [smem:$0x3FAF]  }
0x2d: {  	s3 =	simm.s32 $0x108;
	s8 =	sld [smem:$0x3FB0]  }
0x2e: {  	s3 =	simm.s32 @!p0 $0x1082;
	s9 =	sld [smem:$0x3FB1]  }
0x2f: {  	lr =	sadd.s32 s0, s3;
	s0 =	sld [smem:$0x3FA8]  }
0x30: {  	s3 =	sld [smem:$0x3FAB]  }
0x31: {  	[smem:$0x3FB4] =	sst s10  }
0x32: {  	s10 =	sld [smem:$0x3FB2];
	_ =	sdelay $0x3  }
0x33: {  	p0 =	seq.s32 s10, $0x1;
	s10 =	sld [smem:$0x3FB4];
	_ =	sdelay $0x3  }
0x34: {  	[smem:$0x3FB4] =	sst s10  }
0x35: {  	s10 =	sld [smem:$0x3FB3];
	_ =	sdelay $0x3  }
0x36: {  	p1 =	seq.s32 s10, $0x1;
	s10 =	sld [smem:$0x3FB4];
	_ =	sdelay $0x3  }
0x37: {  	[smem:$0x3FB4] =	sst s10  }
0x38: {  	s10 =	sld [smem:$0x3FB5]  }
0x39: {  	_ = 	snop;
	(pc) =	sbr.ind lr, $3  }
0x3a: {  	_ = 	snop  }
0x3b: {  	_ = 	snop  }
0x3c: {  	p2 =	seq.s32 s10, $0x1;
	s10 =	sld [smem:$0x3FB4]  }
0x3d: {  	_ =	shalt  }
0x3e: {  	_ =	shalt  }
0x3f: {  	_ =	shalt  }
0x40: {  	_ =	shalt  }
0x41: {  	_ =	shalt  }
0x42: {  	_ =	shalt  }
0x43: {  	_ =	shalt  }
0x44: {  	_ =	shalt  }
0x45: {  	_ =	shalt  }
0x46: {  	_ =	shalt  }
0x47: {  	_ =	shalt  }
0x48: {  	_ =	shalt  }
0x49: {  	_ =	shalt  }
0x4a: {  	_ =	shalt  }
0x4b: {  	_ =	shalt  }
0x4c: {  	_ =	shalt  }
0x4d: {  	_ =	shalt  }
0x4e: {  	_ =	shalt  }
0x4f: {  	_ =	shalt  }
0x50: {  	_ =	shalt  }
0x51: {  	_ =	shalt  }
0x52: {  	_ =	shalt  }
0x53: {  	_ =	shalt  }
0x54: {  	_ =	shalt  }
0x55: {  	_ =	shalt  }
0x56: {  	_ =	shalt  }
0x57: {  	_ =	shalt  }
0x58: {  	_ =	shalt  }
0x59: {  	_ =	shalt  }
0x5a: {  	_ =	shalt  }
0x5b: {  	_ =	shalt  }
0x5c: {  	_ =	shalt  }
0x5d: {  	_ =	shalt  }
0x5e: {  	_ =	shalt  }
0x5f: {  	_ =	shalt  }
0x60: {  	_ =	shalt  }
0x61: {  	_ =	shalt  }
0x62: {  	_ =	shalt  }
0x63: {  	_ =	shalt  }
0x64: {  	_ =	shalt  }
0x65: {  	_ =	shalt  }
0x66: {  	_ =	shalt  }
0x67: {  	_ =	shalt  }
0x68: {  	_ =	shalt  }
0x69: {  	_ =	shalt  }
0x6a: {  	_ =	shalt  }
0x6b: {  	_ =	shalt  }
0x6c: {  	_ =	shalt  }
0x6d: {  	_ =	shalt  }
0x6e: {  	_ =	shalt  }
0x6f: {  	_ =	shalt  }
0x70: {  	_ =	shalt  }
0x71: {  	_ =	shalt  }
0x72: {  	_ =	shalt  }
0x73: {  	_ =	shalt  }
0x74: {  	_ =	shalt  }
0x75: {  	_ =	shalt  }
0x76: {  	_ =	shalt  }
0x77: {  	_ =	shalt  }
0x78: {  	_ =	shalt  }
0x79: {  	_ =	shalt  }
0x7a: {  	_ =	shalt  }
0x7b: {  	_ =	shalt  }
0x7c: {  	_ =	shalt  }
0x7d: {  	_ =	shalt  }
0x7e: {  	_ =	shalt  }
0x7f: {  	_ =	shalt  }
0x80: {  	_ =	shalt  }
0x81: {  	_ =	shalt  }
0x82: {  	_ =	shalt  }
0x83: {  	_ =	shalt  }
0x84: {  	_ =	shalt  }
0x85: {  	_ =	shalt  }
0x86: {  	_ =	shalt  }
0x87: {  	_ =	shalt  }
.Lfunc_end0:
.L_simem_size_0:
called_computation.1_lowered:
.L_overlay_start_0:
0x88: {  	s2 =	sld [smem:$0x3FD9]  }
0x89: {  	s3 =	sld [smem:$0x3FFE];
	_ =	sdelay $0x1  }
0x8a: {  	s1 =	srdreg.scid  }
0x8b: {  	s0 =	sand.u32 $0x1, s1  }
0x8c: {  	s17 =	sshll.u32 s0, $0xA;
	s2 =	sadd.s32 s3, s2  }
0x8d: {  	s2 =	sadd.s32 s2, s17  }
0x8e: {  	[smem:$0x3FC0] =	sst s2  }
0x8f: {  	_ = 	snop  }
0x90: {  	s2 =	sld [smem:$0x3FD0];
	(tm) =	ssettm $0x1  }
0x91: {  	s18 =	sld [smem:$0x3FFB];
	_ =	sdelay $0x3  }
0x92: {  	_ =	strace s18  }
0x93: {  	s3 =	sld [smem:$0x3FFC];
	_ =	sdelay $0x3  }
0x94: {  	_ =	strace s3  }
0x95: {  	s3 =	sld [smem:$0x3FFD];
	_ =	sdelay $0x3  }
0x96: {  	_ =	strace s3  }
0x97: {  	_ =	strace $0x8FFFFFFF  }
0x98: {  	s19 =	sld [smem:$0x3FDB];
	_ =	sdelay $0x1  }
0x99: {  	s4 =	simm.s32 $_scs_section_size  }
0x9a: {  	s5 =	simm.s32 $_size__tile_overlayer_lowered;
	s6 =	simm.s32 $_tile_overlayer_lowered  }
0x9b: {  	s22 =	simm.s32 $0x1BFF;
	s21 =	sshll.u32 s6, $0x1;
	s3 =	sadd.s32 s4, s19  }
0x9c: {  	s7 =	simm.s32 $0x0;
	s20 =	sshll.u32 s5, $0x1;
	s5 =	sadd.s32 s21, s3  }
0x9d: {  	[timem:s7], [sflag:s22] =	dma.local [hbm:s5], s20  }
0x9e: {  	_ =	swait.ge [sflag:s22], s20  }
0x9f: {  	s4 =	ssub.s32 $0x0, s20;
	[sflag:s22] =	ssyncset.done $0x0  }
0xa0: {  	[sflag:s22] =	ssyncadd.s32 s4;
	_ =	sdelay $0x1  }
0xa1: {  	s23 =	simm.s32 $0x1B8B  }
0xa2: {  	_ =	swait.ge [sflag:s23], $0x1  }
0xa3: {  	[sflag:s23] =	ssyncset.done $0x0  }
0xa4: {  	s25 =	simm.s32 $0x1B8E;
	s24 =	sld [smem:$0x3FFE];
	[sflag:s23] =	ssyncadd.s32 $0xFFFFFFFF  }
0xa5: {  	s26 =	simm.s32 $execute0_lowered;
	[smem:$0x3FD2] =	sst s25  }
0xa6: {  	s5 =	sshll.u32 s26, $0x1;
	_ =	strace $0x80000049;
	[dreg:$0x1] =	wrdreg $0xFFFFFFFF  }
0xa7: {  	s28 =	simm.s32 $_size_execute0_lowered;
	s3 =	sadd.s32 s3, s5;
	[dreg:$0x0] =	wrdreg $0x0  }
0xa8: {  	s5 =	sshll.u32 s28, $0x1;
	[dreg:$0x2] =	wrdreg s3  }
0xa9: {  	[dreg:$0x3] =	wrdreg s5  }
0xaa: {  	[dreg:$0x4] =	wrdreg $0xC0  }
0xab: {  	_ =	task [dreg:s7], $0x5FFFF  }
0xac: {  	[dreg:$0x1] =	wrdreg $0xFFFFFFFF  }
0xad: {  	[dreg:$0x0] =	wrdreg $0x60  }
0xae: {  	[dreg:$0x2] =	wrdreg s24  }
0xaf: {  	[dreg:$0x3] =	wrdreg s2  }
0xb0: {  	[dreg:$0x4] =	wrdreg $0x0  }
0xb1: {  	[dreg:$0x5] =	wrdreg $0x9  }
0xb2: {  	_ =	task.clear_ibuf [dreg:s7], $0x6FFFF;
	_ =	strace $0x90000049  }
0xb3: {  	s29 =	simm.s32 $0x9;
	_ =	strace $0x8000004B  }
0xb4: {  	_ =	swait.ge [sflag:s29], $0x1  }
0xb5: {  	[sflag:s29] =	ssyncadd.s32 $0xFFFFFFFF  }
0xb6: {  	_ =	strace $0x9000004B  }
0xb7: {  	_ =	sfence  }
0xb8: {  	s30 =	sld [smem:$0x0];
	_ =	sdelay $0x2  }
0xb9: {  	s31 =	sshll.u32 s1, $0xD;
	s1 =	sshrl.u32 s1, $0x2  }
0xba: {  	s3 =	sand.u32 $0x4000, s31;
	s1 =	sadd.s32 s1, s30  }
0xbb: {  	s0 =	sor.u32 s3, s0;
	s1 =	sshll.u32 s1, $0x11  }
0xbc: {  	s0 =	sor.u32 s1, s0  }
0xbd: {  	s0 =	sadd.s32 $0x8F2B, s0  }
0xbe: {  	[sflag:s0] =	ssyncadd.remote.s32 $0x1  }
0xbf: {  	_ =	sfence.sel $0xFFFF  }
0xc0: {  	[dreg:$0x0] =	wrdreg $0xFFFFFFFF;
	(pc) =	sbr.abs _section_cstart, $3  }
0xc1: {  	[dreg:$0x1] =	wrdreg $0xFFFFFFFF  }
0xc2: {  	_ =	task.clear_ibuf [dreg:s7], $0x2FFFF;
	_ =	strace $0x9FFFFFFF  }
0xc3: {  	(tm) =	ssettm $0x7FFFFFFF  }
tec
execute0_lowered:
.L_overlay_start_1:
0x0: {  	(tag) =	ssettag $0x1  }
0x1: {  	s0 =	rddreg [dreg:$0x0]  }
0x2: {  	s7 =	rddreg [dreg:$0x1];
	s2 =	srdreg.scid  }
0x3: {  	s1 =	rddreg [dreg:$0x2];
	s9 =	stileid.u32  }
0x4: {  	s11 =	simm.s32 $0xC440;
	s13 =	simm.s32 $0x7D;
	s14 =	simm.s32 $0xEC40  }
0x5: {  	s16 =	simm.s32 $0x10B80;
	s18 =	simm.s32 $0x12AC0;
	s20 =	simm.s32 $0x14A00  }
0x6: {  	s21 =	simm.s32 $0x1;
	s22 =	simm.s32 $0x2;
	s24 =	simm.s32 $0x3  }
0x7: {  	s28 =	simm.s32 $0xC5C0;
	s29 =	simm.s32 $0x5;
	s30 =	simm.s32 $0x6  }
0x8: {  	s31 =	simm.s32 $0x7;
	s15 =	simm.s32 $0x0;
	s8 =	sand.u32 $0x1, s2  }
0x9: {  	s2 =	simm.s32 $0x0;
	s4 =	smul.u32 $0x50, s9;
	p0 =	sne.s32 s9, $0x0  }
0xa: {  	s9 =	simm.s32 $0x9C40;
	s3 =	smul.u32 $0x500, s8;
	[smem:$0x7FF] =	sst s2  }
0xb: {  	s5 =	ssub.s32 $0x2, s8;
	s26 =	sshll.u32 s8, $0x3;
	s12 =	sshrl.u32 @!p0 s1, $0x3  }
0xc: {  	_ =	strace $0x8000004A;
	s10 =	sshrl.u32 s5, $0x1;
	s7 =	sadd.s32 s7, s26  }
0xd: {  	s26 =	simm.s32 $0x4;
	s4 =	sadd.s32 s4, s3;
	s3 =	sadd.s32 $0x1C200, s0  }
0xe: {  	s10 =	ssub.s32 s5, s10;
	s6 =	sshll.u32 s4, $0x4;
	s4 =	sadd.s32 $0x2FC00, s0  }
0xf: {  	s8 =	smax.u32 s10, $0x1;
	s10 =	simm.s32 $0x9;
	s0 =	sadd.s32 s6, s0  }
0x10: {  	s5 =	sadd.s32 $0x12200, s0;
	s6 =	sadd.s32 $0x3000, s0;
	s0 =	simm.s32 $0x8  }
.LBB2_1:
0x11: {  	[tilespmem:s9], [sflag:$0x9] =	stream.linear.gather [hbm4b:s5+s2], $0x2800, $0x38;
	[tilespmem:$0x16940] =	vst v63  }
0x12: {  	_ =	swait.ge [sflag:s10], $0x2800  }
0x13: {  	[sflag:s10] =	ssyncset.done $0x0  }
0x14: {  	[sflag:s10] =	ssyncadd.s32 $0xFFFFD800  }
0x15: {  	[tilespmem:s11], [sflag:$0x9] =	stream.linear.gather [hbm4b:s6+s2], $0x2800, $0x38;
	[tilespmem:$0x16940] =	vst v63  }
0x16: {  	_ =	swait.ge [sflag:s10], $0x2800  }
0x17: {  	[sflag:s10] =	ssyncset.done $0x0  }
0x18: {  	s17 =	simm.s32 @!p0 $0x1C09;
	[sflag:s10] =	ssyncadd.s32 $0xFFFFD800  }
0x19: {  	[spmem:s12], [sflag:s17] =	dma.local @!p0 [hbm:s4], $0x13880  }
0x1a: {  	s17 =	simm.s32 @!p0 $0x9  }
0x1b: {  	_ =	swait.ge @!p0 [sflag:s17], $0x13880  }
0x1c: {  	[sflag:s17] =	ssyncset.done @!p0 $0x0  }
0x1d: {  	[sflag:s17] =	ssyncadd.s32 @!p0 $0xFFFEC780  }
0x1e: {  	[bflag:$0x0] =	sbarrier.arrive $0xFFFF  }
0x1f: {  	[tilespmem:s14], [sflag:$0x1] =	stream.indirect.gather [hbm4b:s3+s13], $0x40, s9, s13, $0xb8;
	[tilespmem:$0x16940] =	vst v63  }
0x20: {  	s19 =	simm.s32 $0x9CC0  }
0x21: {  	[tilespmem:s16], [sflag:$0x2] =	stream.indirect.gather [hbm4b:s3+s13], $0x40, s19, s13, $0xb8;
	[tilespmem:$0x16940] =	vst v63  }
0x22: {  	s23 =	simm.s32 $0x9D40  }
0x23: {  	[tilespmem:s18], [sflag:$0x3] =	stream.indirect.gather [hbm4b:s3+s13], $0x40, s23, s13, $0xb8;
	[tilespmem:$0x16940] =	vst v63  }
0x24: {  	s25 =	simm.s32 $0x9DC0  }
0x25: {  	[tilespmem:s20], [sflag:$0x4] =	stream.indirect.gather [hbm4b:s3+s13], $0x40, s25, s13, $0xb8;
	[tilespmem:$0x16940] =	vst v63  }
0x26: {  	_ =	swait.ge [sflag:s21], $0x1F40  }
0x27: {  	[sflag:s21] =	ssyncset.done $0x0  }
0x28: {  	[sflag:s21] =	ssyncadd.s32 $0xFFFFE0C0  }
0x29: {  	[spmem:s1] =	stream.indirect.scatter.add.f32 [tilespmem:s14], [sflag:$0x5], $0x40, s11, s13, $0xb8;
	[tilespmem:$0x16940] =	vst v63  }
0x2a: {  	_ =	swait.ge [sflag:s22], $0x1F40  }
0x2b: {  	[sflag:s22] =	ssyncset.done $0x0  }
0x2c: {  	s19 =	simm.s32 $0xC4C0;
	[sflag:s22] =	ssyncadd.s32 $0xFFFFE0C0  }
0x2d: {  	[spmem:s1] =	stream.indirect.scatter.add.f32 [tilespmem:s16], [sflag:$0x6], $0x40, s19, s13, $0xb8;
	[tilespmem:$0x16940] =	vst v63  }
0x2e: {  	_ =	swait.ge [sflag:s24], $0x1F40  }
0x2f: {  	[sflag:s24] =	ssyncset.done $0x0  }
0x30: {  	s23 =	simm.s32 $0xC540;
	[sflag:s24] =	ssyncadd.s32 $0xFFFFE0C0  }
0x31: {  	[spmem:s1] =	stream.indirect.scatter.add.f32 [tilespmem:s18], [sflag:$0x7], $0x40, s23, s13, $0xb8;
	[tilespmem:$0x16940] =	vst v63  }
0x32: {  	_ =	swait.ge [sflag:s26], $0x1F40  }
0x33: {  	[sflag:s26] =	ssyncset.done $0x0  }
0x34: {  	[sflag:s26] =	ssyncadd.s32 $0xFFFFE0C0  }
0x35: {  	[spmem:s1] =	stream.indirect.scatter.add.f32 [tilespmem:s20], [sflag:$0x8], $0x40, s28, s13, $0xb8;
	[tilespmem:$0x16940] =	vst v63  }
0x36: {  	_ =	swait.ge [sflag:s29], $0x1F40  }
0x37: {  	[sflag:s29] =	ssyncset.done $0x0  }
0x38: {  	s25 =	simm.s32 $0x9E40;
	[sflag:s29] =	ssyncadd.s32 $0xFFFFE0C0  }
0x39: {  	[tilespmem:s14], [sflag:$0x1] =	stream.indirect.gather [hbm4b:s3+s13], $0x40, s25, s13, $0xb8;
	[tilespmem:$0x16940] =	vst v63  }
0x3a: {  	_ =	swait.ge [sflag:s30], $0x1F40  }
0x3b: {  	[sflag:s30] =	ssyncset.done $0x0  }
0x3c: {  	s19 =	simm.s32 $0x9EC0;
	[sflag:s30] =	ssyncadd.s32 $0xFFFFE0C0  }
0x3d: {  	[tilespmem:s16], [sflag:$0x2] =	stream.indirect.gather [hbm4b:s3+s13], $0x40, s19, s13, $0xb8;
	[tilespmem:$0x16940] =	vst v63  }
0x3e: {  	_ =	swait.ge [sflag:s31], $0x1F40  }
0x3f: {  	[sflag:s31] =	ssyncset.done $0x0  }
0x40: {  	s23 =	simm.s32 $0x9F40;
	[sflag:s31] =	ssyncadd.s32 $0xFFFFE0C0  }
0x41: {  	[tilespmem:s18], [sflag:$0x3] =	stream.indirect.gather [hbm4b:s3+s13], $0x40, s23, s13, $0xb8;
	[tilespmem:$0x16940] =	vst v63  }
0x42: {  	_ =	swait.ge [sflag:s0], $0x1F40  }
0x43: {  	[sflag:s0] =	ssyncset.done $0x0  }
0x44: {  	s25 =	simm.s32 $0x9FC0;
	[sflag:s0] =	ssyncadd.s32 $0xFFFFE0C0  }
0x45: {  	[tilespmem:s20], [sflag:$0x4] =	stream.indirect.gather [hbm4b:s3+s13], $0x40, s25, s13, $0xb8;
	[tilespmem:$0x16940] =	vst v63  }
0x46: {  	_ =	swait.ge [sflag:s21], $0x1F40  }
0x47: {  	[sflag:s21] =	ssyncset.done $0x0  }
0x48: {  	s19 =	simm.s32 $0xC640;
	[sflag:s21] =	ssyncadd.s32 $0xFFFFE0C0  }
0x49: {  	[spmem:s1] =	stream.indirect.scatter.add.f32 [tilespmem:s14], [sflag:$0x5], $0x40, s19, s13, $0xb8;
	[tilespmem:$0x16940] =	vst v63  }
0x4a: {  	_ =	swait.ge [sflag:s22], $0x1F40  }
0x4b: {  	[sflag:s22] =	ssyncset.done $0x0  }
0x4c: {  	s23 =	simm.s32 $0xC6C0;
	[sflag:s22] =	ssyncadd.s32 $0xFFFFE0C0  }
0x4d: {  	[spmem:s1] =	stream.indirect.scatter.add.f32 [tilespmem:s16], [sflag:$0x6], $0x40, s23, s13, $0xb8;
	[tilespmem:$0x16940] =	vst v63  }
0x4e: {  	_ =	swait.ge [sflag:s24], $0x1F40  }
0x4f: {  	[sflag:s24] =	ssyncset.done $0x0  }
0x50: {  	s25 =	simm.s32 $0xC740;
	[sflag:s24] =	ssyncadd.s32 $0xFFFFE0C0  }
0x51: {  	[spmem:s1] =	stream.indirect.scatter.add.f32 [tilespmem:s18], [sflag:$0x7], $0x40, s25, s13, $0xb8;
	[tilespmem:$0x16940] =	vst v63  }
0x52: {  	_ =	swait.ge [sflag:s26], $0x1F40  }
0x53: {  	[sflag:s26] =	ssyncset.done $0x0  }
0x54: {  	s17 =	simm.s32 $0x800;
	s19 =	simm.s32 $0xC7C0;
	[sflag:s26] =	ssyncadd.s32 $0xFFFFE0C0  }
.LBB2_2:
0x55: {  	[spmem:s1] =	stream.indirect.scatter.add.f32 [tilespmem:s20], [sflag:$0x8], $0x40, s19, s13, $0xb8;
	[tilespmem:$0x16940] =	vst v63  }
0x56: {  	s19 =	smov.u32 s17  }
0x57: {  	p1 =	sne.s32 s17, $0x9000;
	s17 =	sadd.s32 $0x800, s17;
	_ =	swait.ge [sflag:s29], $0x1F40  }
0x58: {  	s19 =	sshra.s32 s19, $0x2;
	[sflag:s29] =	ssyncset.done $0x0  }
0x59: {  	s23 =	sadd.s32 $0x9E40, s19;
	[sflag:s29] =	ssyncadd.s32 $0xFFFFE0C0  }
0x5a: {  	[tilespmem:s14], [sflag:$0x1] =	stream.indirect.gather [hbm4b:s3+s13], $0x40, s23, s13, $0xb8;
	[tilespmem:$0x16940] =	vst v63  }
0x5b: {  	_ =	swait.ge [sflag:s30], $0x1F40  }
0x5c: {  	[sflag:s30] =	ssyncset.done $0x0  }
0x5d: {  	s23 =	sadd.s32 $0x9EC0, s19;
	[sflag:s30] =	ssyncadd.s32 $0xFFFFE0C0  }
0x5e: {  	[tilespmem:s16], [sflag:$0x2] =	stream.indirect.gather [hbm4b:s3+s13], $0x40, s23, s13, $0xb8;
	[tilespmem:$0x16940] =	vst v63  }
0x5f: {  	_ =	swait.ge [sflag:s31], $0x1F40  }
0x60: {  	[sflag:s31] =	ssyncset.done $0x0  }
0x61: {  	s23 =	sadd.s32 $0x9F40, s19;
	[sflag:s31] =	ssyncadd.s32 $0xFFFFE0C0  }
0x62: {  	[tilespmem:s18], [sflag:$0x3] =	stream.indirect.gather [hbm4b:s3+s13], $0x40, s23, s13, $0xb8;
	[tilespmem:$0x16940] =	vst v63  }
0x63: {  	_ =	swait.ge [sflag:s0], $0x1F40  }
0x64: {  	[sflag:s0] =	ssyncset.done $0x0  }
0x65: {  	s23 =	sadd.s32 $0x9FC0, s19;
	[sflag:s0] =	ssyncadd.s32 $0xFFFFE0C0  }
0x66: {  	[tilespmem:s20], [sflag:$0x4] =	stream.indirect.gather [hbm4b:s3+s13], $0x40, s23, s13, $0xb8;
	[tilespmem:$0x16940] =	vst v63  }
0x67: {  	_ =	swait.ge [sflag:s21], $0x1F40  }
0x68: {  	[sflag:s21] =	ssyncset.done $0x0  }
0x69: {  	s23 =	sadd.s32 $0xC640, s19;
	[sflag:s21] =	ssyncadd.s32 $0xFFFFE0C0  }
0x6a: {  	[spmem:s1] =	stream.indirect.scatter.add.f32 [tilespmem:s14], [sflag:$0x5], $0x40, s23, s13, $0xb8;
	[tilespmem:$0x16940] =	vst v63  }
0x6b: {  	_ =	swait.ge [sflag:s22], $0x1F40  }
0x6c: {  	[sflag:s22] =	ssyncset.done $0x0  }
0x6d: {  	s23 =	sadd.s32 $0xC6C0, s19;
	[sflag:s22] =	ssyncadd.s32 $0xFFFFE0C0  }
0x6e: {  	[spmem:s1] =	stream.indirect.scatter.add.f32 [tilespmem:s16], [sflag:$0x6], $0x40, s23, s13, $0xb8;
	[tilespmem:$0x16940] =	vst v63  }
0x6f: {  	_ =	swait.ge [sflag:s24], $0x1F40  }
0x70: {  	[sflag:s24] =	ssyncset.done $0x0  }
.Ltmp0:
0x71: {  	s23 =	sadd.s32 $0xC740, s19;
	[sflag:s24] =	ssyncadd.s32 $0xFFFFE0C0;
	(pc) =	sbr.rel @p1 .LBB2_2-.Ltmp0, $4  }
0x72: {  	[spmem:s1] =	stream.indirect.scatter.add.f32 [tilespmem:s18], [sflag:$0x7], $0x40, s23, s13, $0xb8;
	[tilespmem:$0x16940] =	vst v63  }
0x73: {  	_ =	swait.ge [sflag:s26], $0x1F40  }
0x74: {  	[sflag:s26] =	ssyncset.done $0x0  }
0x75: {  	s19 =	sadd.s32 $0xC7C0, s19;
	[sflag:s26] =	ssyncadd.s32 $0xFFFFE0C0  }
0x76: {  	[spmem:s1] =	stream.indirect.scatter.add.f32 [tilespmem:s20], [sflag:$0x8], $0x40, s19, s13, $0xb8;
	[tilespmem:$0x16940] =	vst v63  }
0x77: {  	_ =	swait.ge [sflag:s29], $0x1F40  }
0x78: {  	[sflag:s29] =	ssyncset.done $0x0  }
0x79: {  	[sflag:s29] =	ssyncadd.s32 $0xFFFFE0C0  }
0x7a: {  	_ =	swait.ge [sflag:s30], $0x1F40  }
0x7b: {  	[sflag:s30] =	ssyncset.done $0x0  }
0x7c: {  	[sflag:s30] =	ssyncadd.s32 $0xFFFFE0C0  }
0x7d: {  	_ =	swait.ge [sflag:s31], $0x1F40  }
0x7e: {  	[sflag:s31] =	ssyncset.done $0x0  }
0x7f: {  	[sflag:s31] =	ssyncadd.s32 $0xFFFFE0C0  }
0x80: {  	_ =	swait.ge [sflag:s0], $0x1F40  }
0x81: {  	s17 =	simm.s32 @!p0 $0x1;
	s19 =	simm.s32 @!p0 $0x10;
	[sflag:s0] =	ssyncset.done $0x0  }
0x82: {  	s23 =	simm.s32 @!p0 $0x8;
	s15 =	sadd.s32 $0x1, s15;
	[sflag:s0] =	ssyncadd.s32 $0xFFFFE0C0  }
0x83: {  	s25 =	simm.s32 @!p0 $0x1C09;
	p1 =	sne.s32 s15, s8;
	[bflag:$0x0] =	sbarrier.arrive $0xFFFF  }
0x84: {  	[hbm:s7@s19], [sflag:s25] =	dma.strided @!p0 [spmem:s12@s23], $0x13880, s17, $0x8   }
.Ltmp1:
0x85: {  	_ = 	snop;
	(pc) =	sbr.rel @p1 .LBB2_1-.Ltmp1, $4  }
0x86: {  	s17 =	simm.s32 @!p0 $0x9  }
0x87: {  	_ =	swait.ge @!p0 [sflag:s17], $0x13880  }
0x88: {  	[sflag:s17] =	ssyncset.done @!p0 $0x0  }
0x89: {  	[sflag:s17] =	ssyncadd.s32 @!p0 $0xFFFEC780  }
0x8a: {  	_ =	sfence.sel $0x180000  }
0x8b: {  	[bflag:$0x0] =	sbarrier.arrive $0xFFFF  }
0x8c: {  	_ =	strace $0x9000004A  }
0x8d: {  	[bflag:$0x2] =	sbarrier.arrive $0xFFFF  }
0x8e: {  	s0 =	rddreg [dreg:$0x3]  }
0x8f: {  	s0 =	sadd.s32 @!p0 $0x100000, s0  }
0x90: {  	[sflag:s0] =	ssyncadd.tile.s32 @!p0 $0x1;
	_ =	shalt  }
.Lfunc_end2:
_tile_overlayer_lowered:
.L_overlay_start_2:
0x91: {  	(tag) =	ssettag $0x2  }
0x92: {  	s0 =	rddreg [dreg:$0x0];
	s2 =	stileid.u32  }
0x93: {  	s1 =	rddreg [dreg:$0x1];
	p0 =	sne.s32 s2, $0x0  }
0x94: {  	s3 =	rddreg [dreg:$0x2];
	[bflag:$0x3] =	sbarrier.arrive $0xFFFF;
	s2 =	simm.s32 @!p0 $0x1C09  }
0x95: {  	[timem:s3], [sflag:s2] =	dma.local @!p0 [hbm:s0], s1  }
0x96: {  	s0 =	simm.s32 @!p0 $0x9  }
0x97: {  	_ =	swait.ge @!p0 [sflag:s0], s1  }
0x98: {  	s1 =	ssub.s32 @!p0 $0x0, s1;
	[sflag:s0] =	ssyncset.done @!p0 $0x0  }
0x99: {  	[sflag:s0] =	ssyncadd.s32 @!p0 s1  }
0x9a: {  	[bflag:$0x3] =	sbarrier.arrive $0xFFFF  }
0x9b: {  	_ =	shalt  }

// kernel: kernel.17.cloned.1.call-start
scs
__scs_entry_jumppad:
0x0: {  	(pc) =	sbr.rel $0x88, $3  }
0x1: {  	(tag) =	ssettag $0x0;
	lr =	simm.s32 $0x1  }
0x2: {  	[smem:$0x3F99] =	sst lr;
	_ =	strace $0xD0000000  }
0x3: {  	_ = 	snop  }
0x4: {  	_ = 	snop  }
0x5: {  	_ = 	snop  }
0x6: {  	_ = 	snop  }
0x7: {  	_ = 	snop  }
__scs_overlays_trampoline_lowered:
0x8: {  	[smem:$0x3FA8] =	sst s0  }
0x9: {  	[smem:$0x3FA9] =	sst s1  }
0xa: {  	[smem:$0x3FAA] =	sst s2  }
0xb: {  	[smem:$0x3FAB] =	sst s3  }
0xc: {  	[smem:$0x3FAC] =	sst s4  }
0xd: {  	[smem:$0x3FAD] =	sst s5  }
0xe: {  	[smem:$0x3FAE] =	sst s6  }
0xf: {  	[smem:$0x3FAF] =	sst s7  }
0x10: {  	[smem:$0x3FB0] =	sst s8  }
0x11: {  	[smem:$0x3FB1] =	sst s9;
	s0 =	simm.s32 @!p0 $0x0  }
0x12: {  	s1 =	sld [smem:$0x3F97];
	s0 =	simm.s32 @p0 $0x1  }
0x13: {  	[smem:$0x3FB2] =	sst s0;
	s0 =	simm.s32 @!p1 $0x0  }
0x14: {  	s2 =	sld [smem:$0x3F96];
	s0 =	simm.s32 @p1 $0x1  }
0x15: {  	[smem:$0x3FB3] =	sst s0;
	s0 =	simm.s32 @!p2 $0x0  }
0x16: {  	s3 =	sld [smem:$0x3FDB];
	s0 =	simm.s32 @p2 $0x1  }
0x17: {  	s4 =	simm.s32 $0x1BF5;
	[smem:$0x3FB5] =	sst s0  }
0x18: {  	s0 =	sld [smem:$0x3F98];
	_ =	swait.ge [sflag:s4], $0x0  }
0x19: {  	s7 =	sld [smem:$0x3F99]  }
0x1a: {  	s8 =	sadd.s32 $0xFFFFE003, lr  }
0x1b: {  	s9 =	sadd.s32 $0xFFFFFEF7, lr;
	s5 =	simm.s32 $0xFFFFFFFF;
	p2 =	slt.u32 s8, $0xFFFFF086  }
0x1c: {  	p1 =	slt.u32 s9, $0xF7A;
	s5 =	simm.s32 @!p2 $0x0  }
0x1d: {  	s5 =	simm.s32 @p1 $0x1;
	p0 =	seq.s32 s7, s2  }
0x1e: {  	s7 =	smul.u32 @!p0 $0xF7A, s2;
	p2 =	seq.s32 @!p0 s5, $0x0  }
0x1f: {  	s9 =	smul.u32 $0xF7A, s1;
	s8 =	simm.s32 @!p0 $0x1BF5;
	p2 =	por !p2, p0  }
0x20: {  	[sflag:s8] =	ssyncset.s32 @!p0 $0xFFFFF086;
	s6 =	sadd.s32 @!p0 s3, s7;
	s7 =	simm.s32 @!p0 $0x108  }
0x21: {  	s3 =	sadd.s32 s3, s9;
	s6 =	sadd.s32 @!p0 $0x88, s6;
	s7 =	simm.s32 @p2 $0x1082  }
0x22: {  	[simem:s7], [sflag:s8] =	dma.local @!p0 [hbm:s6], $0xF7A  }
0x23: {  	s9 =	sor.u32 $0xD0000000, s2;
	s6 =	simm.s32 $0x108;
	_ =	swait.ge @!p0 [sflag:s8], $0x0  }
0x24: {  	s3 =	sadd.s32 $0x88, s3;
	s6 =	simm.s32 @!p1 $0x1082;
	[sflag:s4] =	ssyncset.s32 $0xFFFFF086  }
0x25: {  	[simem:s6], [sflag:s4] =	dma.local [hbm:s3], $0xF7A  }
0x26: {  	[smem:$0x3F99] =	sst s1;
	(tag) =	ssettag s2;
	_ =	strace s9  }
0x27: {  	s1 =	sld [smem:$0x3FA9]  }
0x28: {  	s2 =	sld [smem:$0x3FAA]  }
0x29: {  	s4 =	sld [smem:$0x3FAC]  }
0x2a: {  	p0 =	seq.s32 s5, $0x0;
	s5 =	sld [smem:$0x3FAD]  }
0x2b: {  	s6 =	sld [smem:$0x3FAE]  }
0x2c: {  	s7 =	sld [smem:$0x3FAF]  }
0x2d: {  	s3 =	simm.s32 $0x108;
	s8 =	sld [smem:$0x3FB0]  }
0x2e: {  	s3 =	simm.s32 @!p0 $0x1082;
	s9 =	sld [smem:$0x3FB1]  }
0x2f: {  	lr =	sadd.s32 s0, s3;
	s0 =	sld [smem:$0x3FA8]  }
0x30: {  	s3 =	sld [smem:$0x3FAB]  }
0x31: {  	[smem:$0x3FB4] =	sst s10  }
0x32: {  	s10 =	sld [smem:$0x3FB2];
	_ =	sdelay $0x3  }
0x33: {  	p0 =	seq.s32 s10, $0x1;
	s10 =	sld [smem:$0x3FB4];
	_ =	sdelay $0x3  }
0x34: {  	[smem:$0x3FB4] =	sst s10  }
0x35: {  	s10 =	sld [smem:$0x3FB3];
	_ =	sdelay $0x3  }
0x36: {  	p1 =	seq.s32 s10, $0x1;
	s10 =	sld [smem:$0x3FB4];
	_ =	sdelay $0x3  }
0x37: {  	[smem:$0x3FB4] =	sst s10  }
0x38: {  	s10 =	sld [smem:$0x3FB5]  }
0x39: {  	_ = 	snop;
	(pc) =	sbr.ind lr, $3  }
0x3a: {  	_ = 	snop  }
0x3b: {  	_ = 	snop  }
0x3c: {  	p2 =	seq.s32 s10, $0x1;
	s10 =	sld [smem:$0x3FB4]  }
0x3d: {  	_ =	shalt  }
0x3e: {  	_ =	shalt  }
0x3f: {  	_ =	shalt  }
0x40: {  	_ =	shalt  }
0x41: {  	_ =	shalt  }
0x42: {  	_ =	shalt  }
0x43: {  	_ =	shalt  }
0x44: {  	_ =	shalt  }
0x45: {  	_ =	shalt  }
0x46: {  	_ =	shalt  }
0x47: {  	_ =	shalt  }
0x48: {  	_ =	shalt  }
0x49: {  	_ =	shalt  }
0x4a: {  	_ =	shalt  }
0x4b: {  	_ =	shalt  }
0x4c: {  	_ =	shalt  }
0x4d: {  	_ =	shalt  }
0x4e: {  	_ =	shalt  }
0x4f: {  	_ =	shalt  }
0x50: {  	_ =	shalt  }
0x51: {  	_ =	shalt  }
0x52: {  	_ =	shalt  }
0x53: {  	_ =	shalt  }
0x54: {  	_ =	shalt  }
0x55: {  	_ =	shalt  }
0x56: {  	_ =	shalt  }
0x57: {  	_ =	shalt  }
0x58: {  	_ =	shalt  }
0x59: {  	_ =	shalt  }
0x5a: {  	_ =	shalt  }
0x5b: {  	_ =	shalt  }
0x5c: {  	_ =	shalt  }
0x5d: {  	_ =	shalt  }
0x5e: {  	_ =	shalt  }
0x5f: {  	_ =	shalt  }
0x60: {  	_ =	shalt  }
0x61: {  	_ =	shalt  }
0x62: {  	_ =	shalt  }
0x63: {  	_ =	shalt  }
0x64: {  	_ =	shalt  }
0x65: {  	_ =	shalt  }
0x66: {  	_ =	shalt  }
0x67: {  	_ =	shalt  }
0x68: {  	_ =	shalt  }
0x69: {  	_ =	shalt  }
0x6a: {  	_ =	shalt  }
0x6b: {  	_ =	shalt  }
0x6c: {  	_ =	shalt  }
0x6d: {  	_ =	shalt  }
0x6e: {  	_ =	shalt  }
0x6f: {  	_ =	shalt  }
0x70: {  	_ =	shalt  }
0x71: {  	_ =	shalt  }
0x72: {  	_ =	shalt  }
0x73: {  	_ =	shalt  }
0x74: {  	_ =	shalt  }
0x75: {  	_ =	shalt  }
0x76: {  	_ =	shalt  }
0x77: {  	_ =	shalt  }
0x78: {  	_ =	shalt  }
0x79: {  	_ =	shalt  }
0x7a: {  	_ =	shalt  }
0x7b: {  	_ =	shalt  }
0x7c: {  	_ =	shalt  }
0x7d: {  	_ =	shalt  }
0x7e: {  	_ =	shalt  }
0x7f: {  	_ =	shalt  }
0x80: {  	_ =	shalt  }
0x81: {  	_ =	shalt  }
0x82: {  	_ =	shalt  }
0x83: {  	_ =	shalt  }
0x84: {  	_ =	shalt  }
0x85: {  	_ =	shalt  }
0x86: {  	_ =	shalt  }
0x87: {  	_ =	shalt  }
.Lfunc_end0:
.L_simem_size_0:
called_computation.2_lowered:
.L_overlay_start_0:
0x88: {  	s2 =	sld [smem:$0x3FD9]  }
0x89: {  	s3 =	sld [smem:$0x3FFE];
	_ =	sdelay $0x1  }
0x8a: {  	s1 =	srdreg.scid  }
0x8b: {  	s0 =	sand.u32 $0x1, s1  }
0x8c: {  	s17 =	sshll.u32 s0, $0xA;
	s2 =	sadd.s32 s3, s2  }
0x8d: {  	s2 =	sadd.s32 s2, s17  }
0x8e: {  	[smem:$0x3FC0] =	sst s2  }
0x8f: {  	_ = 	snop  }
0x90: {  	s2 =	sld [smem:$0x3FD0];
	(tm) =	ssettm $0x1  }
0x91: {  	s18 =	sld [smem:$0x3FFB];
	_ =	sdelay $0x3  }
0x92: {  	_ =	strace s18  }
0x93: {  	s3 =	sld [smem:$0x3FFC];
	_ =	sdelay $0x3  }
0x94: {  	_ =	strace s3  }
0x95: {  	s3 =	sld [smem:$0x3FFD];
	_ =	sdelay $0x3  }
0x96: {  	_ =	strace s3  }
0x97: {  	_ =	strace $0x8FFFFFFF  }
0x98: {  	s19 =	sld [smem:$0x3FDB];
	_ =	sdelay $0x1  }
0x99: {  	s4 =	simm.s32 $_scs_section_size  }
0x9a: {  	s5 =	simm.s32 $_size__tile_overlayer_lowered;
	s6 =	simm.s32 $_tile_overlayer_lowered  }
0x9b: {  	s22 =	simm.s32 $0x1BFF;
	s21 =	sshll.u32 s6, $0x1;
	s3 =	sadd.s32 s4, s19  }
0x9c: {  	s7 =	simm.s32 $0x0;
	s20 =	sshll.u32 s5, $0x1;
	s5 =	sadd.s32 s21, s3  }
0x9d: {  	[timem:s7], [sflag:s22] =	dma.local [hbm:s5], s20  }
0x9e: {  	_ =	swait.ge [sflag:s22], s20  }
0x9f: {  	s4 =	ssub.s32 $0x0, s20;
	[sflag:s22] =	ssyncset.done $0x0  }
0xa0: {  	[sflag:s22] =	ssyncadd.s32 s4;
	_ =	sdelay $0x1  }
0xa1: {  	s23 =	simm.s32 $0x1B8B  }
0xa2: {  	_ =	swait.ge [sflag:s23], $0x1  }
0xa3: {  	[sflag:s23] =	ssyncset.done $0x0  }
0xa4: {  	s25 =	simm.s32 $0x1B8E;
	s24 =	sld [smem:$0x3FFE];
	[sflag:s23] =	ssyncadd.s32 $0xFFFFFFFF  }
0xa5: {  	s26 =	simm.s32 $execute0_lowered;
	[smem:$0x3FD2] =	sst s25  }
0xa6: {  	s5 =	sshll.u32 s26, $0x1;
	_ =	strace $0x8000004C;
	[dreg:$0x1] =	wrdreg $0xFFFFFFFF  }
0xa7: {  	s28 =	simm.s32 $_size_execute0_lowered;
	s3 =	sadd.s32 s3, s5;
	[dreg:$0x0] =	wrdreg $0x0  }
0xa8: {  	s5 =	sshll.u32 s28, $0x1;
	[dreg:$0x2] =	wrdreg s3  }
0xa9: {  	[dreg:$0x3] =	wrdreg s5  }
0xaa: {  	[dreg:$0x4] =	wrdreg $0xC0  }
0xab: {  	_ =	task [dreg:s7], $0x5FFFF  }
0xac: {  	[dreg:$0x1] =	wrdreg $0xFFFFFFFF  }
0xad: {  	[dreg:$0x0] =	wrdreg $0x60  }
0xae: {  	[dreg:$0x2] =	wrdreg s24  }
0xaf: {  	[dreg:$0x3] =	wrdreg s2  }
0xb0: {  	[dreg:$0x4] =	wrdreg $0x0  }
0xb1: {  	[dreg:$0x5] =	wrdreg $0x9  }
0xb2: {  	_ =	task.clear_ibuf [dreg:s7], $0x6FFFF;
	_ =	strace $0x9000004C  }
0xb3: {  	s29 =	simm.s32 $0x9;
	_ =	strace $0x8000004E  }
0xb4: {  	_ =	swait.ge [sflag:s29], $0x1  }
0xb5: {  	[sflag:s29] =	ssyncadd.s32 $0xFFFFFFFF  }
0xb6: {  	_ =	strace $0x9000004E  }
0xb7: {  	_ =	sfence  }
0xb8: {  	s30 =	sld [smem:$0x0];
	_ =	sdelay $0x2  }
0xb9: {  	s31 =	sshll.u32 s1, $0xD;
	s1 =	sshrl.u32 s1, $0x2  }
0xba: {  	s3 =	sand.u32 $0x4000, s31;
	s1 =	sadd.s32 s1, s30  }
0xbb: {  	s0 =	sor.u32 s3, s0;
	s1 =	sshll.u32 s1, $0x11  }
0xbc: {  	s0 =	sor.u32 s1, s0  }
0xbd: {  	s0 =	sadd.s32 $0x8F2B, s0  }
0xbe: {  	[sflag:s0] =	ssyncadd.remote.s32 $0x1  }
0xbf: {  	_ =	sfence.sel $0xFFFF  }
0xc0: {  	[dreg:$0x0] =	wrdreg $0xFFFFFFFF;
	(pc) =	sbr.abs _section_cstart, $3  }
0xc1: {  	[dreg:$0x1] =	wrdreg $0xFFFFFFFF  }
0xc2: {  	_ =	task.clear_ibuf [dreg:s7], $0x2FFFF;
	_ =	strace $0x9FFFFFFF  }
0xc3: {  	(tm) =	ssettm $0x7FFFFFFF  }
tec
execute0_lowered:
.L_overlay_start_1:
0x0: {  	(tag) =	ssettag $0x1  }
0x1: {  	s0 =	rddreg [dreg:$0x0]  }
0x2: {  	s7 =	rddreg [dreg:$0x1];
	s2 =	srdreg.scid  }
0x3: {  	s1 =	rddreg [dreg:$0x2];
	s9 =	stileid.u32  }
0x4: {  	s11 =	simm.s32 $0xC440;
	s13 =	simm.s32 $0x7D;
	s14 =	simm.s32 $0xEC40  }
0x5: {  	s16 =	simm.s32 $0x10B80;
	s18 =	simm.s32 $0x12AC0;
	s20 =	simm.s32 $0x14A00  }
0x6: {  	s21 =	simm.s32 $0x1;
	s22 =	simm.s32 $0x2;
	s24 =	simm.s32 $0x3  }
0x7: {  	s28 =	simm.s32 $0xC5C0;
	s29 =	simm.s32 $0x5;
	s30 =	simm.s32 $0x6  }
0x8: {  	s31 =	simm.s32 $0x7;
	s15 =	simm.s32 $0x0;
	s8 =	sand.u32 $0x1, s2  }
0x9: {  	s2 =	simm.s32 $0x0;
	s4 =	smul.u32 $0x50, s9;
	p0 =	sne.s32 s9, $0x0  }
0xa: {  	s9 =	simm.s32 $0x9C40;
	s3 =	smul.u32 $0x500, s8;
	[smem:$0x7FF] =	sst s2  }
0xb: {  	s5 =	ssub.s32 $0x2, s8;
	s26 =	sshll.u32 s8, $0x3;
	s12 =	sshrl.u32 @!p0 s1, $0x3  }
0xc: {  	_ =	strace $0x8000004D;
	s10 =	sshrl.u32 s5, $0x1;
	s7 =	sadd.s32 s7, s26  }
0xd: {  	s26 =	simm.s32 $0x4;
	s4 =	sadd.s32 s4, s3;
	s3 =	sadd.s32 $0x1C200, s0  }
0xe: {  	s10 =	ssub.s32 s5, s10;
	s6 =	sshll.u32 s4, $0x4;
	s4 =	sadd.s32 $0x2FC00, s0  }
0xf: {  	s8 =	smax.u32 s10, $0x1;
	s10 =	simm.s32 $0x9;
	s0 =	sadd.s32 s6, s0  }
0x10: {  	s5 =	sadd.s32 $0x12200, s0;
	s6 =	sadd.s32 $0x3000, s0;
	s0 =	simm.s32 $0x8  }
.LBB2_1:
0x11: {  	[tilespmem:s9], [sflag:$0x9] =	stream.linear.gather [hbm4b:s5+s2], $0x2800, $0x38;
	[tilespmem:$0x16940] =	vst v63  }
0x12: {  	_ =	swait.ge [sflag:s10], $0x2800  }
0x13: {  	[sflag:s10] =	ssyncset.done $0x0  }
0x14: {  	[sflag:s10] =	ssyncadd.s32 $0xFFFFD800  }
0x15: {  	[tilespmem:s11], [sflag:$0x9] =	stream.linear.gather [hbm4b:s6+s2], $0x2800, $0x38;
	[tilespmem:$0x16940] =	vst v63  }
0x16: {  	_ =	swait.ge [sflag:s10], $0x2800  }
0x17: {  	[sflag:s10] =	ssyncset.done $0x0  }
0x18: {  	s17 =	simm.s32 @!p0 $0x1C09;
	[sflag:s10] =	ssyncadd.s32 $0xFFFFD800  }
0x19: {  	[spmem:s12], [sflag:s17] =	dma.local @!p0 [hbm:s4], $0x13880  }
0x1a: {  	s17 =	simm.s32 @!p0 $0x9  }
0x1b: {  	_ =	swait.ge @!p0 [sflag:s17], $0x13880  }
0x1c: {  	[sflag:s17] =	ssyncset.done @!p0 $0x0  }
0x1d: {  	[sflag:s17] =	ssyncadd.s32 @!p0 $0xFFFEC780  }
0x1e: {  	[bflag:$0x0] =	sbarrier.arrive $0xFFFF  }
0x1f: {  	[tilespmem:s14], [sflag:$0x1] =	stream.indirect.gather [hbm4b:s3+s13], $0x40, s9, s13, $0xb8;
	[tilespmem:$0x16940] =	vst v63  }
0x20: {  	s19 =	simm.s32 $0x9CC0  }
0x21: {  	[tilespmem:s16], [sflag:$0x2] =	stream.indirect.gather [hbm4b:s3+s13], $0x40, s19, s13, $0xb8;
	[tilespmem:$0x16940] =	vst v63  }
0x22: {  	s23 =	simm.s32 $0x9D40  }
0x23: {  	[tilespmem:s18], [sflag:$0x3] =	stream.indirect.gather [hbm4b:s3+s13], $0x40, s23, s13, $0xb8;
	[tilespmem:$0x16940] =	vst v63  }
0x24: {  	s25 =	simm.s32 $0x9DC0  }
0x25: {  	[tilespmem:s20], [sflag:$0x4] =	stream.indirect.gather [hbm4b:s3+s13], $0x40, s25, s13, $0xb8;
	[tilespmem:$0x16940] =	vst v63  }
0x26: {  	_ =	swait.ge [sflag:s21], $0x1F40  }
0x27: {  	[sflag:s21] =	ssyncset.done $0x0  }
0x28: {  	[sflag:s21] =	ssyncadd.s32 $0xFFFFE0C0  }
0x29: {  	[spmem:s1] =	stream.indirect.scatter.add.f32 [tilespmem:s14], [sflag:$0x5], $0x40, s11, s13, $0xb8;
	[tilespmem:$0x16940] =	vst v63  }
0x2a: {  	_ =	swait.ge [sflag:s22], $0x1F40  }
0x2b: {  	[sflag:s22] =	ssyncset.done $0x0  }
0x2c: {  	s19 =	simm.s32 $0xC4C0;
	[sflag:s22] =	ssyncadd.s32 $0xFFFFE0C0  }
0x2d: {  	[spmem:s1] =	stream.indirect.scatter.add.f32 [tilespmem:s16], [sflag:$0x6], $0x40, s19, s13, $0xb8;
	[tilespmem:$0x16940] =	vst v63  }
0x2e: {  	_ =	swait.ge [sflag:s24], $0x1F40  }
0x2f: {  	[sflag:s24] =	ssyncset.done $0x0  }
0x30: {  	s23 =	simm.s32 $0xC540;
	[sflag:s24] =	ssyncadd.s32 $0xFFFFE0C0  }
0x31: {  	[spmem:s1] =	stream.indirect.scatter.add.f32 [tilespmem:s18], [sflag:$0x7], $0x40, s23, s13, $0xb8;
	[tilespmem:$0x16940] =	vst v63  }
0x32: {  	_ =	swait.ge [sflag:s26], $0x1F40  }
0x33: {  	[sflag:s26] =	ssyncset.done $0x0  }
0x34: {  	[sflag:s26] =	ssyncadd.s32 $0xFFFFE0C0  }
0x35: {  	[spmem:s1] =	stream.indirect.scatter.add.f32 [tilespmem:s20], [sflag:$0x8], $0x40, s28, s13, $0xb8;
	[tilespmem:$0x16940] =	vst v63  }
0x36: {  	_ =	swait.ge [sflag:s29], $0x1F40  }
0x37: {  	[sflag:s29] =	ssyncset.done $0x0  }
0x38: {  	s25 =	simm.s32 $0x9E40;
	[sflag:s29] =	ssyncadd.s32 $0xFFFFE0C0  }
0x39: {  	[tilespmem:s14], [sflag:$0x1] =	stream.indirect.gather [hbm4b:s3+s13], $0x40, s25, s13, $0xb8;
	[tilespmem:$0x16940] =	vst v63  }
0x3a: {  	_ =	swait.ge [sflag:s30], $0x1F40  }
0x3b: {  	[sflag:s30] =	ssyncset.done $0x0  }
0x3c: {  	s19 =	simm.s32 $0x9EC0;
	[sflag:s30] =	ssyncadd.s32 $0xFFFFE0C0  }
0x3d: {  	[tilespmem:s16], [sflag:$0x2] =	stream.indirect.gather [hbm4b:s3+s13], $0x40, s19, s13, $0xb8;
	[tilespmem:$0x16940] =	vst v63  }
0x3e: {  	_ =	swait.ge [sflag:s31], $0x1F40  }
0x3f: {  	[sflag:s31] =	ssyncset.done $0x0  }
0x40: {  	s23 =	simm.s32 $0x9F40;
	[sflag:s31] =	ssyncadd.s32 $0xFFFFE0C0  }
0x41: {  	[tilespmem:s18], [sflag:$0x3] =	stream.indirect.gather [hbm4b:s3+s13], $0x40, s23, s13, $0xb8;
	[tilespmem:$0x16940] =	vst v63  }
0x42: {  	_ =	swait.ge [sflag:s0], $0x1F40  }
0x43: {  	[sflag:s0] =	ssyncset.done $0x0  }
0x44: {  	s25 =	simm.s32 $0x9FC0;
	[sflag:s0] =	ssyncadd.s32 $0xFFFFE0C0  }
0x45: {  	[tilespmem:s20], [sflag:$0x4] =	stream.indirect.gather [hbm4b:s3+s13], $0x40, s25, s13, $0xb8;
	[tilespmem:$0x16940] =	vst v63  }
0x46: {  	_ =	swait.ge [sflag:s21], $0x1F40  }
0x47: {  	[sflag:s21] =	ssyncset.done $0x0  }
0x48: {  	s19 =	simm.s32 $0xC640;
	[sflag:s21] =	ssyncadd.s32 $0xFFFFE0C0  }
0x49: {  	[spmem:s1] =	stream.indirect.scatter.add.f32 [tilespmem:s14], [sflag:$0x5], $0x40, s19, s13, $0xb8;
	[tilespmem:$0x16940] =	vst v63  }
0x4a: {  	_ =	swait.ge [sflag:s22], $0x1F40  }
0x4b: {  	[sflag:s22] =	ssyncset.done $0x0  }
0x4c: {  	s23 =	simm.s32 $0xC6C0;
	[sflag:s22] =	ssyncadd.s32 $0xFFFFE0C0  }
0x4d: {  	[spmem:s1] =	stream.indirect.scatter.add.f32 [tilespmem:s16], [sflag:$0x6], $0x40, s23, s13, $0xb8;
	[tilespmem:$0x16940] =	vst v63  }
0x4e: {  	_ =	swait.ge [sflag:s24], $0x1F40  }
0x4f: {  	[sflag:s24] =	ssyncset.done $0x0  }
0x50: {  	s25 =	simm.s32 $0xC740;
	[sflag:s24] =	ssyncadd.s32 $0xFFFFE0C0  }
0x51: {  	[spmem:s1] =	stream.indirect.scatter.add.f32 [tilespmem:s18], [sflag:$0x7], $0x40, s25, s13, $0xb8;
	[tilespmem:$0x16940] =	vst v63  }
0x52: {  	_ =	swait.ge [sflag:s26], $0x1F40  }
0x53: {  	[sflag:s26] =	ssyncset.done $0x0  }
0x54: {  	s17 =	simm.s32 $0x800;
	s19 =	simm.s32 $0xC7C0;
	[sflag:s26] =	ssyncadd.s32 $0xFFFFE0C0  }
.LBB2_2:
0x55: {  	[spmem:s1] =	stream.indirect.scatter.add.f32 [tilespmem:s20], [sflag:$0x8], $0x40, s19, s13, $0xb8;
	[tilespmem:$0x16940] =	vst v63  }
0x56: {  	s19 =	smov.u32 s17  }
0x57: {  	p1 =	sne.s32 s17, $0x9000;
	s17 =	sadd.s32 $0x800, s17;
	_ =	swait.ge [sflag:s29], $0x1F40  }
0x58: {  	s19 =	sshra.s32 s19, $0x2;
	[sflag:s29] =	ssyncset.done $0x0  }
0x59: {  	s23 =	sadd.s32 $0x9E40, s19;
	[sflag:s29] =	ssyncadd.s32 $0xFFFFE0C0  }
0x5a: {  	[tilespmem:s14], [sflag:$0x1] =	stream.indirect.gather [hbm4b:s3+s13], $0x40, s23, s13, $0xb8;
	[tilespmem:$0x16940] =	vst v63  }
0x5b: {  	_ =	swait.ge [sflag:s30], $0x1F40  }
0x5c: {  	[sflag:s30] =	ssyncset.done $0x0  }
0x5d: {  	s23 =	sadd.s32 $0x9EC0, s19;
	[sflag:s30] =	ssyncadd.s32 $0xFFFFE0C0  }
0x5e: {  	[tilespmem:s16], [sflag:$0x2] =	stream.indirect.gather [hbm4b:s3+s13], $0x40, s23, s13, $0xb8;
	[tilespmem:$0x16940] =	vst v63  }
0x5f: {  	_ =	swait.ge [sflag:s31], $0x1F40  }
0x60: {  	[sflag:s31] =	ssyncset.done $0x0  }
0x61: {  	s23 =	sadd.s32 $0x9F40, s19;
	[sflag:s31] =	ssyncadd.s32 $0xFFFFE0C0  }
0x62: {  	[tilespmem:s18], [sflag:$0x3] =	stream.indirect.gather [hbm4b:s3+s13], $0x40, s23, s13, $0xb8;
	[tilespmem:$0x16940] =	vst v63  }
0x63: {  	_ =	swait.ge [sflag:s0], $0x1F40  }
0x64: {  	[sflag:s0] =	ssyncset.done $0x0  }
0x65: {  	s23 =	sadd.s32 $0x9FC0, s19;
	[sflag:s0] =	ssyncadd.s32 $0xFFFFE0C0  }
0x66: {  	[tilespmem:s20], [sflag:$0x4] =	stream.indirect.gather [hbm4b:s3+s13], $0x40, s23, s13, $0xb8;
	[tilespmem:$0x16940] =	vst v63  }
0x67: {  	_ =	swait.ge [sflag:s21], $0x1F40  }
0x68: {  	[sflag:s21] =	ssyncset.done $0x0  }
0x69: {  	s23 =	sadd.s32 $0xC640, s19;
	[sflag:s21] =	ssyncadd.s32 $0xFFFFE0C0  }
0x6a: {  	[spmem:s1] =	stream.indirect.scatter.add.f32 [tilespmem:s14], [sflag:$0x5], $0x40, s23, s13, $0xb8;
	[tilespmem:$0x16940] =	vst v63  }
0x6b: {  	_ =	swait.ge [sflag:s22], $0x1F40  }
0x6c: {  	[sflag:s22] =	ssyncset.done $0x0  }
0x6d: {  	s23 =	sadd.s32 $0xC6C0, s19;
	[sflag:s22] =	ssyncadd.s32 $0xFFFFE0C0  }
0x6e: {  	[spmem:s1] =	stream.indirect.scatter.add.f32 [tilespmem:s16], [sflag:$0x6], $0x40, s23, s13, $0xb8;
	[tilespmem:$0x16940] =	vst v63  }
0x6f: {  	_ =	swait.ge [sflag:s24], $0x1F40  }
0x70: {  	[sflag:s24] =	ssyncset.done $0x0  }
.Ltmp0:
0x71: {  	s23 =	sadd.s32 $0xC740, s19;
	[sflag:s24] =	ssyncadd.s32 $0xFFFFE0C0;
	(pc) =	sbr.rel @p1 .LBB2_2-.Ltmp0, $4  }
0x72: {  	[spmem:s1] =	stream.indirect.scatter.add.f32 [tilespmem:s18], [sflag:$0x7], $0x40, s23, s13, $0xb8;
	[tilespmem:$0x16940] =	vst v63  }
0x73: {  	_ =	swait.ge [sflag:s26], $0x1F40  }
0x74: {  	[sflag:s26] =	ssyncset.done $0x0  }
0x75: {  	s19 =	sadd.s32 $0xC7C0, s19;
	[sflag:s26] =	ssyncadd.s32 $0xFFFFE0C0  }
0x76: {  	[spmem:s1] =	stream.indirect.scatter.add.f32 [tilespmem:s20], [sflag:$0x8], $0x40, s19, s13, $0xb8;
	[tilespmem:$0x16940] =	vst v63  }
0x77: {  	_ =	swait.ge [sflag:s29], $0x1F40  }
0x78: {  	[sflag:s29] =	ssyncset.done $0x0  }
0x79: {  	[sflag:s29] =	ssyncadd.s32 $0xFFFFE0C0  }
0x7a: {  	_ =	swait.ge [sflag:s30], $0x1F40  }
0x7b: {  	[sflag:s30] =	ssyncset.done $0x0  }
0x7c: {  	[sflag:s30] =	ssyncadd.s32 $0xFFFFE0C0  }
0x7d: {  	_ =	swait.ge [sflag:s31], $0x1F40  }
0x7e: {  	[sflag:s31] =	ssyncset.done $0x0  }
0x7f: {  	[sflag:s31] =	ssyncadd.s32 $0xFFFFE0C0  }
0x80: {  	_ =	swait.ge [sflag:s0], $0x1F40  }
0x81: {  	s17 =	simm.s32 @!p0 $0x1;
	s19 =	simm.s32 @!p0 $0x10;
	[sflag:s0] =	ssyncset.done $0x0  }
0x82: {  	s23 =	simm.s32 @!p0 $0x8;
	s15 =	sadd.s32 $0x1, s15;
	[sflag:s0] =	ssyncadd.s32 $0xFFFFE0C0  }
0x83: {  	s25 =	simm.s32 @!p0 $0x1C09;
	p1 =	sne.s32 s15, s8;
	[bflag:$0x0] =	sbarrier.arrive $0xFFFF  }
0x84: {  	[hbm:s7@s19], [sflag:s25] =	dma.strided @!p0 [spmem:s12@s23], $0x13880, s17, $0x8   }
.Ltmp1:
0x85: {  	_ = 	snop;
	(pc) =	sbr.rel @p1 .LBB2_1-.Ltmp1, $4  }
0x86: {  	s17 =	simm.s32 @!p0 $0x9  }
0x87: {  	_ =	swait.ge @!p0 [sflag:s17], $0x13880  }
0x88: {  	[sflag:s17] =	ssyncset.done @!p0 $0x0  }
0x89: {  	[sflag:s17] =	ssyncadd.s32 @!p0 $0xFFFEC780  }
0x8a: {  	_ =	sfence.sel $0x180000  }
0x8b: {  	[bflag:$0x0] =	sbarrier.arrive $0xFFFF  }
0x8c: {  	_ =	strace $0x9000004D  }
0x8d: {  	[bflag:$0x2] =	sbarrier.arrive $0xFFFF  }
0x8e: {  	s0 =	rddreg [dreg:$0x3]  }
0x8f: {  	s0 =	sadd.s32 @!p0 $0x100000, s0  }
0x90: {  	[sflag:s0] =	ssyncadd.tile.s32 @!p0 $0x1;
	_ =	shalt  }
.Lfunc_end2:
_tile_overlayer_lowered:
.L_overlay_start_2:
0x91: {  	(tag) =	ssettag $0x2  }
0x92: {  	s0 =	rddreg [dreg:$0x0];
	s2 =	stileid.u32  }
0x93: {  	s1 =	rddreg [dreg:$0x1];
	p0 =	sne.s32 s2, $0x0  }
0x94: {  	s3 =	rddreg [dreg:$0x2];
	[bflag:$0x3] =	sbarrier.arrive $0xFFFF;
	s2 =	simm.s32 @!p0 $0x1C09  }
0x95: {  	[timem:s3], [sflag:s2] =	dma.local @!p0 [hbm:s0], s1  }
0x96: {  	s0 =	simm.s32 @!p0 $0x9  }
0x97: {  	_ =	swait.ge @!p0 [sflag:s0], s1  }
0x98: {  	s1 =	ssub.s32 @!p0 $0x0, s1;
	[sflag:s0] =	ssyncset.done @!p0 $0x0  }
0x99: {  	[sflag:s0] =	ssyncadd.s32 @!p0 s1  }
0x9a: {  	[bflag:$0x3] =	sbarrier.arrive $0xFFFF  }
0x9b: {  	_ =	shalt  }

// kernel: kernel.20.cloned.1.call-start
scs
__scs_entry_jumppad:
0x0: {  	(pc) =	sbr.rel $0x88, $3  }
0x1: {  	(tag) =	ssettag $0x0;
	lr =	simm.s32 $0x1  }
0x2: {  	[smem:$0x3F99] =	sst lr;
	_ =	strace $0xD0000000  }
0x3: {  	_ = 	snop  }
0x4: {  	_ = 	snop  }
0x5: {  	_ = 	snop  }
0x6: {  	_ = 	snop  }
0x7: {  	_ = 	snop  }
__scs_overlays_trampoline_lowered:
0x8: {  	[smem:$0x3FA8] =	sst s0  }
0x9: {  	[smem:$0x3FA9] =	sst s1  }
0xa: {  	[smem:$0x3FAA] =	sst s2  }
0xb: {  	[smem:$0x3FAB] =	sst s3  }
0xc: {  	[smem:$0x3FAC] =	sst s4  }
0xd: {  	[smem:$0x3FAD] =	sst s5  }
0xe: {  	[smem:$0x3FAE] =	sst s6  }
0xf: {  	[smem:$0x3FAF] =	sst s7  }
0x10: {  	[smem:$0x3FB0] =	sst s8  }
0x11: {  	[smem:$0x3FB1] =	sst s9;
	s0 =	simm.s32 @!p0 $0x0  }
0x12: {  	s1 =	sld [smem:$0x3F97];
	s0 =	simm.s32 @p0 $0x1  }
0x13: {  	[smem:$0x3FB2] =	sst s0;
	s0 =	simm.s32 @!p1 $0x0  }
0x14: {  	s2 =	sld [smem:$0x3F96];
	s0 =	simm.s32 @p1 $0x1  }
0x15: {  	[smem:$0x3FB3] =	sst s0;
	s0 =	simm.s32 @!p2 $0x0  }
0x16: {  	s3 =	sld [smem:$0x3FDB];
	s0 =	simm.s32 @p2 $0x1  }
0x17: {  	s4 =	simm.s32 $0x1BF5;
	[smem:$0x3FB5] =	sst s0  }
0x18: {  	s0 =	sld [smem:$0x3F98];
	_ =	swait.ge [sflag:s4], $0x0  }
0x19: {  	s7 =	sld [smem:$0x3F99]  }
0x1a: {  	s8 =	sadd.s32 $0xFFFFE003, lr  }
0x1b: {  	s9 =	sadd.s32 $0xFFFFFEF7, lr;
	s5 =	simm.s32 $0xFFFFFFFF;
	p2 =	slt.u32 s8, $0xFFFFF086  }
0x1c: {  	p1 =	slt.u32 s9, $0xF7A;
	s5 =	simm.s32 @!p2 $0x0  }
0x1d: {  	s5 =	simm.s32 @p1 $0x1;
	p0 =	seq.s32 s7, s2  }
0x1e: {  	s7 =	smul.u32 @!p0 $0xF7A, s2;
	p2 =	seq.s32 @!p0 s5, $0x0  }
0x1f: {  	s9 =	smul.u32 $0xF7A, s1;
	s8 =	simm.s32 @!p0 $0x1BF5;
	p2 =	por !p2, p0  }
0x20: {  	[sflag:s8] =	ssyncset.s32 @!p0 $0xFFFFF086;
	s6 =	sadd.s32 @!p0 s3, s7;
	s7 =	simm.s32 @!p0 $0x108  }
0x21: {  	s3 =	sadd.s32 s3, s9;
	s6 =	sadd.s32 @!p0 $0x88, s6;
	s7 =	simm.s32 @p2 $0x1082  }
0x22: {  	[simem:s7], [sflag:s8] =	dma.local @!p0 [hbm:s6], $0xF7A  }
0x23: {  	s9 =	sor.u32 $0xD0000000, s2;
	s6 =	simm.s32 $0x108;
	_ =	swait.ge @!p0 [sflag:s8], $0x0  }
0x24: {  	s3 =	sadd.s32 $0x88, s3;
	s6 =	simm.s32 @!p1 $0x1082;
	[sflag:s4] =	ssyncset.s32 $0xFFFFF086  }
0x25: {  	[simem:s6], [sflag:s4] =	dma.local [hbm:s3], $0xF7A  }
0x26: {  	[smem:$0x3F99] =	sst s1;
	(tag) =	ssettag s2;
	_ =	strace s9  }
0x27: {  	s1 =	sld [smem:$0x3FA9]  }
0x28: {  	s2 =	sld [smem:$0x3FAA]  }
0x29: {  	s4 =	sld [smem:$0x3FAC]  }
0x2a: {  	p0 =	seq.s32 s5, $0x0;
	s5 =	sld [smem:$0x3FAD]  }
0x2b: {  	s6 =	sld [smem:$0x3FAE]  }
0x2c: {  	s7 =	sld [smem:$0x3FAF]  }
0x2d: {  	s3 =	simm.s32 $0x108;
	s8 =	sld [smem:$0x3FB0]  }
0x2e: {  	s3 =	simm.s32 @!p0 $0x1082;
	s9 =	sld [smem:$0x3FB1]  }
0x2f: {  	lr =	sadd.s32 s0, s3;
	s0 =	sld [smem:$0x3FA8]  }
0x30: {  	s3 =	sld [smem:$0x3FAB]  }
0x31: {  	[smem:$0x3FB4] =	sst s10  }
0x32: {  	s10 =	sld [smem:$0x3FB2];
	_ =	sdelay $0x3  }
0x33: {  	p0 =	seq.s32 s10, $0x1;
	s10 =	sld [smem:$0x3FB4];
	_ =	sdelay $0x3  }
0x34: {  	[smem:$0x3FB4] =	sst s10  }
0x35: {  	s10 =	sld [smem:$0x3FB3];
	_ =	sdelay $0x3  }
0x36: {  	p1 =	seq.s32 s10, $0x1;
	s10 =	sld [smem:$0x3FB4];
	_ =	sdelay $0x3  }
0x37: {  	[smem:$0x3FB4] =	sst s10  }
0x38: {  	s10 =	sld [smem:$0x3FB5]  }
0x39: {  	_ = 	snop;
	(pc) =	sbr.ind lr, $3  }
0x3a: {  	_ = 	snop  }
0x3b: {  	_ = 	snop  }
0x3c: {  	p2 =	seq.s32 s10, $0x1;
	s10 =	sld [smem:$0x3FB4]  }
0x3d: {  	_ =	shalt  }
0x3e: {  	_ =	shalt  }
0x3f: {  	_ =	shalt  }
0x40: {  	_ =	shalt  }
0x41: {  	_ =	shalt  }
0x42: {  	_ =	shalt  }
0x43: {  	_ =	shalt  }
0x44: {  	_ =	shalt  }
0x45: {  	_ =	shalt  }
0x46: {  	_ =	shalt  }
0x47: {  	_ =	shalt  }
0x48: {  	_ =	shalt  }
0x49: {  	_ =	shalt  }
0x4a: {  	_ =	shalt  }
0x4b: {  	_ =	shalt  }
0x4c: {  	_ =	shalt  }
0x4d: {  	_ =	shalt  }
0x4e: {  	_ =	shalt  }
0x4f: {  	_ =	shalt  }
0x50: {  	_ =	shalt  }
0x51: {  	_ =	shalt  }
0x52: {  	_ =	shalt  }
0x53: {  	_ =	shalt  }
0x54: {  	_ =	shalt  }
0x55: {  	_ =	shalt  }
0x56: {  	_ =	shalt  }
0x57: {  	_ =	shalt  }
0x58: {  	_ =	shalt  }
0x59: {  	_ =	shalt  }
0x5a: {  	_ =	shalt  }
0x5b: {  	_ =	shalt  }
0x5c: {  	_ =	shalt  }
0x5d: {  	_ =	shalt  }
0x5e: {  	_ =	shalt  }
0x5f: {  	_ =	shalt  }
0x60: {  	_ =	shalt  }
0x61: {  	_ =	shalt  }
0x62: {  	_ =	shalt  }
0x63: {  	_ =	shalt  }
0x64: {  	_ =	shalt  }
0x65: {  	_ =	shalt  }
0x66: {  	_ =	shalt  }
0x67: {  	_ =	shalt  }
0x68: {  	_ =	shalt  }
0x69: {  	_ =	shalt  }
0x6a: {  	_ =	shalt  }
0x6b: {  	_ =	shalt  }
0x6c: {  	_ =	shalt  }
0x6d: {  	_ =	shalt  }
0x6e: {  	_ =	shalt  }
0x6f: {  	_ =	shalt  }
0x70: {  	_ =	shalt  }
0x71: {  	_ =	shalt  }
0x72: {  	_ =	shalt  }
0x73: {  	_ =	shalt  }
0x74: {  	_ =	shalt  }
0x75: {  	_ =	shalt  }
0x76: {  	_ =	shalt  }
0x77: {  	_ =	shalt  }
0x78: {  	_ =	shalt  }
0x79: {  	_ =	shalt  }
0x7a: {  	_ =	shalt  }
0x7b: {  	_ =	shalt  }
0x7c: {  	_ =	shalt  }
0x7d: {  	_ =	shalt  }
0x7e: {  	_ =	shalt  }
0x7f: {  	_ =	shalt  }
0x80: {  	_ =	shalt  }
0x81: {  	_ =	shalt  }
0x82: {  	_ =	shalt  }
0x83: {  	_ =	shalt  }
0x84: {  	_ =	shalt  }
0x85: {  	_ =	shalt  }
0x86: {  	_ =	shalt  }
0x87: {  	_ =	shalt  }
.Lfunc_end0:
.L_simem_size_0:
called_computation.3_lowered:
.L_overlay_start_0:
0x88: {  	s2 =	sld [smem:$0x3FD9]  }
0x89: {  	s3 =	sld [smem:$0x3FFE];
	_ =	sdelay $0x1  }
0x8a: {  	s1 =	srdreg.scid  }
0x8b: {  	s0 =	sand.u32 $0x1, s1  }
0x8c: {  	s17 =	sshll.u32 s0, $0xA;
	s2 =	sadd.s32 s3, s2  }
0x8d: {  	s2 =	sadd.s32 s2, s17  }
0x8e: {  	[smem:$0x3FC0] =	sst s2  }
0x8f: {  	_ = 	snop  }
0x90: {  	s2 =	sld [smem:$0x3FD0];
	(tm) =	ssettm $0x1  }
0x91: {  	s18 =	sld [smem:$0x3FFB];
	_ =	sdelay $0x3  }
0x92: {  	_ =	strace s18  }
0x93: {  	s3 =	sld [smem:$0x3FFC];
	_ =	sdelay $0x3  }
0x94: {  	_ =	strace s3  }
0x95: {  	s3 =	sld [smem:$0x3FFD];
	_ =	sdelay $0x3  }
0x96: {  	_ =	strace s3  }
0x97: {  	_ =	strace $0x8FFFFFFF  }
0x98: {  	s19 =	sld [smem:$0x3FDB];
	_ =	sdelay $0x1  }
0x99: {  	s4 =	simm.s32 $_scs_section_size  }
0x9a: {  	s5 =	simm.s32 $_size__tile_overlayer_lowered;
	s6 =	simm.s32 $_tile_overlayer_lowered  }
0x9b: {  	s22 =	simm.s32 $0x1BFF;
	s21 =	sshll.u32 s6, $0x1;
	s3 =	sadd.s32 s4, s19  }
0x9c: {  	s7 =	simm.s32 $0x0;
	s20 =	sshll.u32 s5, $0x1;
	s5 =	sadd.s32 s21, s3  }
0x9d: {  	[timem:s7], [sflag:s22] =	dma.local [hbm:s5], s20  }
0x9e: {  	_ =	swait.ge [sflag:s22], s20  }
0x9f: {  	s4 =	ssub.s32 $0x0, s20;
	[sflag:s22] =	ssyncset.done $0x0  }
0xa0: {  	[sflag:s22] =	ssyncadd.s32 s4;
	_ =	sdelay $0x1  }
0xa1: {  	s23 =	simm.s32 $0x1B8B  }
0xa2: {  	_ =	swait.ge [sflag:s23], $0x1  }
0xa3: {  	[sflag:s23] =	ssyncset.done $0x0  }
0xa4: {  	s25 =	simm.s32 $0x1B8E;
	s24 =	sld [smem:$0x3FFE];
	[sflag:s23] =	ssyncadd.s32 $0xFFFFFFFF  }
0xa5: {  	s26 =	simm.s32 $execute0_lowered;
	[smem:$0x3FD2] =	sst s25  }
0xa6: {  	s5 =	sshll.u32 s26, $0x1;
	_ =	strace $0x8000004F;
	[dreg:$0x1] =	wrdreg $0xFFFFFFFF  }
0xa7: {  	s28 =	simm.s32 $_size_execute0_lowered;
	s3 =	sadd.s32 s3, s5;
	[dreg:$0x0] =	wrdreg $0x0  }
0xa8: {  	s5 =	sshll.u32 s28, $0x1;
	[dreg:$0x2] =	wrdreg s3  }
0xa9: {  	[dreg:$0x3] =	wrdreg s5  }
0xaa: {  	[dreg:$0x4] =	wrdreg $0xC0  }
0xab: {  	_ =	task [dreg:s7], $0x5FFFF  }
0xac: {  	[dreg:$0x1] =	wrdreg $0xFFFFFFFF  }
0xad: {  	[dreg:$0x0] =	wrdreg $0x60  }
0xae: {  	[dreg:$0x2] =	wrdreg s2  }
0xaf: {  	[dreg:$0x3] =	wrdreg s24  }
0xb0: {  	[dreg:$0x4] =	wrdreg $0x0  }
0xb1: {  	[dreg:$0x5] =	wrdreg $0x9  }
0xb2: {  	_ =	task.clear_ibuf [dreg:s7], $0x6FFFF;
	_ =	strace $0x9000004F  }
0xb3: {  	s29 =	simm.s32 $0x9;
	_ =	strace $0x80000051  }
0xb4: {  	_ =	swait.ge [sflag:s29], $0x1  }
0xb5: {  	[sflag:s29] =	ssyncadd.s32 $0xFFFFFFFF  }
0xb6: {  	_ =	strace $0x90000051  }
0xb7: {  	_ =	sfence  }
0xb8: {  	s30 =	sld [smem:$0x0];
	_ =	sdelay $0x2  }
0xb9: {  	s31 =	sshll.u32 s1, $0xD;
	s1 =	sshrl.u32 s1, $0x2  }
0xba: {  	s3 =	sand.u32 $0x4000, s31;
	s1 =	sadd.s32 s1, s30  }
0xbb: {  	s0 =	sor.u32 s3, s0;
	s1 =	sshll.u32 s1, $0x11  }
0xbc: {  	s0 =	sor.u32 s1, s0  }
0xbd: {  	s0 =	sadd.s32 $0x8F2B, s0  }
0xbe: {  	[sflag:s0] =	ssyncadd.remote.s32 $0x1  }
0xbf: {  	_ =	sfence.sel $0xFFFF  }
0xc0: {  	[dreg:$0x0] =	wrdreg $0xFFFFFFFF;
	(pc) =	sbr.abs _section_cstart, $3  }
0xc1: {  	[dreg:$0x1] =	wrdreg $0xFFFFFFFF  }
0xc2: {  	_ =	task.clear_ibuf [dreg:s7], $0x2FFFF;
	_ =	strace $0x9FFFFFFF  }
0xc3: {  	(tm) =	ssettm $0x7FFFFFFF  }
tec
execute0_lowered:
.L_overlay_start_1:
0x0: {  	(tag) =	ssettag $0x1  }
0x1: {  	s1 =	rddreg [dreg:$0x0]  }
0x2: {  	s5 =	rddreg [dreg:$0x1]  }
0x3: {  	s2 =	rddreg [dreg:$0x2]  }
0x4: {  	s0 =	rddreg [dreg:$0x3]  }
0x5: {  	s3 =	simm.s32 $0x0;
	s4 =	srdreg.scid;
	s11 =	stileid.u32  }
0x6: {  	s15 =	simm.s32 $0x7D;
	s16 =	simm.s32 $0x16080;
	s17 =	simm.s32 $0x19F00  }
0x7: {  	s18 =	simm.s32 $0x1;
	s19 =	simm.s32 $0x2;
	s20 =	simm.s32 $0x14C00  }
0x8: {  	s21 =	simm.s32 $0x15F80;
	s22 =	simm.s32 $0x16000;
	s23 =	simm.s32 $0x0  }
0x9: {  	[smem:$0x7FF] =	sst s3;
	s6 =	sand.u32 $0x1, s4;
	s4 =	sadd.s32 $0x1C200, s5  }
0xa: {  	s8 =	smul.u32 $0x50, s11;
	s9 =	sadd.s32 $0x12200, s5;
	s12 =	sadd.s32 $0x3000, s5  }
0xb: {  	p0 =	sne.s32 s11, $0x0;
	s11 =	simm.s32 $0x13880;
	s7 =	smul.u32 $0x500, s6  }
0xc: {  	_ =	strace $0x80000050;
	s10 =	smul.u32 $0x27100, s6;
	s6 =	ssub.s32 $0x2, s6  }
0xd: {  	s14 =	sshrl.u32 @!p0 s2, $0x3;
	s13 =	sshrl.u32 s6, $0x1;
	s7 =	sadd.s32 s8, s7  }
0xe: {  	s10 =	sadd.s32 s10, s5;
	s13 =	ssub.s32 s6, s13;
	s7 =	sshll.u32 s7, $0x4  }
0xf: {  	s5 =	sadd.s32 s9, s7;
	s6 =	sadd.s32 s12, s7;
	s31 =	sadd.s32 $0x280, s7  }
0x10: {  	s7 =	sadd.s32 s9, s31;
	s8 =	sadd.s32 s12, s31;
	s9 =	sadd.s32 $0x43400, s10  }
0x11: {  	s10 =	smax.u32 s13, $0x1;
	s12 =	simm.s32 $0x3;
	s13 =	simm.s32 $0x14C80  }
.LBB2_1:
0x12: {  	[tilespmem:s11], [sflag:$0x3] =	stream.linear.gather [hbm4b:s5+s3], $0x1400, $0x38;
	[tilespmem:$0x1DD80] =	vst v63  }
0x13: {  	_ =	swait.ge [sflag:s12], $0x1400  }
0x14: {  	[sflag:s12] =	ssyncset.done $0x0  }
0x15: {  	[sflag:s12] =	ssyncadd.s32 $0xFFFFEC00  }
0x16: {  	[tilespmem:s13], [sflag:$0x3] =	stream.linear.gather [hbm4b:s6+s3], $0x1400, $0x38;
	[tilespmem:$0x1DD80] =	vst v63  }
0x17: {  	_ =	swait.ge [sflag:s12], $0x1400  }
0x18: {  	[sflag:s12] =	ssyncset.done $0x0  }
0x19: {  	s24 =	simm.s32 @!p0 $0x1C03;
	[sflag:s12] =	ssyncadd.s32 $0xFFFFEC00  }
0x1a: {  	[spmem:s14], [sflag:s24] =	dma.local @!p0 [hbm:s4], $0x27100  }
0x1b: {  	s24 =	simm.s32 @!p0 $0x3  }
0x1c: {  	_ =	swait.ge @!p0 [sflag:s24], $0x27100  }
0x1d: {  	[sflag:s24] =	ssyncset.done @!p0 $0x0  }
0x1e: {  	[sflag:s24] =	ssyncadd.s32 @!p0 $0xFFFD8F00  }
0x1f: {  	[bflag:$0x0] =	sbarrier.arrive $0xFFFF  }
0x20: {  	[tilespmem:s16], [sflag:$0x1] =	stream.indirect.gather [hbm4b:s1+s15], $0x80, s11, s15, $0xb8;
	[tilespmem:$0x1DD80] =	vst v63  }
0x21: {  	s28 =	simm.s32 $0x13900  }
0x22: {  	[tilespmem:s17], [sflag:$0x2] =	stream.indirect.gather [hbm4b:s1+s15], $0x80, s28, s15, $0xb8;
	[tilespmem:$0x1DD80] =	vst v63  }
0x23: {  	_ =	swait.ge [sflag:s18], $0x3E80  }
0x24: {  	[sflag:s18] =	ssyncset.done $0x0  }
0x25: {  	s29 =	simm.s32 $0x14C80;
	[sflag:s18] =	ssyncadd.s32 $0xFFFFC180  }
0x26: {  	[spmem:s2] =	stream.indirect.scatter.add.f32 [tilespmem:s16], [sflag:$0x3], $0x80, s29, s15, $0xb8;
	[tilespmem:$0x1DD80] =	vst v63  }
0x27: {  	_ =	swait.ge [sflag:s12], $0x3E80  }
0x28: {  	[sflag:s12] =	ssyncset.done $0x0  }
0x29: {  	s30 =	simm.s32 $0x13980;
	[sflag:s12] =	ssyncadd.s32 $0xFFFFC180  }
0x2a: {  	[tilespmem:s16], [sflag:$0x1] =	stream.indirect.gather [hbm4b:s1+s15], $0x80, s30, s15, $0xb8;
	[tilespmem:$0x1DD80] =	vst v63  }
0x2b: {  	_ =	swait.ge [sflag:s19], $0x3E80  }
0x2c: {  	[sflag:s19] =	ssyncset.done $0x0  }
0x2d: {  	s31 =	simm.s32 $0x14D00;
	[sflag:s19] =	ssyncadd.s32 $0xFFFFC180  }
0x2e: {  	[spmem:s2] =	stream.indirect.scatter.add.f32 [tilespmem:s17], [sflag:$0x3], $0x80, s31, s15, $0xb8;
	[tilespmem:$0x1DD80] =	vst v63  }
0x2f: {  	_ =	swait.ge [sflag:s12], $0x3E80  }
0x30: {  	s25 =	simm.s32 $0x800;
	s24 =	simm.s32 $0x100;
	[sflag:s12] =	ssyncset.done $0x0  }
.LBB2_2:
0x31: {  	s26 =	sadd.s32 $0x13900, s24  }
0x32: {  	[sflag:s12] =	ssyncadd.s32 $0xFFFFC180;
	s28 =	smov.u32 s25;
	s29 =	sadd.s32 $0x400, s25  }
0x33: {  	[tilespmem:s17], [sflag:$0x2] =	stream.indirect.gather [hbm4b:s1+s15], $0x80, s26, s15, $0xb8;
	[tilespmem:$0x1DD80] =	vst v63  }
0x34: {  	p1 =	sne.s32 s25, $0x4800;
	_ =	swait.ge [sflag:s18], $0x3E80  }
0x35: {  	[sflag:s18] =	ssyncset.done $0x0  }
0x36: {  	s25 =	sadd.s32 $0x14C80, s24;
	[sflag:s18] =	ssyncadd.s32 $0xFFFFC180  }
0x37: {  	[spmem:s2] =	stream.indirect.scatter.add.f32 [tilespmem:s16], [sflag:$0x3], $0x80, s25, s15, $0xb8;
	[tilespmem:$0x1DD80] =	vst v63  }
0x38: {  	_ =	swait.ge [sflag:s12], $0x3E80  }
0x39: {  	[sflag:s12] =	ssyncset.done $0x0  }
0x3a: {  	s25 =	sadd.s32 $0x13980, s24;
	[sflag:s12] =	ssyncadd.s32 $0xFFFFC180  }
0x3b: {  	[tilespmem:s16], [sflag:$0x1] =	stream.indirect.gather [hbm4b:s1+s15], $0x80, s25, s15, $0xb8;
	[tilespmem:$0x1DD80] =	vst v63  }
0x3c: {  	_ =	swait.ge [sflag:s19], $0x3E80  }
.Ltmp0:
0x3d: {  	[sflag:s19] =	ssyncset.done $0x0;
	(pc) =	sbr.rel @p1 .LBB2_2-.Ltmp0, $4  }
0x3e: {  	s24 =	sadd.s32 $0x14D00, s24;
	[sflag:s19] =	ssyncadd.s32 $0xFFFFC180  }
0x3f: {  	[spmem:s2] =	stream.indirect.scatter.add.f32 [tilespmem:s17], [sflag:$0x3], $0x80, s24, s15, $0xb8;
	[tilespmem:$0x1DD80] =	vst v63  }
0x40: {  	_ =	swait.ge [sflag:s12], $0x3E80  }
0x41: {  	s25 =	smov.u32 s29;
	s24 =	sshra.s32 s28, $0x2;
	[sflag:s12] =	ssyncset.done $0x0  }
0x42: {  	s25 =	sadd.s32 $0x13900, s24;
	[sflag:s12] =	ssyncadd.s32 $0xFFFFC180  }
0x43: {  	[tilespmem:s17], [sflag:$0x2] =	stream.indirect.gather [hbm4b:s1+s15], $0x80, s25, s15, $0xb8;
	[tilespmem:$0x1DD80] =	vst v63  }
0x44: {  	_ =	swait.ge [sflag:s18], $0x3E80  }
0x45: {  	[sflag:s18] =	ssyncset.done $0x0  }
0x46: {  	s30 =	sadd.s32 $0x14C80, s24;
	[sflag:s18] =	ssyncadd.s32 $0xFFFFC180  }
0x47: {  	[spmem:s2] =	stream.indirect.scatter.add.f32 [tilespmem:s16], [sflag:$0x3], $0x80, s30, s15, $0xb8;
	[tilespmem:$0x1DD80] =	vst v63  }
0x48: {  	_ =	swait.ge [sflag:s12], $0x3E80  }
0x49: {  	[sflag:s12] =	ssyncset.done $0x0  }
0x4a: {  	s31 =	sadd.s32 $0x13980, s24;
	[sflag:s12] =	ssyncadd.s32 $0xFFFFC180  }
0x4b: {  	[tilespmem:s16], [sflag:$0x1] =	stream.indirect.gather [hbm4b:s1+s15], $0x80, s31, s15, $0xb8;
	[tilespmem:$0x1DD80] =	vst v63  }
0x4c: {  	_ =	swait.ge [sflag:s19], $0x3E80  }
0x4d: {  	[sflag:s19] =	ssyncset.done $0x0  }
0x4e: {  	s25 =	sadd.s32 $0x14D00, s24;
	[sflag:s19] =	ssyncadd.s32 $0xFFFFC180  }
0x4f: {  	[spmem:s2] =	stream.indirect.scatter.add.f32 [tilespmem:s17], [sflag:$0x3], $0x80, s25, s15, $0xb8;
	[tilespmem:$0x1DD80] =	vst v63  }
0x50: {  	_ =	swait.ge [sflag:s12], $0x3E80  }
0x51: {  	[sflag:s12] =	ssyncset.done $0x0  }
0x52: {  	[sflag:s12] =	ssyncadd.s32 $0xFFFFC180  }
0x53: {  	[tilespmem:s17], [sflag:$0x2] =	stream.indirect.gather [hbm4b:s1+s15], $0x80, s20, s15, $0xb8;
	[tilespmem:$0x1DD80] =	vst v63  }
0x54: {  	_ =	swait.ge [sflag:s18], $0x3E80  }
0x55: {  	[sflag:s18] =	ssyncset.done $0x0  }
0x56: {  	[sflag:s18] =	ssyncadd.s32 $0xFFFFC180  }
0x57: {  	[spmem:s2] =	stream.indirect.scatter.add.f32 [tilespmem:s16], [sflag:$0x3], $0x80, s21, s15, $0xb8;
	[tilespmem:$0x1DD80] =	vst v63  }
0x58: {  	_ =	swait.ge [sflag:s12], $0x3E80  }
0x59: {  	[sflag:s12] =	ssyncset.done $0x0  }
0x5a: {  	[sflag:s12] =	ssyncadd.s32 $0xFFFFC180  }
0x5b: {  	_ =	swait.ge [sflag:s19], $0x3E80  }
0x5c: {  	[sflag:s19] =	ssyncset.done $0x0  }
0x5d: {  	[sflag:s19] =	ssyncadd.s32 $0xFFFFC180  }
0x5e: {  	[spmem:s2] =	stream.indirect.scatter.add.f32 [tilespmem:s17], [sflag:$0x3], $0x80, s22, s15, $0xb8;
	[tilespmem:$0x1DD80] =	vst v63  }
0x5f: {  	_ =	swait.ge [sflag:s12], $0x3E80  }
0x60: {  	[sflag:s12] =	ssyncset.done $0x0  }
0x61: {  	s26 =	simm.s32 $0x0;
	[sflag:s12] =	ssyncadd.s32 $0xFFFFC180  }
0x62: {  	[tilespmem:s11], [sflag:$0x3] =	stream.linear.gather [hbm4b:s7+s26], $0x1400, $0x38;
	[tilespmem:$0x1DD80] =	vst v63  }
0x63: {  	_ =	swait.ge [sflag:s12], $0x1400  }
0x64: {  	[sflag:s12] =	ssyncset.done $0x0  }
0x65: {  	[sflag:s12] =	ssyncadd.s32 $0xFFFFEC00  }
0x66: {  	[tilespmem:s13], [sflag:$0x3] =	stream.linear.gather [hbm4b:s8+s26], $0x1400, $0x38;
	[tilespmem:$0x1DD80] =	vst v63  }
0x67: {  	_ =	swait.ge [sflag:s12], $0x1400  }
0x68: {  	[sflag:s12] =	ssyncset.done $0x0  }
0x69: {  	[sflag:s12] =	ssyncadd.s32 $0xFFFFEC00  }
0x6a: {  	[tilespmem:s16], [sflag:$0x1] =	stream.indirect.gather [hbm4b:s1+s15], $0x80, s11, s15, $0xb8;
	[tilespmem:$0x1DD80] =	vst v63  }
0x6b: {  	s28 =	simm.s32 $0x13900  }
0x6c: {  	[tilespmem:s17], [sflag:$0x2] =	stream.indirect.gather [hbm4b:s1+s15], $0x80, s28, s15, $0xb8;
	[tilespmem:$0x1DD80] =	vst v63  }
0x6d: {  	_ =	swait.ge [sflag:s18], $0x3E80  }
0x6e: {  	[sflag:s18] =	ssyncset.done $0x0  }
0x6f: {  	s29 =	simm.s32 $0x14C80;
	[sflag:s18] =	ssyncadd.s32 $0xFFFFC180  }
0x70: {  	[spmem:s2] =	stream.indirect.scatter.add.f32 [tilespmem:s16], [sflag:$0x3], $0x80, s29, s15, $0xb8;
	[tilespmem:$0x1DD80] =	vst v63  }
0x71: {  	_ =	swait.ge [sflag:s12], $0x3E80  }
0x72: {  	[sflag:s12] =	ssyncset.done $0x0  }
0x73: {  	s30 =	simm.s32 $0x13980;
	[sflag:s12] =	ssyncadd.s32 $0xFFFFC180  }
0x74: {  	[tilespmem:s16], [sflag:$0x1] =	stream.indirect.gather [hbm4b:s1+s15], $0x80, s30, s15, $0xb8;
	[tilespmem:$0x1DD80] =	vst v63  }
0x75: {  	_ =	swait.ge [sflag:s19], $0x3E80  }
0x76: {  	[sflag:s19] =	ssyncset.done $0x0  }
0x77: {  	s31 =	simm.s32 $0x14D00;
	[sflag:s19] =	ssyncadd.s32 $0xFFFFC180  }
0x78: {  	[spmem:s2] =	stream.indirect.scatter.add.f32 [tilespmem:s17], [sflag:$0x3], $0x80, s31, s15, $0xb8;
	[tilespmem:$0x1DD80] =	vst v63  }
0x79: {  	_ =	swait.ge [sflag:s12], $0x3E80  }
0x7a: {  	s24 =	simm.s32 $0x100;
	s25 =	simm.s32 $0x800;
	[sflag:s12] =	ssyncset.done $0x0  }
.LBB2_4:
0x7b: {  	s26 =	sadd.s32 $0x13900, s24  }
0x7c: {  	[sflag:s12] =	ssyncadd.s32 $0xFFFFC180;
	s28 =	smov.u32 s25;
	s29 =	sadd.s32 $0x400, s25  }
0x7d: {  	[tilespmem:s17], [sflag:$0x2] =	stream.indirect.gather [hbm4b:s1+s15], $0x80, s26, s15, $0xb8;
	[tilespmem:$0x1DD80] =	vst v63  }
0x7e: {  	p1 =	sne.s32 s25, $0x4800;
	_ =	swait.ge [sflag:s18], $0x3E80  }
0x7f: {  	[sflag:s18] =	ssyncset.done $0x0  }
0x80: {  	s25 =	sadd.s32 $0x14C80, s24;
	[sflag:s18] =	ssyncadd.s32 $0xFFFFC180  }
0x81: {  	[spmem:s2] =	stream.indirect.scatter.add.f32 [tilespmem:s16], [sflag:$0x3], $0x80, s25, s15, $0xb8;
	[tilespmem:$0x1DD80] =	vst v63  }
0x82: {  	_ =	swait.ge [sflag:s12], $0x3E80  }
0x83: {  	[sflag:s12] =	ssyncset.done $0x0  }
0x84: {  	s25 =	sadd.s32 $0x13980, s24;
	[sflag:s12] =	ssyncadd.s32 $0xFFFFC180  }
0x85: {  	[tilespmem:s16], [sflag:$0x1] =	stream.indirect.gather [hbm4b:s1+s15], $0x80, s25, s15, $0xb8;
	[tilespmem:$0x1DD80] =	vst v63  }
0x86: {  	_ =	swait.ge [sflag:s19], $0x3E80  }
.Ltmp1:
0x87: {  	[sflag:s19] =	ssyncset.done $0x0;
	(pc) =	sbr.rel @p1 .LBB2_4-.Ltmp1, $4  }
0x88: {  	s24 =	sadd.s32 $0x14D00, s24;
	[sflag:s19] =	ssyncadd.s32 $0xFFFFC180  }
0x89: {  	[spmem:s2] =	stream.indirect.scatter.add.f32 [tilespmem:s17], [sflag:$0x3], $0x80, s24, s15, $0xb8;
	[tilespmem:$0x1DD80] =	vst v63  }
0x8a: {  	_ =	swait.ge [sflag:s12], $0x3E80  }
0x8b: {  	s25 =	smov.u32 s29;
	s24 =	sshra.s32 s28, $0x2;
	[sflag:s12] =	ssyncset.done $0x0  }
0x8c: {  	s25 =	sadd.s32 $0x13900, s24;
	[sflag:s12] =	ssyncadd.s32 $0xFFFFC180  }
0x8d: {  	[tilespmem:s17], [sflag:$0x2] =	stream.indirect.gather [hbm4b:s1+s15], $0x80, s25, s15, $0xb8;
	[tilespmem:$0x1DD80] =	vst v63  }
0x8e: {  	_ =	swait.ge [sflag:s18], $0x3E80  }
0x8f: {  	[sflag:s18] =	ssyncset.done $0x0  }
0x90: {  	s29 =	sadd.s32 $0x14C80, s24;
	[sflag:s18] =	ssyncadd.s32 $0xFFFFC180  }
0x91: {  	[spmem:s2] =	stream.indirect.scatter.add.f32 [tilespmem:s16], [sflag:$0x3], $0x80, s29, s15, $0xb8;
	[tilespmem:$0x1DD80] =	vst v63  }
0x92: {  	_ =	swait.ge [sflag:s12], $0x3E80  }
0x93: {  	[sflag:s12] =	ssyncset.done $0x0  }
0x94: {  	s30 =	sadd.s32 $0x13980, s24;
	[sflag:s12] =	ssyncadd.s32 $0xFFFFC180  }
0x95: {  	[tilespmem:s16], [sflag:$0x1] =	stream.indirect.gather [hbm4b:s1+s15], $0x80, s30, s15, $0xb8;
	[tilespmem:$0x1DD80] =	vst v63  }
0x96: {  	_ =	swait.ge [sflag:s19], $0x3E80  }
0x97: {  	[sflag:s19] =	ssyncset.done $0x0  }
0x98: {  	s31 =	sadd.s32 $0x14D00, s24;
	[sflag:s19] =	ssyncadd.s32 $0xFFFFC180  }
0x99: {  	[spmem:s2] =	stream.indirect.scatter.add.f32 [tilespmem:s17], [sflag:$0x3], $0x80, s31, s15, $0xb8;
	[tilespmem:$0x1DD80] =	vst v63  }
0x9a: {  	_ =	swait.ge [sflag:s12], $0x3E80  }
0x9b: {  	[sflag:s12] =	ssyncset.done $0x0  }
0x9c: {  	[sflag:s12] =	ssyncadd.s32 $0xFFFFC180  }
0x9d: {  	[tilespmem:s17], [sflag:$0x2] =	stream.indirect.gather [hbm4b:s1+s15], $0x80, s20, s15, $0xb8;
	[tilespmem:$0x1DD80] =	vst v63  }
0x9e: {  	_ =	swait.ge [sflag:s18], $0x3E80  }
0x9f: {  	[sflag:s18] =	ssyncset.done $0x0  }
0xa0: {  	[sflag:s18] =	ssyncadd.s32 $0xFFFFC180  }
0xa1: {  	[spmem:s2] =	stream.indirect.scatter.add.f32 [tilespmem:s16], [sflag:$0x3], $0x80, s21, s15, $0xb8;
	[tilespmem:$0x1DD80] =	vst v63  }
0xa2: {  	_ =	swait.ge [sflag:s12], $0x3E80  }
0xa3: {  	[sflag:s12] =	ssyncset.done $0x0  }
0xa4: {  	[sflag:s12] =	ssyncadd.s32 $0xFFFFC180  }
0xa5: {  	_ =	swait.ge [sflag:s19], $0x3E80  }
0xa6: {  	[sflag:s19] =	ssyncset.done $0x0  }
0xa7: {  	[sflag:s19] =	ssyncadd.s32 $0xFFFFC180  }
0xa8: {  	[spmem:s2] =	stream.indirect.scatter.add.f32 [tilespmem:s17], [sflag:$0x3], $0x80, s22, s15, $0xb8;
	[tilespmem:$0x1DD80] =	vst v63  }
0xa9: {  	_ =	swait.ge [sflag:s12], $0x3E80  }
0xaa: {  	[sflag:s12] =	ssyncset.done $0x0  }
0xab: {  	s23 =	sadd.s32 $0x1, s23;
	[sflag:s12] =	ssyncadd.s32 $0xFFFFC180  }
0xac: {  	s24 =	simm.s32 @!p0 $0x1C03;
	p1 =	sne.s32 s23, s10;
	[bflag:$0x0] =	sbarrier.arrive $0xFFFF  }
0xad: {  	[hbm:s9], [sflag:s24] =	dma.local @!p0 [spmem:s14], $0x27100  }
.Ltmp2:
0xae: {  	_ = 	snop;
	(pc) =	sbr.rel @p1 .LBB2_1-.Ltmp2, $4  }
0xaf: {  	s24 =	simm.s32 @!p0 $0x3  }
0xb0: {  	_ =	swait.ge @!p0 [sflag:s24], $0x27100  }
0xb1: {  	[sflag:s24] =	ssyncset.done @!p0 $0x0  }
0xb2: {  	[sflag:s24] =	ssyncadd.s32 @!p0 $0xFFFD8F00  }
0xb3: {  	_ =	sfence.sel $0x180000  }
0xb4: {  	[bflag:$0x0] =	sbarrier.arrive $0xFFFF  }
0xb5: {  	_ =	strace $0x90000050  }
0xb6: {  	s0 =	sadd.s32 @!p0 $0x100000, s0;
	[bflag:$0x2] =	sbarrier.arrive $0xFFFF  }
0xb7: {  	[sflag:s0] =	ssyncadd.tile.s32 @!p0 $0x1;
	_ =	shalt  }
.Lfunc_end2:
_tile_overlayer_lowered:
.L_overlay_start_2:
0xb8: {  	(tag) =	ssettag $0x2  }
0xb9: {  	s0 =	rddreg [dreg:$0x0];
	s2 =	stileid.u32  }
0xba: {  	s1 =	rddreg [dreg:$0x1];
	p0 =	sne.s32 s2, $0x0  }
0xbb: {  	s3 =	rddreg [dreg:$0x2];
	[bflag:$0x3] =	sbarrier.arrive $0xFFFF;
	s2 =	simm.s32 @!p0 $0x1C03  }
0xbc: {  	[timem:s3], [sflag:s2] =	dma.local @!p0 [hbm:s0], s1  }
0xbd: {  	s0 =	simm.s32 @!p0 $0x3  }
0xbe: {  	_ =	swait.ge @!p0 [sflag:s0], s1  }
0xbf: {  	s1 =	ssub.s32 @!p0 $0x0, s1;
	[sflag:s0] =	ssyncset.done @!p0 $0x0  }
0xc0: {  	[sflag:s0] =	ssyncadd.s32 @!p0 s1  }
0xc1: {  	[bflag:$0x3] =	sbarrier.arrive $0xFFFF  }
0xc2: {  	_ =	shalt  }

</sc_bundles>
